<compile_context>
chip_gen: v7x
topology: tpu7x:2x2x1
jax: 0.10.2.dev20260603
libtpu: 0.0.44.dev20260713+nightly
codegen_flags: <defaults>
</compile_context>

<pallas_src>
import functools

import jax
import jax.numpy as jnp
from jax import lax
from jax.experimental import pallas as pl
from jax.experimental.pallas import tpu as pltpu
from jax.experimental.pallas import tpu_sc as plsc

N_NODES = 10000
N_EDGES = 320000
N_GRAPHS = 64
CHUNK = 128
NSUB = 16
NCORES = 2
E_PAD = 327680
NCHUNKS = E_PAD // CHUNK
ACC_ROWS = N_NODES + 112
RPS = ACC_ROWS // NSUB
HALF = 64


@functools.lru_cache(maxsize=None)
def _make_seg_sum(edge_split: bool, nbuf: int):
    nchunks_w = NCHUNKS // (NSUB * (2 if edge_split else 1))
    NBUF = nbuf
    assert nchunks_w % NBUF == 0 and nchunks_w // NBUF >= 3
    mesh = plsc.VectorSubcoreMesh(core_axis_name="c", subcore_axis_name="s")

    @functools.partial(
        pl.kernel,
        out_type=jax.ShapeDtypeStruct((NCORES, ACC_ROWS, HALF), jnp.float32),
        mesh=mesh,
        scratch_types=[
            pltpu.VMEM_SHARED((ACC_ROWS, HALF), jnp.float32),
            pltpu.VMEM((nchunks_w, CHUNK), jnp.int32),
            pltpu.VMEM((nchunks_w, CHUNK), jnp.int32),
            [pltpu.VMEM((CHUNK, HALF), jnp.float32)] * NBUF,
            [pltpu.SemaphoreType.DMA] * NBUF,
            [pltpu.SemaphoreType.DMA] * NBUF,
        ],
        compiler_params=pltpu.CompilerParams(use_tc_tiling_on_sc=False),
    )
    def seg_sum(op, src3d, dst2d, zeros, out, acc, src_v, dst_v,
                bufs, gsem, ssem):
        c = lax.axis_index("c")
        s = lax.axis_index("s")
        row_base = pl.multiple_of(s * RPS, 8)
        pltpu.sync_copy(zeros, acc.at[pl.ds(row_base, RPS)])

        if edge_split:
            chunk_base = c * (NCHUNKS // 2) + s * nchunks_w
        else:
            chunk_base = s * nchunks_w
        chunk_base = pl.multiple_of(chunk_base, 8)
        pltpu.sync_copy(src3d.at[c, pl.ds(chunk_base, nchunks_w)], src_v)
        pltpu.sync_copy(dst2d.at[pl.ds(chunk_base, nchunks_w)], dst_v)
        plsc.subcore_barrier()

        n = nchunks_w
        D = NBUF - 1

        def gather(j, b):
            pltpu.async_copy(op.at[src_v.at[j]], bufs[b], gsem[b])

        def wait_gather(j, b):
            pltpu.make_async_copy(op.at[src_v.at[j]], bufs[b],
                                  gsem[b]).wait()

        def scatter(j, b):
            pltpu.async_copy(bufs[b], acc.at[dst_v.at[j]], ssem[b],
                             add=True)

        def wait_scatter(j, b):
            pltpu.make_async_copy(bufs[b], acc.at[dst_v.at[j]],
                                  ssem[b]).wait()

        for b in range(D):
            gather(b, b)
        for b in range(NBUF):
            wait_gather(b, b)
            scatter(b, b)
            if b == 0:
                gather(D, D)
            else:
                wait_scatter(b - 1, (b + D) % NBUF)
                gather(b + D, (b + D) % NBUF)

        def body(p, carry):
            for b in range(NBUF):
                j = NBUF * p + b
                wait_gather(j, b)
                scatter(j, b)
                wait_scatter(j - 1, (b + D) % NBUF)
                gather(j + D, (b + D) % NBUF)
            return carry

        lax.fori_loop(1, n // NBUF - 1, body, 0)

        for b in range(NBUF):
            j = n - NBUF + b
            if b == 0:
                wait_scatter(j - 1, NBUF - 1)
                gather(j + D, NBUF - 1)
            wait_gather(j, b)
            pltpu.sync_copy(bufs[b], acc.at[dst_v.at[j]], add=True)

        plsc.subcore_barrier()
        pltpu.sync_copy(acc.at[pl.ds(row_base, RPS)],
                        out.at[c, pl.ds(row_base, RPS)])

    return seg_sum


def _seg_sum_feat(*args):
    return _make_seg_sum(edge_split=False, nbuf=5)(*args)


def _seg_sum_edge(*args):
    return _make_seg_sum(edge_split=True, nbuf=8)(*args)


def _elu(v):
    return jnp.where(v > 0, v, jnp.exp(jnp.minimum(v, 0.0)) - 1.0)


ROWS_BLK = 1000
N_BLKS = N_NODES // ROWS_BLK


def _mlp1_kernel(x_ref, agg_ref, W1_ref, b1_ref, g_ref, be_ref, mu_ref,
                 var_ref, W2_ref, b2_ref, out_ref):
    x = x_ref[...]
    a = agg_ref[...]
    z0 = x[:, :HALF] + a[0]
    z1 = x[:, HALF:] + a[1]
    W1 = W1_ref[...]
    h = (jnp.dot(z0, W1[:HALF], preferred_element_type=jnp.float32)
         + jnp.dot(z1, W1[HALF:], preferred_element_type=jnp.float32)
         + b1_ref[...])
    scale = g_ref[...] * lax.rsqrt(var_ref[...] + 1e-5)
    h = (h - mu_ref[...]) * scale + be_ref[...]
    h = _elu(h)
    h = jnp.dot(h, W2_ref[...], preferred_element_type=jnp.float32) + b2_ref[...]
    out_ref[...] = _elu(h)


def _mlp2_kernel(h_ref, q_ref, b3d_ref, W3_ref, b3_ref, W4_ref, b4_ref,
                 Wr1_ref, br1_ref, Wr2_ref, br2_ref, Wr3_ref, br3_ref,
                 out_ref, g_acc):
    i = pl.program_id(0)
    h = h_ref[...]
    q = q_ref[...]
    z = h + q[0] + q[1]
    t = _elu(jnp.dot(z, W3_ref[...], preferred_element_type=jnp.float32)
             + b3_ref[...])
    p = _elu(jnp.dot(t, W4_ref[...], preferred_element_type=jnp.float32)
             + b4_ref[...])
    bvals = b3d_ref[0]
    onehot_t = (lax.broadcasted_iota(jnp.int32, (N_GRAPHS, ROWS_BLK), 0)
                == bvals).astype(jnp.float32)
    contrib = jnp.dot(onehot_t, p, preferred_element_type=jnp.float32)

    @pl.when(i == 0)
    def _():
        g_acc[...] = contrib

    @pl.when(i > 0)
    def _():
        g_acc[...] = g_acc[...] + contrib

    @pl.when(i == N_BLKS - 1)
    def _():
        g = g_acc[...]
        r = _elu(jnp.dot(g, Wr1_ref[...], preferred_element_type=jnp.float32)
                 + br1_ref[...])
        r = _elu(jnp.dot(r, Wr2_ref[...], preferred_element_type=jnp.float32)
                 + br2_ref[...])
        out_ref[...] = (jnp.dot(r, Wr3_ref[...],
                                preferred_element_type=jnp.float32)
                        + br3_ref[...])


def _full_spec(shape):
    return pl.BlockSpec(shape, lambda i, _s=shape: tuple(0 for _ in _s))


def _mlp1(x, agg, W1, b1, gamma, beta, mean, var, W2, b2):
    return pl.pallas_call(
        _mlp1_kernel,
        grid=(N_BLKS,),
        in_specs=[
            pl.BlockSpec((ROWS_BLK, 128), lambda i: (i, 0)),
            pl.BlockSpec((NCORES, ROWS_BLK, HALF), lambda i: (0, i, 0)),
            _full_spec((128, HALF)),
            _full_spec((1, HALF)),
            _full_spec((1, HALF)),
            _full_spec((1, HALF)),
            _full_spec((1, HALF)),
            _full_spec((1, HALF)),
            _full_spec((HALF, HALF)),
            _full_spec((1, HALF)),
        ],
        out_specs=pl.BlockSpec((ROWS_BLK, HALF), lambda i: (i, 0)),
        out_shape=jax.ShapeDtypeStruct((N_NODES, HALF), jnp.float32),
    )(x, agg, W1, b1.reshape(1, -1), gamma.reshape(1, -1),
      beta.reshape(1, -1), mean.reshape(1, -1), var.reshape(1, -1), W2,
      b2.reshape(1, -1))


def _mlp2(h, q, batch3d, W3, b3, W4, b4, Wr1, br1, Wr2, br2, Wr3, br3):
    return pl.pallas_call(
        _mlp2_kernel,
        grid=(N_BLKS,),
        in_specs=[
            pl.BlockSpec((ROWS_BLK, HALF), lambda i: (i, 0)),
            pl.BlockSpec((NCORES, ROWS_BLK, HALF), lambda i: (0, i, 0)),
            pl.BlockSpec((1, 1, ROWS_BLK), lambda i: (i, 0, 0)),
            _full_spec((HALF, HALF)),
            _full_spec((1, HALF)),
            _full_spec((HALF, HALF)),
            _full_spec((1, HALF)),
            _full_spec((HALF, HALF)),
            _full_spec((1, HALF)),
            _full_spec((HALF, 32)),
            _full_spec((1, 32)),
            _full_spec((32, 10)),
            _full_spec((1, 10)),
        ],
        out_specs=_full_spec((N_GRAPHS, 10)),
        out_shape=jax.ShapeDtypeStruct((N_GRAPHS, 10), jnp.float32),
        scratch_shapes=[pltpu.VMEM((N_GRAPHS, N_GRAPHS), jnp.float32)],
    )(h, q, batch3d, W3, b3.reshape(1, -1), W4, b4.reshape(1, -1),
      Wr1, br1.reshape(1, -1), Wr2, br2.reshape(1, -1), Wr3,
      br3.reshape(1, -1))


def kernel(x, edge_index, batch, W1, b1, gamma, beta, mean, var, W2, b2,
           W3, b3, W4, b4, Wr1, br1, Wr2, br2, Wr3, br3):
    src, dst = edge_index[0], edge_index[1]
    pad = E_PAD - N_EDGES
    pad_idx = jnp.arange(pad, dtype=jnp.int32)
    src_p = jnp.concatenate([src, (pad_idx * 97) % N_NODES])
    dst_p = jnp.concatenate([dst, N_NODES + (pad_idx % 16)])
    dst2d = dst_p.reshape(NCHUNKS, CHUNK)
    zeros = jnp.zeros((RPS, HALF), jnp.float32)

    x20 = x.reshape(2 * N_NODES, HALF)
    src_l1 = jnp.stack([2 * src_p, 2 * src_p + 1]).reshape(
        NCORES, NCHUNKS, CHUNK)
    agg1 = _seg_sum_feat(x20, src_l1, dst2d, zeros)
    h = _mlp1(x, agg1, W1, b1, gamma, beta, mean, var, W2, b2)
    src_l2 = jnp.stack([src_p, src_p]).reshape(NCORES, NCHUNKS, CHUNK)
    agg2 = _seg_sum_edge(h, src_l2, dst2d, zeros)
    batch3d = batch.reshape(N_BLKS, 1, ROWS_BLK)
    logits = _mlp2(h, agg2, batch3d, W3, b3, W4, b4, Wr1, br1, Wr2, br2,
                   Wr3, br3)
    return (logits, jnp.zeros((), jnp.float32))

# --- scband reference (transcript-rebuilt; emitter-appended) ---
"""Pipeline reference for scband-classification-model-23098334118130 (READ-ONLY COPY).

The authoritative reference and input builder live on the scoring server;
editing this copy changes nothing except your own understanding.
"""

import jax, jax.numpy as jnp
import numpy as np

N = 10000      # nodes
E = 320000     # edges
IN = 128       # in_channels
H = 64         # hidden_channels
OUT = 10       # num classes
G = 64         # number of graphs in the batch


def setup_inputs(seed: int = 0) -> dict:
    key = jax.random.key(seed)
    ks = jax.random.split(key, 32)
    x = jax.random.normal(ks[0], (N, IN), dtype=jnp.float32)
    edge_index = jax.random.randint(ks[1], (2, E), 0, N, dtype=jnp.int32)
    batch = jnp.sort(jax.random.randint(ks[2], (N,), 0, G, dtype=jnp.int32))

    def lin(k, fan_in, fan_out):
        kw, kb = jax.random.split(k)
        bound = 1.0 / np.sqrt(fan_in)
        W = jax.random.uniform(kw, (fan_in, fan_out), minval=-bound, maxval=bound, dtype=jnp.float32)
        b = jax.random.uniform(kb, (fan_out,), minval=-bound, maxval=bound, dtype=jnp.float32)
        return W, b

    # pre GIN MLP: Linear(IN,H) -> BatchNorm(H) -> ELU -> Linear(H,H)
    W1, b1 = lin(ks[3], IN, H)
    gamma = jnp.ones((H,), jnp.float32)
    beta = jnp.zeros((H,), jnp.float32)
    mean = 0.1 * jax.random.normal(ks[4], (H,), dtype=jnp.float32)
    var = jax.random.uniform(ks[5], (H,), minval=0.5, maxval=1.5, dtype=jnp.float32)
    W2, b2 = lin(ks[6], H, H)
    # post GIN MLP: Linear(H,H) -> ELU -> Linear(H,H)   (norm=None)
    W3, b3 = lin(ks[7], H, H)
    W4, b4 = lin(ks[8], H, H)
    # readout MLP: Linear(H,H) -> ELU -> Linear(H,H//2) -> ELU -> Linear(H//2,OUT)
    Wr1, br1 = lin(ks[9], H, H)
    Wr2, br2 = lin(ks[10], H, H // 2)
    Wr3, br3 = lin(ks[11], H // 2, OUT)
    return {
        'x': x, 'edge_index': edge_index, 'batch': batch,
        'W1': W1, 'b1': b1, 'gamma': gamma, 'beta': beta, 'mean': mean, 'var': var,
        'W2': W2, 'b2': b2, 'W3': W3, 'b3': b3, 'W4': W4, 'b4': b4,
        'Wr1': Wr1, 'br1': br1, 'Wr2': Wr2, 'br2': br2, 'Wr3': Wr3, 'br3': br3,
    }


def reference(x, edge_index, batch, W1, b1, gamma, beta, mean, var, W2, b2,
              W3, b3, W4, b4, Wr1, br1, Wr2, br2, Wr3, br3):
    src, dst = edge_index[0], edge_index[1]
    # ---- pre GINConv (eps=0): nn(x_i + sum_j x_j) ----
    agg = jax.ops.segment_sum(x[src], dst, num_segments=N)
    z = x + agg
    h = z @ W1 + b1
    h = (h - mean) / jnp.sqrt(var + 1e-5) * gamma + beta  # BatchNorm (inference)
    h = jax.nn.elu(h)
    h = h @ W2 + b2
    h = jax.nn.elu(h)  # self.act after conv
    # ---- pooler=None: identity pooling; aux_loss = 0 ----
    aux_loss = jnp.zeros((), jnp.float32)
    # ---- post GINConv ----
    agg2 = jax.ops.segment_sum(h[src], dst, num_segments=N)
    z2 = h + agg2
    p = jax.nn.elu(z2 @ W3 + b3)
    p = p @ W4 + b4
    p = jax.nn.elu(p)  # self.act after conv
    # ---- global_add_pool over graphs ----
    g = jax.ops.segment_sum(p, batch, num_segments=G)
    # ---- readout MLP (dropout is identity at inference) ----
    r = jax.nn.elu(g @ Wr1 + br1)
    r = jax.nn.elu(r @ Wr2 + br2)
    logits = r @ Wr3 + br3
    return (logits, aux_loss)

if __name__ == "__main__":
    import jax
    _d = setup_inputs()
    print(jax.jit(kernel)(*tuple(_d.values())))

</pallas_src>

<mosaic_0001>
#map = affine_map<(d0, d1) -> (0, 0)>
#map1 = affine_map<(d0, d1) -> (0, 0, 0)>
module attributes {stable_mosaic.version = 14 : i64} {
  func.func @seg_sum(%arg0: i32, %arg1: i32, %arg2: memref<10000x64xf32, #tpu.memory_space<hbm>>, %arg3: memref<2x2560x128xi32, #tpu.memory_space<hbm>>, %arg4: memref<2560x128xi32, #tpu.memory_space<hbm>>, %arg5: memref<632x64xf32, #tpu.memory_space<hbm>>, %arg6: memref<2x10112x64xf32, #tpu.memory_space<hbm>>, %arg7: memref<10112x64xf32, #tpu.memory_space<vmem_shared>>, %arg8: memref<80x128xi32, #tpu.memory_space<vmem>>, %arg9: memref<80x128xi32, #tpu.memory_space<vmem>>, %arg10: memref<128x64xf32, #tpu.memory_space<vmem>>, %arg11: memref<128x64xf32, #tpu.memory_space<vmem>>, %arg12: memref<128x64xf32, #tpu.memory_space<vmem>>, %arg13: memref<128x64xf32, #tpu.memory_space<vmem>>, %arg14: memref<128x64xf32, #tpu.memory_space<vmem>>, %arg15: memref<128x64xf32, #tpu.memory_space<vmem>>, %arg16: memref<128x64xf32, #tpu.memory_space<vmem>>, %arg17: memref<128x64xf32, #tpu.memory_space<vmem>>, %arg18: memref<!tpu.dma_semaphore, #tpu.memory_space<semaphore_mem>>, %arg19: memref<!tpu.dma_semaphore, #tpu.memory_space<semaphore_mem>>, %arg20: memref<!tpu.dma_semaphore, #tpu.memory_space<semaphore_mem>>, %arg21: memref<!tpu.dma_semaphore, #tpu.memory_space<semaphore_mem>>, %arg22: memref<!tpu.dma_semaphore, #tpu.memory_space<semaphore_mem>>, %arg23: memref<!tpu.dma_semaphore, #tpu.memory_space<semaphore_mem>>, %arg24: memref<!tpu.dma_semaphore, #tpu.memory_space<semaphore_mem>>, %arg25: memref<!tpu.dma_semaphore, #tpu.memory_space<semaphore_mem>>, %arg26: memref<!tpu.dma_semaphore, #tpu.memory_space<semaphore_mem>>, %arg27: memref<!tpu.dma_semaphore, #tpu.memory_space<semaphore_mem>>, %arg28: memref<!tpu.dma_semaphore, #tpu.memory_space<semaphore_mem>>, %arg29: memref<!tpu.dma_semaphore, #tpu.memory_space<semaphore_mem>>, %arg30: memref<!tpu.dma_semaphore, #tpu.memory_space<semaphore_mem>>, %arg31: memref<!tpu.dma_semaphore, #tpu.memory_space<semaphore_mem>>, %arg32: memref<!tpu.dma_semaphore, #tpu.memory_space<semaphore_mem>>, %arg33: memref<!tpu.dma_semaphore, #tpu.memory_space<semaphore_mem>>) attributes {dimension_semantics = [#tpu.dimension_semantics<core_parallel>, #tpu.dimension_semantics<subcore_parallel>], iteration_bounds = array<i64: 2, 16>, scalar_prefetch = 0 : i64, scratch_operands = 27 : i64, tpu.core_type = #tpu.core_type<sc_vector_subcore>, window_params = [{transform_indices = #map}, {transform_indices = #map1}, {transform_indices = #map}, {transform_indices = #map}, {transform_indices = #map1}]} {
    %mul3A = arith.constant 632 : i32
    %mul3A_0 = arith.muli %arg1, %mul3A : i32
    %multiple_of3A = tpu.assume_multiple %mul3A_0, 8 : i32
    "tpu.region"() ({
      %run_scoped3A_353 = tpu.sem_alloc : memref<!tpu.dma_semaphore, #tpu.memory_space<semaphore_mem>>
      %dma_start3A_354 = arith.constant 0 : i32
      %dma_start3A_355 = tpu.memref_slice %arg7[%multiple_of3A, %dma_start3A_354] : memref<10112x64xf32, #tpu.memory_space<vmem_shared>> -> memref<632x64xf32, #tpu.memory_space<vmem_shared>>
      tpu.enqueue_dma source(%arg5 : memref<632x64xf32, #tpu.memory_space<hbm>>) target(%dma_start3A_355 : memref<632x64xf32, #tpu.memory_space<vmem_shared>>) target_semaphore(%run_scoped3A_353 : memref<!tpu.dma_semaphore, #tpu.memory_space<semaphore_mem>>)
      %dma_wait3A_356 = arith.constant 0 : i32
      %dma_wait3A_357 = tpu.memref_slice %arg7[%multiple_of3A, %dma_wait3A_356] : memref<10112x64xf32, #tpu.memory_space<vmem_shared>> -> memref<632x64xf32, #tpu.memory_space<vmem_shared>>
      tpu.wait_dma2 semaphore(%run_scoped3A_353 : memref<!tpu.dma_semaphore, #tpu.memory_space<semaphore_mem>>) src(%arg5 : memref<632x64xf32, #tpu.memory_space<hbm>>) dst(%dma_wait3A_357 : memref<632x64xf32, #tpu.memory_space<vmem_shared>>)
      tpu.yield
    }) : () -> ()
    %mul3A_1 = arith.constant 1280 : i32
    %mul3A_2 = arith.muli %arg0, %mul3A_1 : i32
    %mul3A_3 = arith.constant 80 : i32
    %mul3A_4 = arith.muli %arg1, %mul3A_3 : i32
    %add3A = arith.addi %mul3A_2, %mul3A_4 : i32
    %multiple_of3A_5 = tpu.assume_multiple %add3A, 8 : i32
    "tpu.region"() ({
      %run_scoped3A_353 = tpu.sem_alloc : memref<!tpu.dma_semaphore, #tpu.memory_space<semaphore_mem>>
      %dma_start3A_354 = arith.constant 0 : i32
      %dma_start3A_355 = tpu.memref_slice %arg3[%arg0, %multiple_of3A_5, %dma_start3A_354] : memref<2x2560x128xi32, #tpu.memory_space<hbm>> -> memref<1x80x128xi32, #tpu.memory_space<hbm>>
      %dma_start3A_356 = tpu.memref_squeeze %dma_start3A_355 : memref<1x80x128xi32, #tpu.memory_space<hbm>> -> memref<80x128xi32, #tpu.memory_space<hbm>>
      %dma_start3A_357 = arith.constant 0 : i32
      %dma_start3A_358 = tpu.memref_slice %arg3[%arg0, %multiple_of3A_5, %dma_start3A_357] : memref<2x2560x128xi32, #tpu.memory_space<hbm>> -> memref<1x80x128xi32, #tpu.memory_space<hbm>>
      %dma_start3A_359 = tpu.memref_squeeze %dma_start3A_358 : memref<1x80x128xi32, #tpu.memory_space<hbm>> -> memref<80x128xi32, #tpu.memory_space<hbm>>
      tpu.enqueue_dma source(%dma_start3A_359 : memref<80x128xi32, #tpu.memory_space<hbm>>) target(%arg8 : memref<80x128xi32, #tpu.memory_space<vmem>>) target_semaphore(%run_scoped3A_353 : memref<!tpu.dma_semaphore, #tpu.memory_space<semaphore_mem>>)
      %dma_wait3A_360 = arith.constant 0 : i32
      %dma_wait3A_361 = tpu.memref_slice %arg3[%arg0, %multiple_of3A_5, %dma_wait3A_360] : memref<2x2560x128xi32, #tpu.memory_space<hbm>> -> memref<1x80x128xi32, #tpu.memory_space<hbm>>
      %dma_wait3A_362 = tpu.memref_squeeze %dma_wait3A_361 : memref<1x80x128xi32, #tpu.memory_space<hbm>> -> memref<80x128xi32, #tpu.memory_space<hbm>>
      %dma_wait3A_363 = arith.constant 0 : i32
      %dma_wait3A_364 = tpu.memref_slice %arg3[%arg0, %multiple_of3A_5, %dma_wait3A_363] : memref<2x2560x128xi32, #tpu.memory_space<hbm>> -> memref<1x80x128xi32, #tpu.memory_space<hbm>>
      %dma_wait3A_365 = tpu.memref_squeeze %dma_wait3A_364 : memref<1x80x128xi32, #tpu.memory_space<hbm>> -> memref<80x128xi32, #tpu.memory_space<hbm>>
      tpu.wait_dma2 semaphore(%run_scoped3A_353 : memref<!tpu.dma_semaphore, #tpu.memory_space<semaphore_mem>>) src(%dma_wait3A_365 : memref<80x128xi32, #tpu.memory_space<hbm>>) dst(%arg8 : memref<80x128xi32, #tpu.memory_space<vmem>>)
      tpu.yield
    }) : () -> ()
    "tpu.region"() ({
      %run_scoped3A_353 = tpu.sem_alloc : memref<!tpu.dma_semaphore, #tpu.memory_space<semaphore_mem>>
      %dma_start3A_354 = arith.constant 0 : i32
      %dma_start3A_355 = tpu.memref_slice %arg4[%multiple_of3A_5, %dma_start3A_354] : memref<2560x128xi32, #tpu.memory_space<hbm>> -> memref<80x128xi32, #tpu.memory_space<hbm>>
      %dma_start3A_356 = arith.constant 0 : i32
      %dma_start3A_357 = tpu.memref_slice %arg4[%multiple_of3A_5, %dma_start3A_356] : memref<2560x128xi32, #tpu.memory_space<hbm>> -> memref<80x128xi32, #tpu.memory_space<hbm>>
      tpu.enqueue_dma source(%dma_start3A_357 : memref<80x128xi32, #tpu.memory_space<hbm>>) target(%arg9 : memref<80x128xi32, #tpu.memory_space<vmem>>) target_semaphore(%run_scoped3A_353 : memref<!tpu.dma_semaphore, #tpu.memory_space<semaphore_mem>>)
      %dma_wait3A_358 = arith.constant 0 : i32
      %dma_wait3A_359 = tpu.memref_slice %arg4[%multiple_of3A_5, %dma_wait3A_358] : memref<2560x128xi32, #tpu.memory_space<hbm>> -> memref<80x128xi32, #tpu.memory_space<hbm>>
      %dma_wait3A_360 = arith.constant 0 : i32
      %dma_wait3A_361 = tpu.memref_slice %arg4[%multiple_of3A_5, %dma_wait3A_360] : memref<2560x128xi32, #tpu.memory_space<hbm>> -> memref<80x128xi32, #tpu.memory_space<hbm>>
      tpu.wait_dma2 semaphore(%run_scoped3A_353 : memref<!tpu.dma_semaphore, #tpu.memory_space<semaphore_mem>>) src(%dma_wait3A_361 : memref<80x128xi32, #tpu.memory_space<hbm>>) dst(%arg9 : memref<80x128xi32, #tpu.memory_space<vmem>>)
      tpu.yield
    }) : () -> ()
    %barrier3A = arith.constant 0 : index
    tpu.barrier barrier_id(%barrier3A)
    %dma_start3A = arith.constant 0 : i32
    %dma_start3A_6 = arith.constant 0 : i32
    %dma_start3A_7 = tpu.memref_slice %arg8[%dma_start3A, %dma_start3A_6] : memref<80x128xi32, #tpu.memory_space<vmem>> -> memref<1x128xi32, #tpu.memory_space<vmem>>
    %dma_start3A_8 = tpu.memref_squeeze %dma_start3A_7 : memref<1x128xi32, #tpu.memory_space<vmem>> -> memref<128xi32, #tpu.memory_space<vmem>>
    %dma_start3A_9 = arith.constant 0 : i32
    %dma_start3A_10 = arith.constant 0 : i32
    %dma_start3A_11 = tpu.memref_slice %arg2[%dma_start3A_9, %dma_start3A_10] : memref<10000x64xf32, #tpu.memory_space<hbm>> -> memref<10000x64xf32, #tpu.memory_space<hbm>>
    tpu.enqueue_indirect_dma source(%dma_start3A_11 : memref<10000x64xf32, #tpu.memory_space<hbm>>) target(%arg10 : memref<128x64xf32, #tpu.memory_space<vmem>>) offsets(%dma_start3A_8 : memref<128xi32, #tpu.memory_space<vmem>>) semaphore(%arg18 : memref<!tpu.dma_semaphore, #tpu.memory_space<semaphore_mem>>)
    %dma_start3A_12 = arith.constant 1 : i32
    %dma_start3A_13 = arith.constant 0 : i32
    %dma_start3A_14 = tpu.memref_slice %arg8[%dma_start3A_12, %dma_start3A_13] : memref<80x128xi32, #tpu.memory_space<vmem>> -> memref<1x128xi32, #tpu.memory_space<vmem>>
    %dma_start3A_15 = tpu.memref_squeeze %dma_start3A_14 : memref<1x128xi32, #tpu.memory_space<vmem>> -> memref<128xi32, #tpu.memory_space<vmem>>
    %dma_start3A_16 = arith.constant 0 : i32
    %dma_start3A_17 = arith.constant 0 : i32
    %dma_start3A_18 = tpu.memref_slice %arg2[%dma_start3A_16, %dma_start3A_17] : memref<10000x64xf32, #tpu.memory_space<hbm>> -> memref<10000x64xf32, #tpu.memory_space<hbm>>
    tpu.enqueue_indirect_dma source(%dma_start3A_18 : memref<10000x64xf32, #tpu.memory_space<hbm>>) target(%arg11 : memref<128x64xf32, #tpu.memory_space<vmem>>) offsets(%dma_start3A_15 : memref<128xi32, #tpu.memory_space<vmem>>) semaphore(%arg19 : memref<!tpu.dma_semaphore, #tpu.memory_space<semaphore_mem>>)
    %dma_start3A_19 = arith.constant 2 : i32
    %dma_start3A_20 = arith.constant 0 : i32
    %dma_start3A_21 = tpu.memref_slice %arg8[%dma_start3A_19, %dma_start3A_20] : memref<80x128xi32, #tpu.memory_space<vmem>> -> memref<1x128xi32, #tpu.memory_space<vmem>>
    %dma_start3A_22 = tpu.memref_squeeze %dma_start3A_21 : memref<1x128xi32, #tpu.memory_space<vmem>> -> memref<128xi32, #tpu.memory_space<vmem>>
    %dma_start3A_23 = arith.constant 0 : i32
    %dma_start3A_24 = arith.constant 0 : i32
    %dma_start3A_25 = tpu.memref_slice %arg2[%dma_start3A_23, %dma_start3A_24] : memref<10000x64xf32, #tpu.memory_space<hbm>> -> memref<10000x64xf32, #tpu.memory_space<hbm>>
    tpu.enqueue_indirect_dma source(%dma_start3A_25 : memref<10000x64xf32, #tpu.memory_space<hbm>>) target(%arg12 : memref<128x64xf32, #tpu.memory_space<vmem>>) offsets(%dma_start3A_22 : memref<128xi32, #tpu.memory_space<vmem>>) semaphore(%arg20 : memref<!tpu.dma_semaphore, #tpu.memory_space<semaphore_mem>>)
    %dma_start3A_26 = arith.constant 3 : i32
    %dma_start3A_27 = arith.constant 0 : i32
    %dma_start3A_28 = tpu.memref_slice %arg8[%dma_start3A_26, %dma_start3A_27] : memref<80x128xi32, #tpu.memory_space<vmem>> -> memref<1x128xi32, #tpu.memory_space<vmem>>
    %dma_start3A_29 = tpu.memref_squeeze %dma_start3A_28 : memref<1x128xi32, #tpu.memory_space<vmem>> -> memref<128xi32, #tpu.memory_space<vmem>>
    %dma_start3A_30 = arith.constant 0 : i32
    %dma_start3A_31 = arith.constant 0 : i32
    %dma_start3A_32 = tpu.memref_slice %arg2[%dma_start3A_30, %dma_start3A_31] : memref<10000x64xf32, #tpu.memory_space<hbm>> -> memref<10000x64xf32, #tpu.memory_space<hbm>>
    tpu.enqueue_indirect_dma source(%dma_start3A_32 : memref<10000x64xf32, #tpu.memory_space<hbm>>) target(%arg13 : memref<128x64xf32, #tpu.memory_space<vmem>>) offsets(%dma_start3A_29 : memref<128xi32, #tpu.memory_space<vmem>>) semaphore(%arg21 : memref<!tpu.dma_semaphore, #tpu.memory_space<semaphore_mem>>)
    %dma_start3A_33 = arith.constant 4 : i32
    %dma_start3A_34 = arith.constant 0 : i32
    %dma_start3A_35 = tpu.memref_slice %arg8[%dma_start3A_33, %dma_start3A_34] : memref<80x128xi32, #tpu.memory_space<vmem>> -> memref<1x128xi32, #tpu.memory_space<vmem>>
    %dma_start3A_36 = tpu.memref_squeeze %dma_start3A_35 : memref<1x128xi32, #tpu.memory_space<vmem>> -> memref<128xi32, #tpu.memory_space<vmem>>
    %dma_start3A_37 = arith.constant 0 : i32
    %dma_start3A_38 = arith.constant 0 : i32
    %dma_start3A_39 = tpu.memref_slice %arg2[%dma_start3A_37, %dma_start3A_38] : memref<10000x64xf32, #tpu.memory_space<hbm>> -> memref<10000x64xf32, #tpu.memory_space<hbm>>
    tpu.enqueue_indirect_dma source(%dma_start3A_39 : memref<10000x64xf32, #tpu.memory_space<hbm>>) target(%arg14 : memref<128x64xf32, #tpu.memory_space<vmem>>) offsets(%dma_start3A_36 : memref<128xi32, #tpu.memory_space<vmem>>) semaphore(%arg22 : memref<!tpu.dma_semaphore, #tpu.memory_space<semaphore_mem>>)
    %dma_start3A_40 = arith.constant 5 : i32
    %dma_start3A_41 = arith.constant 0 : i32
    %dma_start3A_42 = tpu.memref_slice %arg8[%dma_start3A_40, %dma_start3A_41] : memref<80x128xi32, #tpu.memory_space<vmem>> -> memref<1x128xi32, #tpu.memory_space<vmem>>
    %dma_start3A_43 = tpu.memref_squeeze %dma_start3A_42 : memref<1x128xi32, #tpu.memory_space<vmem>> -> memref<128xi32, #tpu.memory_space<vmem>>
    %dma_start3A_44 = arith.constant 0 : i32
    %dma_start3A_45 = arith.constant 0 : i32
    %dma_start3A_46 = tpu.memref_slice %arg2[%dma_start3A_44, %dma_start3A_45] : memref<10000x64xf32, #tpu.memory_space<hbm>> -> memref<10000x64xf32, #tpu.memory_space<hbm>>
    tpu.enqueue_indirect_dma source(%dma_start3A_46 : memref<10000x64xf32, #tpu.memory_space<hbm>>) target(%arg15 : memref<128x64xf32, #tpu.memory_space<vmem>>) offsets(%dma_start3A_43 : memref<128xi32, #tpu.memory_space<vmem>>) semaphore(%arg23 : memref<!tpu.dma_semaphore, #tpu.memory_space<semaphore_mem>>)
    %dma_start3A_47 = arith.constant 6 : i32
    %dma_start3A_48 = arith.constant 0 : i32
    %dma_start3A_49 = tpu.memref_slice %arg8[%dma_start3A_47, %dma_start3A_48] : memref<80x128xi32, #tpu.memory_space<vmem>> -> memref<1x128xi32, #tpu.memory_space<vmem>>
    %dma_start3A_50 = tpu.memref_squeeze %dma_start3A_49 : memref<1x128xi32, #tpu.memory_space<vmem>> -> memref<128xi32, #tpu.memory_space<vmem>>
    %dma_start3A_51 = arith.constant 0 : i32
    %dma_start3A_52 = arith.constant 0 : i32
    %dma_start3A_53 = tpu.memref_slice %arg2[%dma_start3A_51, %dma_start3A_52] : memref<10000x64xf32, #tpu.memory_space<hbm>> -> memref<10000x64xf32, #tpu.memory_space<hbm>>
    tpu.enqueue_indirect_dma source(%dma_start3A_53 : memref<10000x64xf32, #tpu.memory_space<hbm>>) target(%arg16 : memref<128x64xf32, #tpu.memory_space<vmem>>) offsets(%dma_start3A_50 : memref<128xi32, #tpu.memory_space<vmem>>) semaphore(%arg24 : memref<!tpu.dma_semaphore, #tpu.memory_space<semaphore_mem>>)
    %dma_wait3A = arith.constant 0 : i32
    %dma_wait3A_54 = arith.constant 0 : i32
    %dma_wait3A_55 = tpu.memref_slice %arg8[%dma_wait3A, %dma_wait3A_54] : memref<80x128xi32, #tpu.memory_space<vmem>> -> memref<1x128xi32, #tpu.memory_space<vmem>>
    %dma_wait3A_56 = tpu.memref_squeeze %dma_wait3A_55 : memref<1x128xi32, #tpu.memory_space<vmem>> -> memref<128xi32, #tpu.memory_space<vmem>>
    %dma_wait3A_57 = arith.constant 0 : i32
    %dma_wait3A_58 = arith.constant 0 : i32
    %dma_wait3A_59 = tpu.memref_slice %arg2[%dma_wait3A_57, %dma_wait3A_58] : memref<10000x64xf32, #tpu.memory_space<hbm>> -> memref<10000x64xf32, #tpu.memory_space<hbm>>
    tpu.wait_indirect_dma semaphore(%arg18 : memref<!tpu.dma_semaphore, #tpu.memory_space<semaphore_mem>>) src(%dma_wait3A_59 : memref<10000x64xf32, #tpu.memory_space<hbm>>) dst(%arg10 : memref<128x64xf32, #tpu.memory_space<vmem>>)
    %dma_start3A_60 = arith.constant 0 : i32
    %dma_start3A_61 = arith.constant 0 : i32
    %dma_start3A_62 = tpu.memref_slice %arg9[%dma_start3A_60, %dma_start3A_61] : memref<80x128xi32, #tpu.memory_space<vmem>> -> memref<1x128xi32, #tpu.memory_space<vmem>>
    %dma_start3A_63 = tpu.memref_squeeze %dma_start3A_62 : memref<1x128xi32, #tpu.memory_space<vmem>> -> memref<128xi32, #tpu.memory_space<vmem>>
    %dma_start3A_64 = arith.constant 0 : i32
    %dma_start3A_65 = arith.constant 0 : i32
    %dma_start3A_66 = tpu.memref_slice %arg7[%dma_start3A_64, %dma_start3A_65] : memref<10112x64xf32, #tpu.memory_space<vmem_shared>> -> memref<10112x64xf32, #tpu.memory_space<vmem_shared>>
    tpu.enqueue_indirect_dma source(%arg10 : memref<128x64xf32, #tpu.memory_space<vmem>>) target(%dma_start3A_66 : memref<10112x64xf32, #tpu.memory_space<vmem_shared>>) offsets(%dma_start3A_63 : memref<128xi32, #tpu.memory_space<vmem>>) semaphore(%arg26 : memref<!tpu.dma_semaphore, #tpu.memory_space<semaphore_mem>>) {add = true}
    %dma_start3A_67 = arith.constant 7 : i32
    %dma_start3A_68 = arith.constant 0 : i32
    %dma_start3A_69 = tpu.memref_slice %arg8[%dma_start3A_67, %dma_start3A_68] : memref<80x128xi32, #tpu.memory_space<vmem>> -> memref<1x128xi32, #tpu.memory_space<vmem>>
    %dma_start3A_70 = tpu.memref_squeeze %dma_start3A_69 : memref<1x128xi32, #tpu.memory_space<vmem>> -> memref<128xi32, #tpu.memory_space<vmem>>
    %dma_start3A_71 = arith.constant 0 : i32
    %dma_start3A_72 = arith.constant 0 : i32
    %dma_start3A_73 = tpu.memref_slice %arg2[%dma_start3A_71, %dma_start3A_72] : memref<10000x64xf32, #tpu.memory_space<hbm>> -> memref<10000x64xf32, #tpu.memory_space<hbm>>
    tpu.enqueue_indirect_dma source(%dma_start3A_73 : memref<10000x64xf32, #tpu.memory_space<hbm>>) target(%arg17 : memref<128x64xf32, #tpu.memory_space<vmem>>) offsets(%dma_start3A_70 : memref<128xi32, #tpu.memory_space<vmem>>) semaphore(%arg25 : memref<!tpu.dma_semaphore, #tpu.memory_space<semaphore_mem>>)
    %dma_wait3A_74 = arith.constant 1 : i32
    %dma_wait3A_75 = arith.constant 0 : i32
    %dma_wait3A_76 = tpu.memref_slice %arg8[%dma_wait3A_74, %dma_wait3A_75] : memref<80x128xi32, #tpu.memory_space<vmem>> -> memref<1x128xi32, #tpu.memory_space<vmem>>
    %dma_wait3A_77 = tpu.memref_squeeze %dma_wait3A_76 : memref<1x128xi32, #tpu.memory_space<vmem>> -> memref<128xi32, #tpu.memory_space<vmem>>
    %dma_wait3A_78 = arith.constant 0 : i32
    %dma_wait3A_79 = arith.constant 0 : i32
    %dma_wait3A_80 = tpu.memref_slice %arg2[%dma_wait3A_78, %dma_wait3A_79] : memref<10000x64xf32, #tpu.memory_space<hbm>> -> memref<10000x64xf32, #tpu.memory_space<hbm>>
    tpu.wait_indirect_dma semaphore(%arg19 : memref<!tpu.dma_semaphore, #tpu.memory_space<semaphore_mem>>) src(%dma_wait3A_80 : memref<10000x64xf32, #tpu.memory_space<hbm>>) dst(%arg11 : memref<128x64xf32, #tpu.memory_space<vmem>>)
    %dma_start3A_81 = arith.constant 1 : i32
    %dma_start3A_82 = arith.constant 0 : i32
    %dma_start3A_83 = tpu.memref_slice %arg9[%dma_start3A_81, %dma_start3A_82] : memref<80x128xi32, #tpu.memory_space<vmem>> -> memref<1x128xi32, #tpu.memory_space<vmem>>
    %dma_start3A_84 = tpu.memref_squeeze %dma_start3A_83 : memref<1x128xi32, #tpu.memory_space<vmem>> -> memref<128xi32, #tpu.memory_space<vmem>>
    %dma_start3A_85 = arith.constant 0 : i32
    %dma_start3A_86 = arith.constant 0 : i32
    %dma_start3A_87 = tpu.memref_slice %arg7[%dma_start3A_85, %dma_start3A_86] : memref<10112x64xf32, #tpu.memory_space<vmem_shared>> -> memref<10112x64xf32, #tpu.memory_space<vmem_shared>>
    tpu.enqueue_indirect_dma source(%arg11 : memref<128x64xf32, #tpu.memory_space<vmem>>) target(%dma_start3A_87 : memref<10112x64xf32, #tpu.memory_space<vmem_shared>>) offsets(%dma_start3A_84 : memref<128xi32, #tpu.memory_space<vmem>>) semaphore(%arg27 : memref<!tpu.dma_semaphore, #tpu.memory_space<semaphore_mem>>) {add = true}
    %dma_wait3A_88 = arith.constant 0 : i32
    %dma_wait3A_89 = arith.constant 0 : i32
    %dma_wait3A_90 = tpu.memref_slice %arg9[%dma_wait3A_88, %dma_wait3A_89] : memref<80x128xi32, #tpu.memory_space<vmem>> -> memref<1x128xi32, #tpu.memory_space<vmem>>
    %dma_wait3A_91 = tpu.memref_squeeze %dma_wait3A_90 : memref<1x128xi32, #tpu.memory_space<vmem>> -> memref<128xi32, #tpu.memory_space<vmem>>
    %dma_wait3A_92 = arith.constant 0 : i32
    %dma_wait3A_93 = arith.constant 0 : i32
    %dma_wait3A_94 = tpu.memref_slice %arg7[%dma_wait3A_92, %dma_wait3A_93] : memref<10112x64xf32, #tpu.memory_space<vmem_shared>> -> memref<10112x64xf32, #tpu.memory_space<vmem_shared>>
    tpu.wait_indirect_dma semaphore(%arg26 : memref<!tpu.dma_semaphore, #tpu.memory_space<semaphore_mem>>) src(%arg10 : memref<128x64xf32, #tpu.memory_space<vmem>>) dst(%dma_wait3A_94 : memref<10112x64xf32, #tpu.memory_space<vmem_shared>>)
    %dma_start3A_95 = arith.constant 8 : i32
    %dma_start3A_96 = arith.constant 0 : i32
    %dma_start3A_97 = tpu.memref_slice %arg8[%dma_start3A_95, %dma_start3A_96] : memref<80x128xi32, #tpu.memory_space<vmem>> -> memref<1x128xi32, #tpu.memory_space<vmem>>
    %dma_start3A_98 = tpu.memref_squeeze %dma_start3A_97 : memref<1x128xi32, #tpu.memory_space<vmem>> -> memref<128xi32, #tpu.memory_space<vmem>>
    %dma_start3A_99 = arith.constant 0 : i32
    %dma_start3A_100 = arith.constant 0 : i32
    %dma_start3A_101 = tpu.memref_slice %arg2[%dma_start3A_99, %dma_start3A_100] : memref<10000x64xf32, #tpu.memory_space<hbm>> -> memref<10000x64xf32, #tpu.memory_space<hbm>>
    tpu.enqueue_indirect_dma source(%dma_start3A_101 : memref<10000x64xf32, #tpu.memory_space<hbm>>) target(%arg10 : memref<128x64xf32, #tpu.memory_space<vmem>>) offsets(%dma_start3A_98 : memref<128xi32, #tpu.memory_space<vmem>>) semaphore(%arg18 : memref<!tpu.dma_semaphore, #tpu.memory_space<semaphore_mem>>)
    %dma_wait3A_102 = arith.constant 2 : i32
    %dma_wait3A_103 = arith.constant 0 : i32
    %dma_wait3A_104 = tpu.memref_slice %arg8[%dma_wait3A_102, %dma_wait3A_103] : memref<80x128xi32, #tpu.memory_space<vmem>> -> memref<1x128xi32, #tpu.memory_space<vmem>>
    %dma_wait3A_105 = tpu.memref_squeeze %dma_wait3A_104 : memref<1x128xi32, #tpu.memory_space<vmem>> -> memref<128xi32, #tpu.memory_space<vmem>>
    %dma_wait3A_106 = arith.constant 0 : i32
    %dma_wait3A_107 = arith.constant 0 : i32
    %dma_wait3A_108 = tpu.memref_slice %arg2[%dma_wait3A_106, %dma_wait3A_107] : memref<10000x64xf32, #tpu.memory_space<hbm>> -> memref<10000x64xf32, #tpu.memory_space<hbm>>
    tpu.wait_indirect_dma semaphore(%arg20 : memref<!tpu.dma_semaphore, #tpu.memory_space<semaphore_mem>>) src(%dma_wait3A_108 : memref<10000x64xf32, #tpu.memory_space<hbm>>) dst(%arg12 : memref<128x64xf32, #tpu.memory_space<vmem>>)
    %dma_start3A_109 = arith.constant 2 : i32
    %dma_start3A_110 = arith.constant 0 : i32
    %dma_start3A_111 = tpu.memref_slice %arg9[%dma_start3A_109, %dma_start3A_110] : memref<80x128xi32, #tpu.memory_space<vmem>> -> memref<1x128xi32, #tpu.memory_space<vmem>>
    %dma_start3A_112 = tpu.memref_squeeze %dma_start3A_111 : memref<1x128xi32, #tpu.memory_space<vmem>> -> memref<128xi32, #tpu.memory_space<vmem>>
    %dma_start3A_113 = arith.constant 0 : i32
    %dma_start3A_114 = arith.constant 0 : i32
    %dma_start3A_115 = tpu.memref_slice %arg7[%dma_start3A_113, %dma_start3A_114] : memref<10112x64xf32, #tpu.memory_space<vmem_shared>> -> memref<10112x64xf32, #tpu.memory_space<vmem_shared>>
    tpu.enqueue_indirect_dma source(%arg12 : memref<128x64xf32, #tpu.memory_space<vmem>>) target(%dma_start3A_115 : memref<10112x64xf32, #tpu.memory_space<vmem_shared>>) offsets(%dma_start3A_112 : memref<128xi32, #tpu.memory_space<vmem>>) semaphore(%arg28 : memref<!tpu.dma_semaphore, #tpu.memory_space<semaphore_mem>>) {add = true}
    %dma_wait3A_116 = arith.constant 1 : i32
    %dma_wait3A_117 = arith.constant 0 : i32
    %dma_wait3A_118 = tpu.memref_slice %arg9[%dma_wait3A_116, %dma_wait3A_117] : memref<80x128xi32, #tpu.memory_space<vmem>> -> memref<1x128xi32, #tpu.memory_space<vmem>>
    %dma_wait3A_119 = tpu.memref_squeeze %dma_wait3A_118 : memref<1x128xi32, #tpu.memory_space<vmem>> -> memref<128xi32, #tpu.memory_space<vmem>>
    %dma_wait3A_120 = arith.constant 0 : i32
    %dma_wait3A_121 = arith.constant 0 : i32
    %dma_wait3A_122 = tpu.memref_slice %arg7[%dma_wait3A_120, %dma_wait3A_121] : memref<10112x64xf32, #tpu.memory_space<vmem_shared>> -> memref<10112x64xf32, #tpu.memory_space<vmem_shared>>
    tpu.wait_indirect_dma semaphore(%arg27 : memref<!tpu.dma_semaphore, #tpu.memory_space<semaphore_mem>>) src(%arg11 : memref<128x64xf32, #tpu.memory_space<vmem>>) dst(%dma_wait3A_122 : memref<10112x64xf32, #tpu.memory_space<vmem_shared>>)
    %dma_start3A_123 = arith.constant 9 : i32
    %dma_start3A_124 = arith.constant 0 : i32
    %dma_start3A_125 = tpu.memref_slice %arg8[%dma_start3A_123, %dma_start3A_124] : memref<80x128xi32, #tpu.memory_space<vmem>> -> memref<1x128xi32, #tpu.memory_space<vmem>>
    %dma_start3A_126 = tpu.memref_squeeze %dma_start3A_125 : memref<1x128xi32, #tpu.memory_space<vmem>> -> memref<128xi32, #tpu.memory_space<vmem>>
    %dma_start3A_127 = arith.constant 0 : i32
    %dma_start3A_128 = arith.constant 0 : i32
    %dma_start3A_129 = tpu.memref_slice %arg2[%dma_start3A_127, %dma_start3A_128] : memref<10000x64xf32, #tpu.memory_space<hbm>> -> memref<10000x64xf32, #tpu.memory_space<hbm>>
    tpu.enqueue_indirect_dma source(%dma_start3A_129 : memref<10000x64xf32, #tpu.memory_space<hbm>>) target(%arg11 : memref<128x64xf32, #tpu.memory_space<vmem>>) offsets(%dma_start3A_126 : memref<128xi32, #tpu.memory_space<vmem>>) semaphore(%arg19 : memref<!tpu.dma_semaphore, #tpu.memory_space<semaphore_mem>>)
    %dma_wait3A_130 = arith.constant 3 : i32
    %dma_wait3A_131 = arith.constant 0 : i32
    %dma_wait3A_132 = tpu.memref_slice %arg8[%dma_wait3A_130, %dma_wait3A_131] : memref<80x128xi32, #tpu.memory_space<vmem>> -> memref<1x128xi32, #tpu.memory_space<vmem>>
    %dma_wait3A_133 = tpu.memref_squeeze %dma_wait3A_132 : memref<1x128xi32, #tpu.memory_space<vmem>> -> memref<128xi32, #tpu.memory_space<vmem>>
    %dma_wait3A_134 = arith.constant 0 : i32
    %dma_wait3A_135 = arith.constant 0 : i32
    %dma_wait3A_136 = tpu.memref_slice %arg2[%dma_wait3A_134, %dma_wait3A_135] : memref<10000x64xf32, #tpu.memory_space<hbm>> -> memref<10000x64xf32, #tpu.memory_space<hbm>>
    tpu.wait_indirect_dma semaphore(%arg21 : memref<!tpu.dma_semaphore, #tpu.memory_space<semaphore_mem>>) src(%dma_wait3A_136 : memref<10000x64xf32, #tpu.memory_space<hbm>>) dst(%arg13 : memref<128x64xf32, #tpu.memory_space<vmem>>)
    %dma_start3A_137 = arith.constant 3 : i32
    %dma_start3A_138 = arith.constant 0 : i32
    %dma_start3A_139 = tpu.memref_slice %arg9[%dma_start3A_137, %dma_start3A_138] : memref<80x128xi32, #tpu.memory_space<vmem>> -> memref<1x128xi32, #tpu.memory_space<vmem>>
    %dma_start3A_140 = tpu.memref_squeeze %dma_start3A_139 : memref<1x128xi32, #tpu.memory_space<vmem>> -> memref<128xi32, #tpu.memory_space<vmem>>
    %dma_start3A_141 = arith.constant 0 : i32
    %dma_start3A_142 = arith.constant 0 : i32
    %dma_start3A_143 = tpu.memref_slice %arg7[%dma_start3A_141, %dma_start3A_142] : memref<10112x64xf32, #tpu.memory_space<vmem_shared>> -> memref<10112x64xf32, #tpu.memory_space<vmem_shared>>
    tpu.enqueue_indirect_dma source(%arg13 : memref<128x64xf32, #tpu.memory_space<vmem>>) target(%dma_start3A_143 : memref<10112x64xf32, #tpu.memory_space<vmem_shared>>) offsets(%dma_start3A_140 : memref<128xi32, #tpu.memory_space<vmem>>) semaphore(%arg29 : memref<!tpu.dma_semaphore, #tpu.memory_space<semaphore_mem>>) {add = true}
    %dma_wait3A_144 = arith.constant 2 : i32
    %dma_wait3A_145 = arith.constant 0 : i32
    %dma_wait3A_146 = tpu.memref_slice %arg9[%dma_wait3A_144, %dma_wait3A_145] : memref<80x128xi32, #tpu.memory_space<vmem>> -> memref<1x128xi32, #tpu.memory_space<vmem>>
    %dma_wait3A_147 = tpu.memref_squeeze %dma_wait3A_146 : memref<1x128xi32, #tpu.memory_space<vmem>> -> memref<128xi32, #tpu.memory_space<vmem>>
    %dma_wait3A_148 = arith.constant 0 : i32
    %dma_wait3A_149 = arith.constant 0 : i32
    %dma_wait3A_150 = tpu.memref_slice %arg7[%dma_wait3A_148, %dma_wait3A_149] : memref<10112x64xf32, #tpu.memory_space<vmem_shared>> -> memref<10112x64xf32, #tpu.memory_space<vmem_shared>>
    tpu.wait_indirect_dma semaphore(%arg28 : memref<!tpu.dma_semaphore, #tpu.memory_space<semaphore_mem>>) src(%arg12 : memref<128x64xf32, #tpu.memory_space<vmem>>) dst(%dma_wait3A_150 : memref<10112x64xf32, #tpu.memory_space<vmem_shared>>)
    %dma_start3A_151 = arith.constant 10 : i32
    %dma_start3A_152 = arith.constant 0 : i32
    %dma_start3A_153 = tpu.memref_slice %arg8[%dma_start3A_151, %dma_start3A_152] : memref<80x128xi32, #tpu.memory_space<vmem>> -> memref<1x128xi32, #tpu.memory_space<vmem>>
    %dma_start3A_154 = tpu.memref_squeeze %dma_start3A_153 : memref<1x128xi32, #tpu.memory_space<vmem>> -> memref<128xi32, #tpu.memory_space<vmem>>
    %dma_start3A_155 = arith.constant 0 : i32
    %dma_start3A_156 = arith.constant 0 : i32
    %dma_start3A_157 = tpu.memref_slice %arg2[%dma_start3A_155, %dma_start3A_156] : memref<10000x64xf32, #tpu.memory_space<hbm>> -> memref<10000x64xf32, #tpu.memory_space<hbm>>
    tpu.enqueue_indirect_dma source(%dma_start3A_157 : memref<10000x64xf32, #tpu.memory_space<hbm>>) target(%arg12 : memref<128x64xf32, #tpu.memory_space<vmem>>) offsets(%dma_start3A_154 : memref<128xi32, #tpu.memory_space<vmem>>) semaphore(%arg20 : memref<!tpu.dma_semaphore, #tpu.memory_space<semaphore_mem>>)
    %dma_wait3A_158 = arith.constant 4 : i32
    %dma_wait3A_159 = arith.constant 0 : i32
    %dma_wait3A_160 = tpu.memref_slice %arg8[%dma_wait3A_158, %dma_wait3A_159] : memref<80x128xi32, #tpu.memory_space<vmem>> -> memref<1x128xi32, #tpu.memory_space<vmem>>
    %dma_wait3A_161 = tpu.memref_squeeze %dma_wait3A_160 : memref<1x128xi32, #tpu.memory_space<vmem>> -> memref<128xi32, #tpu.memory_space<vmem>>
    %dma_wait3A_162 = arith.constant 0 : i32
    %dma_wait3A_163 = arith.constant 0 : i32
    %dma_wait3A_164 = tpu.memref_slice %arg2[%dma_wait3A_162, %dma_wait3A_163] : memref<10000x64xf32, #tpu.memory_space<hbm>> -> memref<10000x64xf32, #tpu.memory_space<hbm>>
    tpu.wait_indirect_dma semaphore(%arg22 : memref<!tpu.dma_semaphore, #tpu.memory_space<semaphore_mem>>) src(%dma_wait3A_164 : memref<10000x64xf32, #tpu.memory_space<hbm>>) dst(%arg14 : memref<128x64xf32, #tpu.memory_space<vmem>>)
    %dma_start3A_165 = arith.constant 4 : i32
    %dma_start3A_166 = arith.constant 0 : i32
    %dma_start3A_167 = tpu.memref_slice %arg9[%dma_start3A_165, %dma_start3A_166] : memref<80x128xi32, #tpu.memory_space<vmem>> -> memref<1x128xi32, #tpu.memory_space<vmem>>
    %dma_start3A_168 = tpu.memref_squeeze %dma_start3A_167 : memref<1x128xi32, #tpu.memory_space<vmem>> -> memref<128xi32, #tpu.memory_space<vmem>>
    %dma_start3A_169 = arith.constant 0 : i32
    %dma_start3A_170 = arith.constant 0 : i32
    %dma_start3A_171 = tpu.memref_slice %arg7[%dma_start3A_169, %dma_start3A_170] : memref<10112x64xf32, #tpu.memory_space<vmem_shared>> -> memref<10112x64xf32, #tpu.memory_space<vmem_shared>>
    tpu.enqueue_indirect_dma source(%arg14 : memref<128x64xf32, #tpu.memory_space<vmem>>) target(%dma_start3A_171 : memref<10112x64xf32, #tpu.memory_space<vmem_shared>>) offsets(%dma_start3A_168 : memref<128xi32, #tpu.memory_space<vmem>>) semaphore(%arg30 : memref<!tpu.dma_semaphore, #tpu.memory_space<semaphore_mem>>) {add = true}
    %dma_wait3A_172 = arith.constant 3 : i32
    %dma_wait3A_173 = arith.constant 0 : i32
    %dma_wait3A_174 = tpu.memref_slice %arg9[%dma_wait3A_172, %dma_wait3A_173] : memref<80x128xi32, #tpu.memory_space<vmem>> -> memref<1x128xi32, #tpu.memory_space<vmem>>
    %dma_wait3A_175 = tpu.memref_squeeze %dma_wait3A_174 : memref<1x128xi32, #tpu.memory_space<vmem>> -> memref<128xi32, #tpu.memory_space<vmem>>
    %dma_wait3A_176 = arith.constant 0 : i32
    %dma_wait3A_177 = arith.constant 0 : i32
    %dma_wait3A_178 = tpu.memref_slice %arg7[%dma_wait3A_176, %dma_wait3A_177] : memref<10112x64xf32, #tpu.memory_space<vmem_shared>> -> memref<10112x64xf32, #tpu.memory_space<vmem_shared>>
    tpu.wait_indirect_dma semaphore(%arg29 : memref<!tpu.dma_semaphore, #tpu.memory_space<semaphore_mem>>) src(%arg13 : memref<128x64xf32, #tpu.memory_space<vmem>>) dst(%dma_wait3A_178 : memref<10112x64xf32, #tpu.memory_space<vmem_shared>>)
    %dma_start3A_179 = arith.constant 11 : i32
    %dma_start3A_180 = arith.constant 0 : i32
    %dma_start3A_181 = tpu.memref_slice %arg8[%dma_start3A_179, %dma_start3A_180] : memref<80x128xi32, #tpu.memory_space<vmem>> -> memref<1x128xi32, #tpu.memory_space<vmem>>
    %dma_start3A_182 = tpu.memref_squeeze %dma_start3A_181 : memref<1x128xi32, #tpu.memory_space<vmem>> -> memref<128xi32, #tpu.memory_space<vmem>>
    %dma_start3A_183 = arith.constant 0 : i32
    %dma_start3A_184 = arith.constant 0 : i32
    %dma_start3A_185 = tpu.memref_slice %arg2[%dma_start3A_183, %dma_start3A_184] : memref<10000x64xf32, #tpu.memory_space<hbm>> -> memref<10000x64xf32, #tpu.memory_space<hbm>>
    tpu.enqueue_indirect_dma source(%dma_start3A_185 : memref<10000x64xf32, #tpu.memory_space<hbm>>) target(%arg13 : memref<128x64xf32, #tpu.memory_space<vmem>>) offsets(%dma_start3A_182 : memref<128xi32, #tpu.memory_space<vmem>>) semaphore(%arg21 : memref<!tpu.dma_semaphore, #tpu.memory_space<semaphore_mem>>)
    %dma_wait3A_186 = arith.constant 5 : i32
    %dma_wait3A_187 = arith.constant 0 : i32
    %dma_wait3A_188 = tpu.memref_slice %arg8[%dma_wait3A_186, %dma_wait3A_187] : memref<80x128xi32, #tpu.memory_space<vmem>> -> memref<1x128xi32, #tpu.memory_space<vmem>>
    %dma_wait3A_189 = tpu.memref_squeeze %dma_wait3A_188 : memref<1x128xi32, #tpu.memory_space<vmem>> -> memref<128xi32, #tpu.memory_space<vmem>>
    %dma_wait3A_190 = arith.constant 0 : i32
    %dma_wait3A_191 = arith.constant 0 : i32
    %dma_wait3A_192 = tpu.memref_slice %arg2[%dma_wait3A_190, %dma_wait3A_191] : memref<10000x64xf32, #tpu.memory_space<hbm>> -> memref<10000x64xf32, #tpu.memory_space<hbm>>
    tpu.wait_indirect_dma semaphore(%arg23 : memref<!tpu.dma_semaphore, #tpu.memory_space<semaphore_mem>>) src(%dma_wait3A_192 : memref<10000x64xf32, #tpu.memory_space<hbm>>) dst(%arg15 : memref<128x64xf32, #tpu.memory_space<vmem>>)
    %dma_start3A_193 = arith.constant 5 : i32
    %dma_start3A_194 = arith.constant 0 : i32
    %dma_start3A_195 = tpu.memref_slice %arg9[%dma_start3A_193, %dma_start3A_194] : memref<80x128xi32, #tpu.memory_space<vmem>> -> memref<1x128xi32, #tpu.memory_space<vmem>>
    %dma_start3A_196 = tpu.memref_squeeze %dma_start3A_195 : memref<1x128xi32, #tpu.memory_space<vmem>> -> memref<128xi32, #tpu.memory_space<vmem>>
    %dma_start3A_197 = arith.constant 0 : i32
    %dma_start3A_198 = arith.constant 0 : i32
    %dma_start3A_199 = tpu.memref_slice %arg7[%dma_start3A_197, %dma_start3A_198] : memref<10112x64xf32, #tpu.memory_space<vmem_shared>> -> memref<10112x64xf32, #tpu.memory_space<vmem_shared>>
    tpu.enqueue_indirect_dma source(%arg15 : memref<128x64xf32, #tpu.memory_space<vmem>>) target(%dma_start3A_199 : memref<10112x64xf32, #tpu.memory_space<vmem_shared>>) offsets(%dma_start3A_196 : memref<128xi32, #tpu.memory_space<vmem>>) semaphore(%arg31 : memref<!tpu.dma_semaphore, #tpu.memory_space<semaphore_mem>>) {add = true}
    %dma_wait3A_200 = arith.constant 4 : i32
    %dma_wait3A_201 = arith.constant 0 : i32
    %dma_wait3A_202 = tpu.memref_slice %arg9[%dma_wait3A_200, %dma_wait3A_201] : memref<80x128xi32, #tpu.memory_space<vmem>> -> memref<1x128xi32, #tpu.memory_space<vmem>>
    %dma_wait3A_203 = tpu.memref_squeeze %dma_wait3A_202 : memref<1x128xi32, #tpu.memory_space<vmem>> -> memref<128xi32, #tpu.memory_space<vmem>>
    %dma_wait3A_204 = arith.constant 0 : i32
    %dma_wait3A_205 = arith.constant 0 : i32
    %dma_wait3A_206 = tpu.memref_slice %arg7[%dma_wait3A_204, %dma_wait3A_205] : memref<10112x64xf32, #tpu.memory_space<vmem_shared>> -> memref<10112x64xf32, #tpu.memory_space<vmem_shared>>
    tpu.wait_indirect_dma semaphore(%arg30 : memref<!tpu.dma_semaphore, #tpu.memory_space<semaphore_mem>>) src(%arg14 : memref<128x64xf32, #tpu.memory_space<vmem>>) dst(%dma_wait3A_206 : memref<10112x64xf32, #tpu.memory_space<vmem_shared>>)
    %dma_start3A_207 = arith.constant 12 : i32
    %dma_start3A_208 = arith.constant 0 : i32
    %dma_start3A_209 = tpu.memref_slice %arg8[%dma_start3A_207, %dma_start3A_208] : memref<80x128xi32, #tpu.memory_space<vmem>> -> memref<1x128xi32, #tpu.memory_space<vmem>>
    %dma_start3A_210 = tpu.memref_squeeze %dma_start3A_209 : memref<1x128xi32, #tpu.memory_space<vmem>> -> memref<128xi32, #tpu.memory_space<vmem>>
    %dma_start3A_211 = arith.constant 0 : i32
    %dma_start3A_212 = arith.constant 0 : i32
    %dma_start3A_213 = tpu.memref_slice %arg2[%dma_start3A_211, %dma_start3A_212] : memref<10000x64xf32, #tpu.memory_space<hbm>> -> memref<10000x64xf32, #tpu.memory_space<hbm>>
    tpu.enqueue_indirect_dma source(%dma_start3A_213 : memref<10000x64xf32, #tpu.memory_space<hbm>>) target(%arg14 : memref<128x64xf32, #tpu.memory_space<vmem>>) offsets(%dma_start3A_210 : memref<128xi32, #tpu.memory_space<vmem>>) semaphore(%arg22 : memref<!tpu.dma_semaphore, #tpu.memory_space<semaphore_mem>>)
    %dma_wait3A_214 = arith.constant 6 : i32
    %dma_wait3A_215 = arith.constant 0 : i32
    %dma_wait3A_216 = tpu.memref_slice %arg8[%dma_wait3A_214, %dma_wait3A_215] : memref<80x128xi32, #tpu.memory_space<vmem>> -> memref<1x128xi32, #tpu.memory_space<vmem>>
    %dma_wait3A_217 = tpu.memref_squeeze %dma_wait3A_216 : memref<1x128xi32, #tpu.memory_space<vmem>> -> memref<128xi32, #tpu.memory_space<vmem>>
    %dma_wait3A_218 = arith.constant 0 : i32
    %dma_wait3A_219 = arith.constant 0 : i32
    %dma_wait3A_220 = tpu.memref_slice %arg2[%dma_wait3A_218, %dma_wait3A_219] : memref<10000x64xf32, #tpu.memory_space<hbm>> -> memref<10000x64xf32, #tpu.memory_space<hbm>>
    tpu.wait_indirect_dma semaphore(%arg24 : memref<!tpu.dma_semaphore, #tpu.memory_space<semaphore_mem>>) src(%dma_wait3A_220 : memref<10000x64xf32, #tpu.memory_space<hbm>>) dst(%arg16 : memref<128x64xf32, #tpu.memory_space<vmem>>)
    %dma_start3A_221 = arith.constant 6 : i32
    %dma_start3A_222 = arith.constant 0 : i32
    %dma_start3A_223 = tpu.memref_slice %arg9[%dma_start3A_221, %dma_start3A_222] : memref<80x128xi32, #tpu.memory_space<vmem>> -> memref<1x128xi32, #tpu.memory_space<vmem>>
    %dma_start3A_224 = tpu.memref_squeeze %dma_start3A_223 : memref<1x128xi32, #tpu.memory_space<vmem>> -> memref<128xi32, #tpu.memory_space<vmem>>
    %dma_start3A_225 = arith.constant 0 : i32
    %dma_start3A_226 = arith.constant 0 : i32
    %dma_start3A_227 = tpu.memref_slice %arg7[%dma_start3A_225, %dma_start3A_226] : memref<10112x64xf32, #tpu.memory_space<vmem_shared>> -> memref<10112x64xf32, #tpu.memory_space<vmem_shared>>
    tpu.enqueue_indirect_dma source(%arg16 : memref<128x64xf32, #tpu.memory_space<vmem>>) target(%dma_start3A_227 : memref<10112x64xf32, #tpu.memory_space<vmem_shared>>) offsets(%dma_start3A_224 : memref<128xi32, #tpu.memory_space<vmem>>) semaphore(%arg32 : memref<!tpu.dma_semaphore, #tpu.memory_space<semaphore_mem>>) {add = true}
    %dma_wait3A_228 = arith.constant 5 : i32
    %dma_wait3A_229 = arith.constant 0 : i32
    %dma_wait3A_230 = tpu.memref_slice %arg9[%dma_wait3A_228, %dma_wait3A_229] : memref<80x128xi32, #tpu.memory_space<vmem>> -> memref<1x128xi32, #tpu.memory_space<vmem>>
    %dma_wait3A_231 = tpu.memref_squeeze %dma_wait3A_230 : memref<1x128xi32, #tpu.memory_space<vmem>> -> memref<128xi32, #tpu.memory_space<vmem>>
    %dma_wait3A_232 = arith.constant 0 : i32
    %dma_wait3A_233 = arith.constant 0 : i32
    %dma_wait3A_234 = tpu.memref_slice %arg7[%dma_wait3A_232, %dma_wait3A_233] : memref<10112x64xf32, #tpu.memory_space<vmem_shared>> -> memref<10112x64xf32, #tpu.memory_space<vmem_shared>>
    tpu.wait_indirect_dma semaphore(%arg31 : memref<!tpu.dma_semaphore, #tpu.memory_space<semaphore_mem>>) src(%arg15 : memref<128x64xf32, #tpu.memory_space<vmem>>) dst(%dma_wait3A_234 : memref<10112x64xf32, #tpu.memory_space<vmem_shared>>)
    %dma_start3A_235 = arith.constant 13 : i32
    %dma_start3A_236 = arith.constant 0 : i32
    %dma_start3A_237 = tpu.memref_slice %arg8[%dma_start3A_235, %dma_start3A_236] : memref<80x128xi32, #tpu.memory_space<vmem>> -> memref<1x128xi32, #tpu.memory_space<vmem>>
    %dma_start3A_238 = tpu.memref_squeeze %dma_start3A_237 : memref<1x128xi32, #tpu.memory_space<vmem>> -> memref<128xi32, #tpu.memory_space<vmem>>
    %dma_start3A_239 = arith.constant 0 : i32
    %dma_start3A_240 = arith.constant 0 : i32
    %dma_start3A_241 = tpu.memref_slice %arg2[%dma_start3A_239, %dma_start3A_240] : memref<10000x64xf32, #tpu.memory_space<hbm>> -> memref<10000x64xf32, #tpu.memory_space<hbm>>
    tpu.enqueue_indirect_dma source(%dma_start3A_241 : memref<10000x64xf32, #tpu.memory_space<hbm>>) target(%arg15 : memref<128x64xf32, #tpu.memory_space<vmem>>) offsets(%dma_start3A_238 : memref<128xi32, #tpu.memory_space<vmem>>) semaphore(%arg23 : memref<!tpu.dma_semaphore, #tpu.memory_space<semaphore_mem>>)
    %dma_wait3A_242 = arith.constant 7 : i32
    %dma_wait3A_243 = arith.constant 0 : i32
    %dma_wait3A_244 = tpu.memref_slice %arg8[%dma_wait3A_242, %dma_wait3A_243] : memref<80x128xi32, #tpu.memory_space<vmem>> -> memref<1x128xi32, #tpu.memory_space<vmem>>
    %dma_wait3A_245 = tpu.memref_squeeze %dma_wait3A_244 : memref<1x128xi32, #tpu.memory_space<vmem>> -> memref<128xi32, #tpu.memory_space<vmem>>
    %dma_wait3A_246 = arith.constant 0 : i32
    %dma_wait3A_247 = arith.constant 0 : i32
    %dma_wait3A_248 = tpu.memref_slice %arg2[%dma_wait3A_246, %dma_wait3A_247] : memref<10000x64xf32, #tpu.memory_space<hbm>> -> memref<10000x64xf32, #tpu.memory_space<hbm>>
    tpu.wait_indirect_dma semaphore(%arg25 : memref<!tpu.dma_semaphore, #tpu.memory_space<semaphore_mem>>) src(%dma_wait3A_248 : memref<10000x64xf32, #tpu.memory_space<hbm>>) dst(%arg17 : memref<128x64xf32, #tpu.memory_space<vmem>>)
    %dma_start3A_249 = arith.constant 7 : i32
    %dma_start3A_250 = arith.constant 0 : i32
    %dma_start3A_251 = tpu.memref_slice %arg9[%dma_start3A_249, %dma_start3A_250] : memref<80x128xi32, #tpu.memory_space<vmem>> -> memref<1x128xi32, #tpu.memory_space<vmem>>
    %dma_start3A_252 = tpu.memref_squeeze %dma_start3A_251 : memref<1x128xi32, #tpu.memory_space<vmem>> -> memref<128xi32, #tpu.memory_space<vmem>>
    %dma_start3A_253 = arith.constant 0 : i32
    %dma_start3A_254 = arith.constant 0 : i32
    %dma_start3A_255 = tpu.memref_slice %arg7[%dma_start3A_253, %dma_start3A_254] : memref<10112x64xf32, #tpu.memory_space<vmem_shared>> -> memref<10112x64xf32, #tpu.memory_space<vmem_shared>>
    tpu.enqueue_indirect_dma source(%arg17 : memref<128x64xf32, #tpu.memory_space<vmem>>) target(%dma_start3A_255 : memref<10112x64xf32, #tpu.memory_space<vmem_shared>>) offsets(%dma_start3A_252 : memref<128xi32, #tpu.memory_space<vmem>>) semaphore(%arg33 : memref<!tpu.dma_semaphore, #tpu.memory_space<semaphore_mem>>) {add = true}
    %dma_wait3A_256 = arith.constant 6 : i32
    %dma_wait3A_257 = arith.constant 0 : i32
    %dma_wait3A_258 = tpu.memref_slice %arg9[%dma_wait3A_256, %dma_wait3A_257] : memref<80x128xi32, #tpu.memory_space<vmem>> -> memref<1x128xi32, #tpu.memory_space<vmem>>
    %dma_wait3A_259 = tpu.memref_squeeze %dma_wait3A_258 : memref<1x128xi32, #tpu.memory_space<vmem>> -> memref<128xi32, #tpu.memory_space<vmem>>
    %dma_wait3A_260 = arith.constant 0 : i32
    %dma_wait3A_261 = arith.constant 0 : i32
    %dma_wait3A_262 = tpu.memref_slice %arg7[%dma_wait3A_260, %dma_wait3A_261] : memref<10112x64xf32, #tpu.memory_space<vmem_shared>> -> memref<10112x64xf32, #tpu.memory_space<vmem_shared>>
    tpu.wait_indirect_dma semaphore(%arg32 : memref<!tpu.dma_semaphore, #tpu.memory_space<semaphore_mem>>) src(%arg16 : memref<128x64xf32, #tpu.memory_space<vmem>>) dst(%dma_wait3A_262 : memref<10112x64xf32, #tpu.memory_space<vmem_shared>>)
    %dma_start3A_263 = arith.constant 14 : i32
    %dma_start3A_264 = arith.constant 0 : i32
    %dma_start3A_265 = tpu.memref_slice %arg8[%dma_start3A_263, %dma_start3A_264] : memref<80x128xi32, #tpu.memory_space<vmem>> -> memref<1x128xi32, #tpu.memory_space<vmem>>
    %dma_start3A_266 = tpu.memref_squeeze %dma_start3A_265 : memref<1x128xi32, #tpu.memory_space<vmem>> -> memref<128xi32, #tpu.memory_space<vmem>>
    %dma_start3A_267 = arith.constant 0 : i32
    %dma_start3A_268 = arith.constant 0 : i32
    %dma_start3A_269 = tpu.memref_slice %arg2[%dma_start3A_267, %dma_start3A_268] : memref<10000x64xf32, #tpu.memory_space<hbm>> -> memref<10000x64xf32, #tpu.memory_space<hbm>>
    tpu.enqueue_indirect_dma source(%dma_start3A_269 : memref<10000x64xf32, #tpu.memory_space<hbm>>) target(%arg16 : memref<128x64xf32, #tpu.memory_space<vmem>>) offsets(%dma_start3A_266 : memref<128xi32, #tpu.memory_space<vmem>>) semaphore(%arg24 : memref<!tpu.dma_semaphore, #tpu.memory_space<semaphore_mem>>)
    %scan3A = arith.constant 0 : i32
    %scan3A_270 = arith.constant 1 : i32
    %scan3A_271 = arith.constant 8 : i32
    %scan3A_272 = arith.addi %scan3A_270, %scan3A_271 : i32
    %scan3A_273 = arith.constant 1 : i32
    scf.for %scan3A_353 = %scan3A_270 to %scan3A_272 step %scan3A_273  : i32 {
      %mul3A_354 = arith.constant 8 : i32
      %mul3A_355 = arith.muli %mul3A_354, %scan3A_353 : i32
      %add3A_356 = arith.constant 0 : i32
      %add3A_357 = arith.addi %mul3A_355, %add3A_356 : i32
      %dma_wait3A_358 = arith.constant 0 : i32
      %dma_wait3A_359 = tpu.memref_slice %arg8[%add3A_357, %dma_wait3A_358] : memref<80x128xi32, #tpu.memory_space<vmem>> -> memref<1x128xi32, #tpu.memory_space<vmem>>
      %dma_wait3A_360 = tpu.memref_squeeze %dma_wait3A_359 : memref<1x128xi32, #tpu.memory_space<vmem>> -> memref<128xi32, #tpu.memory_space<vmem>>
      %dma_wait3A_361 = arith.constant 0 : i32
      %dma_wait3A_362 = arith.constant 0 : i32
      %dma_wait3A_363 = tpu.memref_slice %arg2[%dma_wait3A_361, %dma_wait3A_362] : memref<10000x64xf32, #tpu.memory_space<hbm>> -> memref<10000x64xf32, #tpu.memory_space<hbm>>
      tpu.wait_indirect_dma semaphore(%arg18 : memref<!tpu.dma_semaphore, #tpu.memory_space<semaphore_mem>>) src(%dma_wait3A_363 : memref<10000x64xf32, #tpu.memory_space<hbm>>) dst(%arg10 : memref<128x64xf32, #tpu.memory_space<vmem>>)
      %dma_start3A_364 = arith.constant 0 : i32
      %dma_start3A_365 = tpu.memref_slice %arg9[%add3A_357, %dma_start3A_364] : memref<80x128xi32, #tpu.memory_space<vmem>> -> memref<1x128xi32, #tpu.memory_space<vmem>>
      %dma_start3A_366 = tpu.memref_squeeze %dma_start3A_365 : memref<1x128xi32, #tpu.memory_space<vmem>> -> memref<128xi32, #tpu.memory_space<vmem>>
      %dma_start3A_367 = arith.constant 0 : i32
      %dma_start3A_368 = arith.constant 0 : i32
      %dma_start3A_369 = tpu.memref_slice %arg7[%dma_start3A_367, %dma_start3A_368] : memref<10112x64xf32, #tpu.memory_space<vmem_shared>> -> memref<10112x64xf32, #tpu.memory_space<vmem_shared>>
      tpu.enqueue_indirect_dma source(%arg10 : memref<128x64xf32, #tpu.memory_space<vmem>>) target(%dma_start3A_369 : memref<10112x64xf32, #tpu.memory_space<vmem_shared>>) offsets(%dma_start3A_366 : memref<128xi32, #tpu.memory_space<vmem>>) semaphore(%arg26 : memref<!tpu.dma_semaphore, #tpu.memory_space<semaphore_mem>>) {add = true}
      %sub3A = arith.constant 1 : i32
      %sub3A_370 = arith.subi %add3A_357, %sub3A : i32
      %dma_wait3A_371 = arith.constant 0 : i32
      %dma_wait3A_372 = tpu.memref_slice %arg9[%sub3A_370, %dma_wait3A_371] : memref<80x128xi32, #tpu.memory_space<vmem>> -> memref<1x128xi32, #tpu.memory_space<vmem>>
      %dma_wait3A_373 = tpu.memref_squeeze %dma_wait3A_372 : memref<1x128xi32, #tpu.memory_space<vmem>> -> memref<128xi32, #tpu.memory_space<vmem>>
      %dma_wait3A_374 = arith.constant 0 : i32
      %dma_wait3A_375 = arith.constant 0 : i32
      %dma_wait3A_376 = tpu.memref_slice %arg7[%dma_wait3A_374, %dma_wait3A_375] : memref<10112x64xf32, #tpu.memory_space<vmem_shared>> -> memref<10112x64xf32, #tpu.memory_space<vmem_shared>>
      tpu.wait_indirect_dma semaphore(%arg33 : memref<!tpu.dma_semaphore, #tpu.memory_space<semaphore_mem>>) src(%arg17 : memref<128x64xf32, #tpu.memory_space<vmem>>) dst(%dma_wait3A_376 : memref<10112x64xf32, #tpu.memory_space<vmem_shared>>)
      %add3A_377 = arith.constant 7 : i32
      %add3A_378 = arith.addi %add3A_357, %add3A_377 : i32
      %dma_start3A_379 = arith.constant 0 : i32
      %dma_start3A_380 = tpu.memref_slice %arg8[%add3A_378, %dma_start3A_379] : memref<80x128xi32, #tpu.memory_space<vmem>> -> memref<1x128xi32, #tpu.memory_space<vmem>>
      %dma_start3A_381 = tpu.memref_squeeze %dma_start3A_380 : memref<1x128xi32, #tpu.memory_space<vmem>> -> memref<128xi32, #tpu.memory_space<vmem>>
      %dma_start3A_382 = arith.constant 0 : i32
      %dma_start3A_383 = arith.constant 0 : i32
      %dma_start3A_384 = tpu.memref_slice %arg2[%dma_start3A_382, %dma_start3A_383] : memref<10000x64xf32, #tpu.memory_space<hbm>> -> memref<10000x64xf32, #tpu.memory_space<hbm>>
      tpu.enqueue_indirect_dma source(%dma_start3A_384 : memref<10000x64xf32, #tpu.memory_space<hbm>>) target(%arg17 : memref<128x64xf32, #tpu.memory_space<vmem>>) offsets(%dma_start3A_381 : memref<128xi32, #tpu.memory_space<vmem>>) semaphore(%arg25 : memref<!tpu.dma_semaphore, #tpu.memory_space<semaphore_mem>>)
      %mul3A_385 = arith.constant 8 : i32
      %mul3A_386 = arith.muli %mul3A_385, %scan3A_353 : i32
      %add3A_387 = arith.constant 1 : i32
      %add3A_388 = arith.addi %mul3A_386, %add3A_387 : i32
      %dma_wait3A_389 = arith.constant 0 : i32
      %dma_wait3A_390 = tpu.memref_slice %arg8[%add3A_388, %dma_wait3A_389] : memref<80x128xi32, #tpu.memory_space<vmem>> -> memref<1x128xi32, #tpu.memory_space<vmem>>
      %dma_wait3A_391 = tpu.memref_squeeze %dma_wait3A_390 : memref<1x128xi32, #tpu.memory_space<vmem>> -> memref<128xi32, #tpu.memory_space<vmem>>
      %dma_wait3A_392 = arith.constant 0 : i32
      %dma_wait3A_393 = arith.constant 0 : i32
      %dma_wait3A_394 = tpu.memref_slice %arg2[%dma_wait3A_392, %dma_wait3A_393] : memref<10000x64xf32, #tpu.memory_space<hbm>> -> memref<10000x64xf32, #tpu.memory_space<hbm>>
      tpu.wait_indirect_dma semaphore(%arg19 : memref<!tpu.dma_semaphore, #tpu.memory_space<semaphore_mem>>) src(%dma_wait3A_394 : memref<10000x64xf32, #tpu.memory_space<hbm>>) dst(%arg11 : memref<128x64xf32, #tpu.memory_space<vmem>>)
      %dma_start3A_395 = arith.constant 0 : i32
      %dma_start3A_396 = tpu.memref_slice %arg9[%add3A_388, %dma_start3A_395] : memref<80x128xi32, #tpu.memory_space<vmem>> -> memref<1x128xi32, #tpu.memory_space<vmem>>
      %dma_start3A_397 = tpu.memref_squeeze %dma_start3A_396 : memref<1x128xi32, #tpu.memory_space<vmem>> -> memref<128xi32, #tpu.memory_space<vmem>>
      %dma_start3A_398 = arith.constant 0 : i32
      %dma_start3A_399 = arith.constant 0 : i32
      %dma_start3A_400 = tpu.memref_slice %arg7[%dma_start3A_398, %dma_start3A_399] : memref<10112x64xf32, #tpu.memory_space<vmem_shared>> -> memref<10112x64xf32, #tpu.memory_space<vmem_shared>>
      tpu.enqueue_indirect_dma source(%arg11 : memref<128x64xf32, #tpu.memory_space<vmem>>) target(%dma_start3A_400 : memref<10112x64xf32, #tpu.memory_space<vmem_shared>>) offsets(%dma_start3A_397 : memref<128xi32, #tpu.memory_space<vmem>>) semaphore(%arg27 : memref<!tpu.dma_semaphore, #tpu.memory_space<semaphore_mem>>) {add = true}
      %sub3A_401 = arith.constant 1 : i32
      %sub3A_402 = arith.subi %add3A_388, %sub3A_401 : i32
      %dma_wait3A_403 = arith.constant 0 : i32
      %dma_wait3A_404 = tpu.memref_slice %arg9[%sub3A_402, %dma_wait3A_403] : memref<80x128xi32, #tpu.memory_space<vmem>> -> memref<1x128xi32, #tpu.memory_space<vmem>>
      %dma_wait3A_405 = tpu.memref_squeeze %dma_wait3A_404 : memref<1x128xi32, #tpu.memory_space<vmem>> -> memref<128xi32, #tpu.memory_space<vmem>>
      %dma_wait3A_406 = arith.constant 0 : i32
      %dma_wait3A_407 = arith.constant 0 : i32
      %dma_wait3A_408 = tpu.memref_slice %arg7[%dma_wait3A_406, %dma_wait3A_407] : memref<10112x64xf32, #tpu.memory_space<vmem_shared>> -> memref<10112x64xf32, #tpu.memory_space<vmem_shared>>
      tpu.wait_indirect_dma semaphore(%arg26 : memref<!tpu.dma_semaphore, #tpu.memory_space<semaphore_mem>>) src(%arg10 : memref<128x64xf32, #tpu.memory_space<vmem>>) dst(%dma_wait3A_408 : memref<10112x64xf32, #tpu.memory_space<vmem_shared>>)
      %add3A_409 = arith.constant 7 : i32
      %add3A_410 = arith.addi %add3A_388, %add3A_409 : i32
      %dma_start3A_411 = arith.constant 0 : i32
      %dma_start3A_412 = tpu.memref_slice %arg8[%add3A_410, %dma_start3A_411] : memref<80x128xi32, #tpu.memory_space<vmem>> -> memref<1x128xi32, #tpu.memory_space<vmem>>
      %dma_start3A_413 = tpu.memref_squeeze %dma_start3A_412 : memref<1x128xi32, #tpu.memory_space<vmem>> -> memref<128xi32, #tpu.memory_space<vmem>>
      %dma_start3A_414 = arith.constant 0 : i32
      %dma_start3A_415 = arith.constant 0 : i32
      %dma_start3A_416 = tpu.memref_slice %arg2[%dma_start3A_414, %dma_start3A_415] : memref<10000x64xf32, #tpu.memory_space<hbm>> -> memref<10000x64xf32, #tpu.memory_space<hbm>>
      tpu.enqueue_indirect_dma source(%dma_start3A_416 : memref<10000x64xf32, #tpu.memory_space<hbm>>) target(%arg10 : memref<128x64xf32, #tpu.memory_space<vmem>>) offsets(%dma_start3A_413 : memref<128xi32, #tpu.memory_space<vmem>>) semaphore(%arg18 : memref<!tpu.dma_semaphore, #tpu.memory_space<semaphore_mem>>)
      %mul3A_417 = arith.constant 8 : i32
      %mul3A_418 = arith.muli %mul3A_417, %scan3A_353 : i32
      %add3A_419 = arith.constant 2 : i32
      %add3A_420 = arith.addi %mul3A_418, %add3A_419 : i32
      %dma_wait3A_421 = arith.constant 0 : i32
      %dma_wait3A_422 = tpu.memref_slice %arg8[%add3A_420, %dma_wait3A_421] : memref<80x128xi32, #tpu.memory_space<vmem>> -> memref<1x128xi32, #tpu.memory_space<vmem>>
      %dma_wait3A_423 = tpu.memref_squeeze %dma_wait3A_422 : memref<1x128xi32, #tpu.memory_space<vmem>> -> memref<128xi32, #tpu.memory_space<vmem>>
      %dma_wait3A_424 = arith.constant 0 : i32
      %dma_wait3A_425 = arith.constant 0 : i32
      %dma_wait3A_426 = tpu.memref_slice %arg2[%dma_wait3A_424, %dma_wait3A_425] : memref<10000x64xf32, #tpu.memory_space<hbm>> -> memref<10000x64xf32, #tpu.memory_space<hbm>>
      tpu.wait_indirect_dma semaphore(%arg20 : memref<!tpu.dma_semaphore, #tpu.memory_space<semaphore_mem>>) src(%dma_wait3A_426 : memref<10000x64xf32, #tpu.memory_space<hbm>>) dst(%arg12 : memref<128x64xf32, #tpu.memory_space<vmem>>)
      %dma_start3A_427 = arith.constant 0 : i32
      %dma_start3A_428 = tpu.memref_slice %arg9[%add3A_420, %dma_start3A_427] : memref<80x128xi32, #tpu.memory_space<vmem>> -> memref<1x128xi32, #tpu.memory_space<vmem>>
      %dma_start3A_429 = tpu.memref_squeeze %dma_start3A_428 : memref<1x128xi32, #tpu.memory_space<vmem>> -> memref<128xi32, #tpu.memory_space<vmem>>
      %dma_start3A_430 = arith.constant 0 : i32
      %dma_start3A_431 = arith.constant 0 : i32
      %dma_start3A_432 = tpu.memref_slice %arg7[%dma_start3A_430, %dma_start3A_431] : memref<10112x64xf32, #tpu.memory_space<vmem_shared>> -> memref<10112x64xf32, #tpu.memory_space<vmem_shared>>
      tpu.enqueue_indirect_dma source(%arg12 : memref<128x64xf32, #tpu.memory_space<vmem>>) target(%dma_start3A_432 : memref<10112x64xf32, #tpu.memory_space<vmem_shared>>) offsets(%dma_start3A_429 : memref<128xi32, #tpu.memory_space<vmem>>) semaphore(%arg28 : memref<!tpu.dma_semaphore, #tpu.memory_space<semaphore_mem>>) {add = true}
      %sub3A_433 = arith.constant 1 : i32
      %sub3A_434 = arith.subi %add3A_420, %sub3A_433 : i32
      %dma_wait3A_435 = arith.constant 0 : i32
      %dma_wait3A_436 = tpu.memref_slice %arg9[%sub3A_434, %dma_wait3A_435] : memref<80x128xi32, #tpu.memory_space<vmem>> -> memref<1x128xi32, #tpu.memory_space<vmem>>
      %dma_wait3A_437 = tpu.memref_squeeze %dma_wait3A_436 : memref<1x128xi32, #tpu.memory_space<vmem>> -> memref<128xi32, #tpu.memory_space<vmem>>
      %dma_wait3A_438 = arith.constant 0 : i32
      %dma_wait3A_439 = arith.constant 0 : i32
      %dma_wait3A_440 = tpu.memref_slice %arg7[%dma_wait3A_438, %dma_wait3A_439] : memref<10112x64xf32, #tpu.memory_space<vmem_shared>> -> memref<10112x64xf32, #tpu.memory_space<vmem_shared>>
      tpu.wait_indirect_dma semaphore(%arg27 : memref<!tpu.dma_semaphore, #tpu.memory_space<semaphore_mem>>) src(%arg11 : memref<128x64xf32, #tpu.memory_space<vmem>>) dst(%dma_wait3A_440 : memref<10112x64xf32, #tpu.memory_space<vmem_shared>>)
      %add3A_441 = arith.constant 7 : i32
      %add3A_442 = arith.addi %add3A_420, %add3A_441 : i32
      %dma_start3A_443 = arith.constant 0 : i32
      %dma_start3A_444 = tpu.memref_slice %arg8[%add3A_442, %dma_start3A_443] : memref<80x128xi32, #tpu.memory_space<vmem>> -> memref<1x128xi32, #tpu.memory_space<vmem>>
      %dma_start3A_445 = tpu.memref_squeeze %dma_start3A_444 : memref<1x128xi32, #tpu.memory_space<vmem>> -> memref<128xi32, #tpu.memory_space<vmem>>
      %dma_start3A_446 = arith.constant 0 : i32
      %dma_start3A_447 = arith.constant 0 : i32
      %dma_start3A_448 = tpu.memref_slice %arg2[%dma_start3A_446, %dma_start3A_447] : memref<10000x64xf32, #tpu.memory_space<hbm>> -> memref<10000x64xf32, #tpu.memory_space<hbm>>
      tpu.enqueue_indirect_dma source(%dma_start3A_448 : memref<10000x64xf32, #tpu.memory_space<hbm>>) target(%arg11 : memref<128x64xf32, #tpu.memory_space<vmem>>) offsets(%dma_start3A_445 : memref<128xi32, #tpu.memory_space<vmem>>) semaphore(%arg19 : memref<!tpu.dma_semaphore, #tpu.memory_space<semaphore_mem>>)
      %mul3A_449 = arith.constant 8 : i32
      %mul3A_450 = arith.muli %mul3A_449, %scan3A_353 : i32
      %add3A_451 = arith.constant 3 : i32
      %add3A_452 = arith.addi %mul3A_450, %add3A_451 : i32
      %dma_wait3A_453 = arith.constant 0 : i32
      %dma_wait3A_454 = tpu.memref_slice %arg8[%add3A_452, %dma_wait3A_453] : memref<80x128xi32, #tpu.memory_space<vmem>> -> memref<1x128xi32, #tpu.memory_space<vmem>>
      %dma_wait3A_455 = tpu.memref_squeeze %dma_wait3A_454 : memref<1x128xi32, #tpu.memory_space<vmem>> -> memref<128xi32, #tpu.memory_space<vmem>>
      %dma_wait3A_456 = arith.constant 0 : i32
      %dma_wait3A_457 = arith.constant 0 : i32
      %dma_wait3A_458 = tpu.memref_slice %arg2[%dma_wait3A_456, %dma_wait3A_457] : memref<10000x64xf32, #tpu.memory_space<hbm>> -> memref<10000x64xf32, #tpu.memory_space<hbm>>
      tpu.wait_indirect_dma semaphore(%arg21 : memref<!tpu.dma_semaphore, #tpu.memory_space<semaphore_mem>>) src(%dma_wait3A_458 : memref<10000x64xf32, #tpu.memory_space<hbm>>) dst(%arg13 : memref<128x64xf32, #tpu.memory_space<vmem>>)
      %dma_start3A_459 = arith.constant 0 : i32
      %dma_start3A_460 = tpu.memref_slice %arg9[%add3A_452, %dma_start3A_459] : memref<80x128xi32, #tpu.memory_space<vmem>> -> memref<1x128xi32, #tpu.memory_space<vmem>>
      %dma_start3A_461 = tpu.memref_squeeze %dma_start3A_460 : memref<1x128xi32, #tpu.memory_space<vmem>> -> memref<128xi32, #tpu.memory_space<vmem>>
      %dma_start3A_462 = arith.constant 0 : i32
      %dma_start3A_463 = arith.constant 0 : i32
      %dma_start3A_464 = tpu.memref_slice %arg7[%dma_start3A_462, %dma_start3A_463] : memref<10112x64xf32, #tpu.memory_space<vmem_shared>> -> memref<10112x64xf32, #tpu.memory_space<vmem_shared>>
      tpu.enqueue_indirect_dma source(%arg13 : memref<128x64xf32, #tpu.memory_space<vmem>>) target(%dma_start3A_464 : memref<10112x64xf32, #tpu.memory_space<vmem_shared>>) offsets(%dma_start3A_461 : memref<128xi32, #tpu.memory_space<vmem>>) semaphore(%arg29 : memref<!tpu.dma_semaphore, #tpu.memory_space<semaphore_mem>>) {add = true}
      %sub3A_465 = arith.constant 1 : i32
      %sub3A_466 = arith.subi %add3A_452, %sub3A_465 : i32
      %dma_wait3A_467 = arith.constant 0 : i32
      %dma_wait3A_468 = tpu.memref_slice %arg9[%sub3A_466, %dma_wait3A_467] : memref<80x128xi32, #tpu.memory_space<vmem>> -> memref<1x128xi32, #tpu.memory_space<vmem>>
      %dma_wait3A_469 = tpu.memref_squeeze %dma_wait3A_468 : memref<1x128xi32, #tpu.memory_space<vmem>> -> memref<128xi32, #tpu.memory_space<vmem>>
      %dma_wait3A_470 = arith.constant 0 : i32
      %dma_wait3A_471 = arith.constant 0 : i32
      %dma_wait3A_472 = tpu.memref_slice %arg7[%dma_wait3A_470, %dma_wait3A_471] : memref<10112x64xf32, #tpu.memory_space<vmem_shared>> -> memref<10112x64xf32, #tpu.memory_space<vmem_shared>>
      tpu.wait_indirect_dma semaphore(%arg28 : memref<!tpu.dma_semaphore, #tpu.memory_space<semaphore_mem>>) src(%arg12 : memref<128x64xf32, #tpu.memory_space<vmem>>) dst(%dma_wait3A_472 : memref<10112x64xf32, #tpu.memory_space<vmem_shared>>)
      %add3A_473 = arith.constant 7 : i32
      %add3A_474 = arith.addi %add3A_452, %add3A_473 : i32
      %dma_start3A_475 = arith.constant 0 : i32
      %dma_start3A_476 = tpu.memref_slice %arg8[%add3A_474, %dma_start3A_475] : memref<80x128xi32, #tpu.memory_space<vmem>> -> memref<1x128xi32, #tpu.memory_space<vmem>>
      %dma_start3A_477 = tpu.memref_squeeze %dma_start3A_476 : memref<1x128xi32, #tpu.memory_space<vmem>> -> memref<128xi32, #tpu.memory_space<vmem>>
      %dma_start3A_478 = arith.constant 0 : i32
      %dma_start3A_479 = arith.constant 0 : i32
      %dma_start3A_480 = tpu.memref_slice %arg2[%dma_start3A_478, %dma_start3A_479] : memref<10000x64xf32, #tpu.memory_space<hbm>> -> memref<10000x64xf32, #tpu.memory_space<hbm>>
      tpu.enqueue_indirect_dma source(%dma_start3A_480 : memref<10000x64xf32, #tpu.memory_space<hbm>>) target(%arg12 : memref<128x64xf32, #tpu.memory_space<vmem>>) offsets(%dma_start3A_477 : memref<128xi32, #tpu.memory_space<vmem>>) semaphore(%arg20 : memref<!tpu.dma_semaphore, #tpu.memory_space<semaphore_mem>>)
      %mul3A_481 = arith.constant 8 : i32
      %mul3A_482 = arith.muli %mul3A_481, %scan3A_353 : i32
      %add3A_483 = arith.constant 4 : i32
      %add3A_484 = arith.addi %mul3A_482, %add3A_483 : i32
      %dma_wait3A_485 = arith.constant 0 : i32
      %dma_wait3A_486 = tpu.memref_slice %arg8[%add3A_484, %dma_wait3A_485] : memref<80x128xi32, #tpu.memory_space<vmem>> -> memref<1x128xi32, #tpu.memory_space<vmem>>
      %dma_wait3A_487 = tpu.memref_squeeze %dma_wait3A_486 : memref<1x128xi32, #tpu.memory_space<vmem>> -> memref<128xi32, #tpu.memory_space<vmem>>
      %dma_wait3A_488 = arith.constant 0 : i32
      %dma_wait3A_489 = arith.constant 0 : i32
      %dma_wait3A_490 = tpu.memref_slice %arg2[%dma_wait3A_488, %dma_wait3A_489] : memref<10000x64xf32, #tpu.memory_space<hbm>> -> memref<10000x64xf32, #tpu.memory_space<hbm>>
      tpu.wait_indirect_dma semaphore(%arg22 : memref<!tpu.dma_semaphore, #tpu.memory_space<semaphore_mem>>) src(%dma_wait3A_490 : memref<10000x64xf32, #tpu.memory_space<hbm>>) dst(%arg14 : memref<128x64xf32, #tpu.memory_space<vmem>>)
      %dma_start3A_491 = arith.constant 0 : i32
      %dma_start3A_492 = tpu.memref_slice %arg9[%add3A_484, %dma_start3A_491] : memref<80x128xi32, #tpu.memory_space<vmem>> -> memref<1x128xi32, #tpu.memory_space<vmem>>
      %dma_start3A_493 = tpu.memref_squeeze %dma_start3A_492 : memref<1x128xi32, #tpu.memory_space<vmem>> -> memref<128xi32, #tpu.memory_space<vmem>>
      %dma_start3A_494 = arith.constant 0 : i32
      %dma_start3A_495 = arith.constant 0 : i32
      %dma_start3A_496 = tpu.memref_slice %arg7[%dma_start3A_494, %dma_start3A_495] : memref<10112x64xf32, #tpu.memory_space<vmem_shared>> -> memref<10112x64xf32, #tpu.memory_space<vmem_shared>>
      tpu.enqueue_indirect_dma source(%arg14 : memref<128x64xf32, #tpu.memory_space<vmem>>) target(%dma_start3A_496 : memref<10112x64xf32, #tpu.memory_space<vmem_shared>>) offsets(%dma_start3A_493 : memref<128xi32, #tpu.memory_space<vmem>>) semaphore(%arg30 : memref<!tpu.dma_semaphore, #tpu.memory_space<semaphore_mem>>) {add = true}
      %sub3A_497 = arith.constant 1 : i32
      %sub3A_498 = arith.subi %add3A_484, %sub3A_497 : i32
      %dma_wait3A_499 = arith.constant 0 : i32
      %dma_wait3A_500 = tpu.memref_slice %arg9[%sub3A_498, %dma_wait3A_499] : memref<80x128xi32, #tpu.memory_space<vmem>> -> memref<1x128xi32, #tpu.memory_space<vmem>>
      %dma_wait3A_501 = tpu.memref_squeeze %dma_wait3A_500 : memref<1x128xi32, #tpu.memory_space<vmem>> -> memref<128xi32, #tpu.memory_space<vmem>>
      %dma_wait3A_502 = arith.constant 0 : i32
      %dma_wait3A_503 = arith.constant 0 : i32
      %dma_wait3A_504 = tpu.memref_slice %arg7[%dma_wait3A_502, %dma_wait3A_503] : memref<10112x64xf32, #tpu.memory_space<vmem_shared>> -> memref<10112x64xf32, #tpu.memory_space<vmem_shared>>
      tpu.wait_indirect_dma semaphore(%arg29 : memref<!tpu.dma_semaphore, #tpu.memory_space<semaphore_mem>>) src(%arg13 : memref<128x64xf32, #tpu.memory_space<vmem>>) dst(%dma_wait3A_504 : memref<10112x64xf32, #tpu.memory_space<vmem_shared>>)
      %add3A_505 = arith.constant 7 : i32
      %add3A_506 = arith.addi %add3A_484, %add3A_505 : i32
      %dma_start3A_507 = arith.constant 0 : i32
      %dma_start3A_508 = tpu.memref_slice %arg8[%add3A_506, %dma_start3A_507] : memref<80x128xi32, #tpu.memory_space<vmem>> -> memref<1x128xi32, #tpu.memory_space<vmem>>
      %dma_start3A_509 = tpu.memref_squeeze %dma_start3A_508 : memref<1x128xi32, #tpu.memory_space<vmem>> -> memref<128xi32, #tpu.memory_space<vmem>>
      %dma_start3A_510 = arith.constant 0 : i32
      %dma_start3A_511 = arith.constant 0 : i32
      %dma_start3A_512 = tpu.memref_slice %arg2[%dma_start3A_510, %dma_start3A_511] : memref<10000x64xf32, #tpu.memory_space<hbm>> -> memref<10000x64xf32, #tpu.memory_space<hbm>>
      tpu.enqueue_indirect_dma source(%dma_start3A_512 : memref<10000x64xf32, #tpu.memory_space<hbm>>) target(%arg13 : memref<128x64xf32, #tpu.memory_space<vmem>>) offsets(%dma_start3A_509 : memref<128xi32, #tpu.memory_space<vmem>>) semaphore(%arg21 : memref<!tpu.dma_semaphore, #tpu.memory_space<semaphore_mem>>)
      %mul3A_513 = arith.constant 8 : i32
      %mul3A_514 = arith.muli %mul3A_513, %scan3A_353 : i32
      %add3A_515 = arith.constant 5 : i32
      %add3A_516 = arith.addi %mul3A_514, %add3A_515 : i32
      %dma_wait3A_517 = arith.constant 0 : i32
      %dma_wait3A_518 = tpu.memref_slice %arg8[%add3A_516, %dma_wait3A_517] : memref<80x128xi32, #tpu.memory_space<vmem>> -> memref<1x128xi32, #tpu.memory_space<vmem>>
      %dma_wait3A_519 = tpu.memref_squeeze %dma_wait3A_518 : memref<1x128xi32, #tpu.memory_space<vmem>> -> memref<128xi32, #tpu.memory_space<vmem>>
      %dma_wait3A_520 = arith.constant 0 : i32
      %dma_wait3A_521 = arith.constant 0 : i32
      %dma_wait3A_522 = tpu.memref_slice %arg2[%dma_wait3A_520, %dma_wait3A_521] : memref<10000x64xf32, #tpu.memory_space<hbm>> -> memref<10000x64xf32, #tpu.memory_space<hbm>>
      tpu.wait_indirect_dma semaphore(%arg23 : memref<!tpu.dma_semaphore, #tpu.memory_space<semaphore_mem>>) src(%dma_wait3A_522 : memref<10000x64xf32, #tpu.memory_space<hbm>>) dst(%arg15 : memref<128x64xf32, #tpu.memory_space<vmem>>)
      %dma_start3A_523 = arith.constant 0 : i32
      %dma_start3A_524 = tpu.memref_slice %arg9[%add3A_516, %dma_start3A_523] : memref<80x128xi32, #tpu.memory_space<vmem>> -> memref<1x128xi32, #tpu.memory_space<vmem>>
      %dma_start3A_525 = tpu.memref_squeeze %dma_start3A_524 : memref<1x128xi32, #tpu.memory_space<vmem>> -> memref<128xi32, #tpu.memory_space<vmem>>
      %dma_start3A_526 = arith.constant 0 : i32
      %dma_start3A_527 = arith.constant 0 : i32
      %dma_start3A_528 = tpu.memref_slice %arg7[%dma_start3A_526, %dma_start3A_527] : memref<10112x64xf32, #tpu.memory_space<vmem_shared>> -> memref<10112x64xf32, #tpu.memory_space<vmem_shared>>
      tpu.enqueue_indirect_dma source(%arg15 : memref<128x64xf32, #tpu.memory_space<vmem>>) target(%dma_start3A_528 : memref<10112x64xf32, #tpu.memory_space<vmem_shared>>) offsets(%dma_start3A_525 : memref<128xi32, #tpu.memory_space<vmem>>) semaphore(%arg31 : memref<!tpu.dma_semaphore, #tpu.memory_space<semaphore_mem>>) {add = true}
      %sub3A_529 = arith.constant 1 : i32
      %sub3A_530 = arith.subi %add3A_516, %sub3A_529 : i32
      %dma_wait3A_531 = arith.constant 0 : i32
      %dma_wait3A_532 = tpu.memref_slice %arg9[%sub3A_530, %dma_wait3A_531] : memref<80x128xi32, #tpu.memory_space<vmem>> -> memref<1x128xi32, #tpu.memory_space<vmem>>
      %dma_wait3A_533 = tpu.memref_squeeze %dma_wait3A_532 : memref<1x128xi32, #tpu.memory_space<vmem>> -> memref<128xi32, #tpu.memory_space<vmem>>
      %dma_wait3A_534 = arith.constant 0 : i32
      %dma_wait3A_535 = arith.constant 0 : i32
      %dma_wait3A_536 = tpu.memref_slice %arg7[%dma_wait3A_534, %dma_wait3A_535] : memref<10112x64xf32, #tpu.memory_space<vmem_shared>> -> memref<10112x64xf32, #tpu.memory_space<vmem_shared>>
      tpu.wait_indirect_dma semaphore(%arg30 : memref<!tpu.dma_semaphore, #tpu.memory_space<semaphore_mem>>) src(%arg14 : memref<128x64xf32, #tpu.memory_space<vmem>>) dst(%dma_wait3A_536 : memref<10112x64xf32, #tpu.memory_space<vmem_shared>>)
      %add3A_537 = arith.constant 7 : i32
      %add3A_538 = arith.addi %add3A_516, %add3A_537 : i32
      %dma_start3A_539 = arith.constant 0 : i32
      %dma_start3A_540 = tpu.memref_slice %arg8[%add3A_538, %dma_start3A_539] : memref<80x128xi32, #tpu.memory_space<vmem>> -> memref<1x128xi32, #tpu.memory_space<vmem>>
      %dma_start3A_541 = tpu.memref_squeeze %dma_start3A_540 : memref<1x128xi32, #tpu.memory_space<vmem>> -> memref<128xi32, #tpu.memory_space<vmem>>
      %dma_start3A_542 = arith.constant 0 : i32
      %dma_start3A_543 = arith.constant 0 : i32
      %dma_start3A_544 = tpu.memref_slice %arg2[%dma_start3A_542, %dma_start3A_543] : memref<10000x64xf32, #tpu.memory_space<hbm>> -> memref<10000x64xf32, #tpu.memory_space<hbm>>
      tpu.enqueue_indirect_dma source(%dma_start3A_544 : memref<10000x64xf32, #tpu.memory_space<hbm>>) target(%arg14 : memref<128x64xf32, #tpu.memory_space<vmem>>) offsets(%dma_start3A_541 : memref<128xi32, #tpu.memory_space<vmem>>) semaphore(%arg22 : memref<!tpu.dma_semaphore, #tpu.memory_space<semaphore_mem>>)
      %mul3A_545 = arith.constant 8 : i32
      %mul3A_546 = arith.muli %mul3A_545, %scan3A_353 : i32
      %add3A_547 = arith.constant 6 : i32
      %add3A_548 = arith.addi %mul3A_546, %add3A_547 : i32
      %dma_wait3A_549 = arith.constant 0 : i32
      %dma_wait3A_550 = tpu.memref_slice %arg8[%add3A_548, %dma_wait3A_549] : memref<80x128xi32, #tpu.memory_space<vmem>> -> memref<1x128xi32, #tpu.memory_space<vmem>>
      %dma_wait3A_551 = tpu.memref_squeeze %dma_wait3A_550 : memref<1x128xi32, #tpu.memory_space<vmem>> -> memref<128xi32, #tpu.memory_space<vmem>>
      %dma_wait3A_552 = arith.constant 0 : i32
      %dma_wait3A_553 = arith.constant 0 : i32
      %dma_wait3A_554 = tpu.memref_slice %arg2[%dma_wait3A_552, %dma_wait3A_553] : memref<10000x64xf32, #tpu.memory_space<hbm>> -> memref<10000x64xf32, #tpu.memory_space<hbm>>
      tpu.wait_indirect_dma semaphore(%arg24 : memref<!tpu.dma_semaphore, #tpu.memory_space<semaphore_mem>>) src(%dma_wait3A_554 : memref<10000x64xf32, #tpu.memory_space<hbm>>) dst(%arg16 : memref<128x64xf32, #tpu.memory_space<vmem>>)
      %dma_start3A_555 = arith.constant 0 : i32
      %dma_start3A_556 = tpu.memref_slice %arg9[%add3A_548, %dma_start3A_555] : memref<80x128xi32, #tpu.memory_space<vmem>> -> memref<1x128xi32, #tpu.memory_space<vmem>>
      %dma_start3A_557 = tpu.memref_squeeze %dma_start3A_556 : memref<1x128xi32, #tpu.memory_space<vmem>> -> memref<128xi32, #tpu.memory_space<vmem>>
      %dma_start3A_558 = arith.constant 0 : i32
      %dma_start3A_559 = arith.constant 0 : i32
      %dma_start3A_560 = tpu.memref_slice %arg7[%dma_start3A_558, %dma_start3A_559] : memref<10112x64xf32, #tpu.memory_space<vmem_shared>> -> memref<10112x64xf32, #tpu.memory_space<vmem_shared>>
      tpu.enqueue_indirect_dma source(%arg16 : memref<128x64xf32, #tpu.memory_space<vmem>>) target(%dma_start3A_560 : memref<10112x64xf32, #tpu.memory_space<vmem_shared>>) offsets(%dma_start3A_557 : memref<128xi32, #tpu.memory_space<vmem>>) semaphore(%arg32 : memref<!tpu.dma_semaphore, #tpu.memory_space<semaphore_mem>>) {add = true}
      %sub3A_561 = arith.constant 1 : i32
      %sub3A_562 = arith.subi %add3A_548, %sub3A_561 : i32
      %dma_wait3A_563 = arith.constant 0 : i32
      %dma_wait3A_564 = tpu.memref_slice %arg9[%sub3A_562, %dma_wait3A_563] : memref<80x128xi32, #tpu.memory_space<vmem>> -> memref<1x128xi32, #tpu.memory_space<vmem>>
      %dma_wait3A_565 = tpu.memref_squeeze %dma_wait3A_564 : memref<1x128xi32, #tpu.memory_space<vmem>> -> memref<128xi32, #tpu.memory_space<vmem>>
      %dma_wait3A_566 = arith.constant 0 : i32
      %dma_wait3A_567 = arith.constant 0 : i32
      %dma_wait3A_568 = tpu.memref_slice %arg7[%dma_wait3A_566, %dma_wait3A_567] : memref<10112x64xf32, #tpu.memory_space<vmem_shared>> -> memref<10112x64xf32, #tpu.memory_space<vmem_shared>>
      tpu.wait_indirect_dma semaphore(%arg31 : memref<!tpu.dma_semaphore, #tpu.memory_space<semaphore_mem>>) src(%arg15 : memref<128x64xf32, #tpu.memory_space<vmem>>) dst(%dma_wait3A_568 : memref<10112x64xf32, #tpu.memory_space<vmem_shared>>)
      %add3A_569 = arith.constant 7 : i32
      %add3A_570 = arith.addi %add3A_548, %add3A_569 : i32
      %dma_start3A_571 = arith.constant 0 : i32
      %dma_start3A_572 = tpu.memref_slice %arg8[%add3A_570, %dma_start3A_571] : memref<80x128xi32, #tpu.memory_space<vmem>> -> memref<1x128xi32, #tpu.memory_space<vmem>>
      %dma_start3A_573 = tpu.memref_squeeze %dma_start3A_572 : memref<1x128xi32, #tpu.memory_space<vmem>> -> memref<128xi32, #tpu.memory_space<vmem>>
      %dma_start3A_574 = arith.constant 0 : i32
      %dma_start3A_575 = arith.constant 0 : i32
      %dma_start3A_576 = tpu.memref_slice %arg2[%dma_start3A_574, %dma_start3A_575] : memref<10000x64xf32, #tpu.memory_space<hbm>> -> memref<10000x64xf32, #tpu.memory_space<hbm>>
      tpu.enqueue_indirect_dma source(%dma_start3A_576 : memref<10000x64xf32, #tpu.memory_space<hbm>>) target(%arg15 : memref<128x64xf32, #tpu.memory_space<vmem>>) offsets(%dma_start3A_573 : memref<128xi32, #tpu.memory_space<vmem>>) semaphore(%arg23 : memref<!tpu.dma_semaphore, #tpu.memory_space<semaphore_mem>>)
      %mul3A_577 = arith.constant 8 : i32
      %mul3A_578 = arith.muli %mul3A_577, %scan3A_353 : i32
      %add3A_579 = arith.constant 7 : i32
      %add3A_580 = arith.addi %mul3A_578, %add3A_579 : i32
      %dma_wait3A_581 = arith.constant 0 : i32
      %dma_wait3A_582 = tpu.memref_slice %arg8[%add3A_580, %dma_wait3A_581] : memref<80x128xi32, #tpu.memory_space<vmem>> -> memref<1x128xi32, #tpu.memory_space<vmem>>
      %dma_wait3A_583 = tpu.memref_squeeze %dma_wait3A_582 : memref<1x128xi32, #tpu.memory_space<vmem>> -> memref<128xi32, #tpu.memory_space<vmem>>
      %dma_wait3A_584 = arith.constant 0 : i32
      %dma_wait3A_585 = arith.constant 0 : i32
      %dma_wait3A_586 = tpu.memref_slice %arg2[%dma_wait3A_584, %dma_wait3A_585] : memref<10000x64xf32, #tpu.memory_space<hbm>> -> memref<10000x64xf32, #tpu.memory_space<hbm>>
      tpu.wait_indirect_dma semaphore(%arg25 : memref<!tpu.dma_semaphore, #tpu.memory_space<semaphore_mem>>) src(%dma_wait3A_586 : memref<10000x64xf32, #tpu.memory_space<hbm>>) dst(%arg17 : memref<128x64xf32, #tpu.memory_space<vmem>>)
      %dma_start3A_587 = arith.constant 0 : i32
      %dma_start3A_588 = tpu.memref_slice %arg9[%add3A_580, %dma_start3A_587] : memref<80x128xi32, #tpu.memory_space<vmem>> -> memref<1x128xi32, #tpu.memory_space<vmem>>
      %dma_start3A_589 = tpu.memref_squeeze %dma_start3A_588 : memref<1x128xi32, #tpu.memory_space<vmem>> -> memref<128xi32, #tpu.memory_space<vmem>>
      %dma_start3A_590 = arith.constant 0 : i32
      %dma_start3A_591 = arith.constant 0 : i32
      %dma_start3A_592 = tpu.memref_slice %arg7[%dma_start3A_590, %dma_start3A_591] : memref<10112x64xf32, #tpu.memory_space<vmem_shared>> -> memref<10112x64xf32, #tpu.memory_space<vmem_shared>>
      tpu.enqueue_indirect_dma source(%arg17 : memref<128x64xf32, #tpu.memory_space<vmem>>) target(%dma_start3A_592 : memref<10112x64xf32, #tpu.memory_space<vmem_shared>>) offsets(%dma_start3A_589 : memref<128xi32, #tpu.memory_space<vmem>>) semaphore(%arg33 : memref<!tpu.dma_semaphore, #tpu.memory_space<semaphore_mem>>) {add = true}
      %sub3A_593 = arith.constant 1 : i32
      %sub3A_594 = arith.subi %add3A_580, %sub3A_593 : i32
      %dma_wait3A_595 = arith.constant 0 : i32
      %dma_wait3A_596 = tpu.memref_slice %arg9[%sub3A_594, %dma_wait3A_595] : memref<80x128xi32, #tpu.memory_space<vmem>> -> memref<1x128xi32, #tpu.memory_space<vmem>>
      %dma_wait3A_597 = tpu.memref_squeeze %dma_wait3A_596 : memref<1x128xi32, #tpu.memory_space<vmem>> -> memref<128xi32, #tpu.memory_space<vmem>>
      %dma_wait3A_598 = arith.constant 0 : i32
      %dma_wait3A_599 = arith.constant 0 : i32
      %dma_wait3A_600 = tpu.memref_slice %arg7[%dma_wait3A_598, %dma_wait3A_599] : memref<10112x64xf32, #tpu.memory_space<vmem_shared>> -> memref<10112x64xf32, #tpu.memory_space<vmem_shared>>
      tpu.wait_indirect_dma semaphore(%arg32 : memref<!tpu.dma_semaphore, #tpu.memory_space<semaphore_mem>>) src(%arg16 : memref<128x64xf32, #tpu.memory_space<vmem>>) dst(%dma_wait3A_600 : memref<10112x64xf32, #tpu.memory_space<vmem_shared>>)
      %add3A_601 = arith.constant 7 : i32
      %add3A_602 = arith.addi %add3A_580, %add3A_601 : i32
      %dma_start3A_603 = arith.constant 0 : i32
      %dma_start3A_604 = tpu.memref_slice %arg8[%add3A_602, %dma_start3A_603] : memref<80x128xi32, #tpu.memory_space<vmem>> -> memref<1x128xi32, #tpu.memory_space<vmem>>
      %dma_start3A_605 = tpu.memref_squeeze %dma_start3A_604 : memref<1x128xi32, #tpu.memory_space<vmem>> -> memref<128xi32, #tpu.memory_space<vmem>>
      %dma_start3A_606 = arith.constant 0 : i32
      %dma_start3A_607 = arith.constant 0 : i32
      %dma_start3A_608 = tpu.memref_slice %arg2[%dma_start3A_606, %dma_start3A_607] : memref<10000x64xf32, #tpu.memory_space<hbm>> -> memref<10000x64xf32, #tpu.memory_space<hbm>>
      tpu.enqueue_indirect_dma source(%dma_start3A_608 : memref<10000x64xf32, #tpu.memory_space<hbm>>) target(%arg16 : memref<128x64xf32, #tpu.memory_space<vmem>>) offsets(%dma_start3A_605 : memref<128xi32, #tpu.memory_space<vmem>>) semaphore(%arg24 : memref<!tpu.dma_semaphore, #tpu.memory_space<semaphore_mem>>)
    }
    %scan3A_274 = arith.constant 8 : i32
    %dma_wait3A_275 = arith.constant 71 : i32
    %dma_wait3A_276 = arith.constant 0 : i32
    %dma_wait3A_277 = tpu.memref_slice %arg9[%dma_wait3A_275, %dma_wait3A_276] : memref<80x128xi32, #tpu.memory_space<vmem>> -> memref<1x128xi32, #tpu.memory_space<vmem>>
    %dma_wait3A_278 = tpu.memref_squeeze %dma_wait3A_277 : memref<1x128xi32, #tpu.memory_space<vmem>> -> memref<128xi32, #tpu.memory_space<vmem>>
    %dma_wait3A_279 = arith.constant 0 : i32
    %dma_wait3A_280 = arith.constant 0 : i32
    %dma_wait3A_281 = tpu.memref_slice %arg7[%dma_wait3A_279, %dma_wait3A_280] : memref<10112x64xf32, #tpu.memory_space<vmem_shared>> -> memref<10112x64xf32, #tpu.memory_space<vmem_shared>>
    tpu.wait_indirect_dma semaphore(%arg33 : memref<!tpu.dma_semaphore, #tpu.memory_space<semaphore_mem>>) src(%arg17 : memref<128x64xf32, #tpu.memory_space<vmem>>) dst(%dma_wait3A_281 : memref<10112x64xf32, #tpu.memory_space<vmem_shared>>)
    %dma_start3A_282 = arith.constant 79 : i32
    %dma_start3A_283 = arith.constant 0 : i32
    %dma_start3A_284 = tpu.memref_slice %arg8[%dma_start3A_282, %dma_start3A_283] : memref<80x128xi32, #tpu.memory_space<vmem>> -> memref<1x128xi32, #tpu.memory_space<vmem>>
    %dma_start3A_285 = tpu.memref_squeeze %dma_start3A_284 : memref<1x128xi32, #tpu.memory_space<vmem>> -> memref<128xi32, #tpu.memory_space<vmem>>
    %dma_start3A_286 = arith.constant 0 : i32
    %dma_start3A_287 = arith.constant 0 : i32
    %dma_start3A_288 = tpu.memref_slice %arg2[%dma_start3A_286, %dma_start3A_287] : memref<10000x64xf32, #tpu.memory_space<hbm>> -> memref<10000x64xf32, #tpu.memory_space<hbm>>
    tpu.enqueue_indirect_dma source(%dma_start3A_288 : memref<10000x64xf32, #tpu.memory_space<hbm>>) target(%arg17 : memref<128x64xf32, #tpu.memory_space<vmem>>) offsets(%dma_start3A_285 : memref<128xi32, #tpu.memory_space<vmem>>) semaphore(%arg25 : memref<!tpu.dma_semaphore, #tpu.memory_space<semaphore_mem>>)
    %dma_wait3A_289 = arith.constant 72 : i32
    %dma_wait3A_290 = arith.constant 0 : i32
    %dma_wait3A_291 = tpu.memref_slice %arg8[%dma_wait3A_289, %dma_wait3A_290] : memref<80x128xi32, #tpu.memory_space<vmem>> -> memref<1x128xi32, #tpu.memory_space<vmem>>
    %dma_wait3A_292 = tpu.memref_squeeze %dma_wait3A_291 : memref<1x128xi32, #tpu.memory_space<vmem>> -> memref<128xi32, #tpu.memory_space<vmem>>
    %dma_wait3A_293 = arith.constant 0 : i32
    %dma_wait3A_294 = arith.constant 0 : i32
    %dma_wait3A_295 = tpu.memref_slice %arg2[%dma_wait3A_293, %dma_wait3A_294] : memref<10000x64xf32, #tpu.memory_space<hbm>> -> memref<10000x64xf32, #tpu.memory_space<hbm>>
    tpu.wait_indirect_dma semaphore(%arg18 : memref<!tpu.dma_semaphore, #tpu.memory_space<semaphore_mem>>) src(%dma_wait3A_295 : memref<10000x64xf32, #tpu.memory_space<hbm>>) dst(%arg10 : memref<128x64xf32, #tpu.memory_space<vmem>>)
    %run_scoped3A = arith.constant 72 : i32
    "tpu.region"() ({
      %run_scoped3A_353 = tpu.sem_alloc : memref<!tpu.dma_semaphore, #tpu.memory_space<semaphore_mem>>
      %dma_start3A_354 = arith.constant 0 : i32
      %dma_start3A_355 = tpu.memref_slice %arg9[%run_scoped3A, %dma_start3A_354] : memref<80x128xi32, #tpu.memory_space<vmem>> -> memref<1x128xi32, #tpu.memory_space<vmem>>
      %dma_start3A_356 = tpu.memref_squeeze %dma_start3A_355 : memref<1x128xi32, #tpu.memory_space<vmem>> -> memref<128xi32, #tpu.memory_space<vmem>>
      %dma_start3A_357 = arith.constant 0 : i32
      %dma_start3A_358 = arith.constant 0 : i32
      %dma_start3A_359 = tpu.memref_slice %arg7[%dma_start3A_357, %dma_start3A_358] : memref<10112x64xf32, #tpu.memory_space<vmem_shared>> -> memref<10112x64xf32, #tpu.memory_space<vmem_shared>>
      tpu.enqueue_indirect_dma source(%arg10 : memref<128x64xf32, #tpu.memory_space<vmem>>) target(%dma_start3A_359 : memref<10112x64xf32, #tpu.memory_space<vmem_shared>>) offsets(%dma_start3A_356 : memref<128xi32, #tpu.memory_space<vmem>>) semaphore(%run_scoped3A_353 : memref<!tpu.dma_semaphore, #tpu.memory_space<semaphore_mem>>) {add = true}
      %dma_wait3A_360 = arith.constant 0 : i32
      %dma_wait3A_361 = tpu.memref_slice %arg9[%run_scoped3A, %dma_wait3A_360] : memref<80x128xi32, #tpu.memory_space<vmem>> -> memref<1x128xi32, #tpu.memory_space<vmem>>
      %dma_wait3A_362 = tpu.memref_squeeze %dma_wait3A_361 : memref<1x128xi32, #tpu.memory_space<vmem>> -> memref<128xi32, #tpu.memory_space<vmem>>
      %dma_wait3A_363 = arith.constant 0 : i32
      %dma_wait3A_364 = arith.constant 0 : i32
      %dma_wait3A_365 = tpu.memref_slice %arg7[%dma_wait3A_363, %dma_wait3A_364] : memref<10112x64xf32, #tpu.memory_space<vmem_shared>> -> memref<10112x64xf32, #tpu.memory_space<vmem_shared>>
      tpu.wait_indirect_dma semaphore(%run_scoped3A_353 : memref<!tpu.dma_semaphore, #tpu.memory_space<semaphore_mem>>) src(%arg10 : memref<128x64xf32, #tpu.memory_space<vmem>>) dst(%dma_wait3A_365 : memref<10112x64xf32, #tpu.memory_space<vmem_shared>>)
      tpu.yield
    }) : () -> ()
    %dma_wait3A_296 = arith.constant 73 : i32
    %dma_wait3A_297 = arith.constant 0 : i32
    %dma_wait3A_298 = tpu.memref_slice %arg8[%dma_wait3A_296, %dma_wait3A_297] : memref<80x128xi32, #tpu.memory_space<vmem>> -> memref<1x128xi32, #tpu.memory_space<vmem>>
    %dma_wait3A_299 = tpu.memref_squeeze %dma_wait3A_298 : memref<1x128xi32, #tpu.memory_space<vmem>> -> memref<128xi32, #tpu.memory_space<vmem>>
    %dma_wait3A_300 = arith.constant 0 : i32
    %dma_wait3A_301 = arith.constant 0 : i32
    %dma_wait3A_302 = tpu.memref_slice %arg2[%dma_wait3A_300, %dma_wait3A_301] : memref<10000x64xf32, #tpu.memory_space<hbm>> -> memref<10000x64xf32, #tpu.memory_space<hbm>>
    tpu.wait_indirect_dma semaphore(%arg19 : memref<!tpu.dma_semaphore, #tpu.memory_space<semaphore_mem>>) src(%dma_wait3A_302 : memref<10000x64xf32, #tpu.memory_space<hbm>>) dst(%arg11 : memref<128x64xf32, #tpu.memory_space<vmem>>)
    %run_scoped3A_303 = arith.constant 73 : i32
    "tpu.region"() ({
      %run_scoped3A_353 = tpu.sem_alloc : memref<!tpu.dma_semaphore, #tpu.memory_space<semaphore_mem>>
      %dma_start3A_354 = arith.constant 0 : i32
      %dma_start3A_355 = tpu.memref_slice %arg9[%run_scoped3A_303, %dma_start3A_354] : memref<80x128xi32, #tpu.memory_space<vmem>> -> memref<1x128xi32, #tpu.memory_space<vmem>>
      %dma_start3A_356 = tpu.memref_squeeze %dma_start3A_355 : memref<1x128xi32, #tpu.memory_space<vmem>> -> memref<128xi32, #tpu.memory_space<vmem>>
      %dma_start3A_357 = arith.constant 0 : i32
      %dma_start3A_358 = arith.constant 0 : i32
      %dma_start3A_359 = tpu.memref_slice %arg7[%dma_start3A_357, %dma_start3A_358] : memref<10112x64xf32, #tpu.memory_space<vmem_shared>> -> memref<10112x64xf32, #tpu.memory_space<vmem_shared>>
      tpu.enqueue_indirect_dma source(%arg11 : memref<128x64xf32, #tpu.memory_space<vmem>>) target(%dma_start3A_359 : memref<10112x64xf32, #tpu.memory_space<vmem_shared>>) offsets(%dma_start3A_356 : memref<128xi32, #tpu.memory_space<vmem>>) semaphore(%run_scoped3A_353 : memref<!tpu.dma_semaphore, #tpu.memory_space<semaphore_mem>>) {add = true}
      %dma_wait3A_360 = arith.constant 0 : i32
      %dma_wait3A_361 = tpu.memref_slice %arg9[%run_scoped3A_303, %dma_wait3A_360] : memref<80x128xi32, #tpu.memory_space<vmem>> -> memref<1x128xi32, #tpu.memory_space<vmem>>
      %dma_wait3A_362 = tpu.memref_squeeze %dma_wait3A_361 : memref<1x128xi32, #tpu.memory_space<vmem>> -> memref<128xi32, #tpu.memory_space<vmem>>
      %dma_wait3A_363 = arith.constant 0 : i32
      %dma_wait3A_364 = arith.constant 0 : i32
      %dma_wait3A_365 = tpu.memref_slice %arg7[%dma_wait3A_363, %dma_wait3A_364] : memref<10112x64xf32, #tpu.memory_space<vmem_shared>> -> memref<10112x64xf32, #tpu.memory_space<vmem_shared>>
      tpu.wait_indirect_dma semaphore(%run_scoped3A_353 : memref<!tpu.dma_semaphore, #tpu.memory_space<semaphore_mem>>) src(%arg11 : memref<128x64xf32, #tpu.memory_space<vmem>>) dst(%dma_wait3A_365 : memref<10112x64xf32, #tpu.memory_space<vmem_shared>>)
      tpu.yield
    }) : () -> ()
    %dma_wait3A_304 = arith.constant 74 : i32
    %dma_wait3A_305 = arith.constant 0 : i32
    %dma_wait3A_306 = tpu.memref_slice %arg8[%dma_wait3A_304, %dma_wait3A_305] : memref<80x128xi32, #tpu.memory_space<vmem>> -> memref<1x128xi32, #tpu.memory_space<vmem>>
    %dma_wait3A_307 = tpu.memref_squeeze %dma_wait3A_306 : memref<1x128xi32, #tpu.memory_space<vmem>> -> memref<128xi32, #tpu.memory_space<vmem>>
    %dma_wait3A_308 = arith.constant 0 : i32
    %dma_wait3A_309 = arith.constant 0 : i32
    %dma_wait3A_310 = tpu.memref_slice %arg2[%dma_wait3A_308, %dma_wait3A_309] : memref<10000x64xf32, #tpu.memory_space<hbm>> -> memref<10000x64xf32, #tpu.memory_space<hbm>>
    tpu.wait_indirect_dma semaphore(%arg20 : memref<!tpu.dma_semaphore, #tpu.memory_space<semaphore_mem>>) src(%dma_wait3A_310 : memref<10000x64xf32, #tpu.memory_space<hbm>>) dst(%arg12 : memref<128x64xf32, #tpu.memory_space<vmem>>)
    %run_scoped3A_311 = arith.constant 74 : i32
    "tpu.region"() ({
      %run_scoped3A_353 = tpu.sem_alloc : memref<!tpu.dma_semaphore, #tpu.memory_space<semaphore_mem>>
      %dma_start3A_354 = arith.constant 0 : i32
      %dma_start3A_355 = tpu.memref_slice %arg9[%run_scoped3A_311, %dma_start3A_354] : memref<80x128xi32, #tpu.memory_space<vmem>> -> memref<1x128xi32, #tpu.memory_space<vmem>>
      %dma_start3A_356 = tpu.memref_squeeze %dma_start3A_355 : memref<1x128xi32, #tpu.memory_space<vmem>> -> memref<128xi32, #tpu.memory_space<vmem>>
      %dma_start3A_357 = arith.constant 0 : i32
      %dma_start3A_358 = arith.constant 0 : i32
      %dma_start3A_359 = tpu.memref_slice %arg7[%dma_start3A_357, %dma_start3A_358] : memref<10112x64xf32, #tpu.memory_space<vmem_shared>> -> memref<10112x64xf32, #tpu.memory_space<vmem_shared>>
      tpu.enqueue_indirect_dma source(%arg12 : memref<128x64xf32, #tpu.memory_space<vmem>>) target(%dma_start3A_359 : memref<10112x64xf32, #tpu.memory_space<vmem_shared>>) offsets(%dma_start3A_356 : memref<128xi32, #tpu.memory_space<vmem>>) semaphore(%run_scoped3A_353 : memref<!tpu.dma_semaphore, #tpu.memory_space<semaphore_mem>>) {add = true}
      %dma_wait3A_360 = arith.constant 0 : i32
      %dma_wait3A_361 = tpu.memref_slice %arg9[%run_scoped3A_311, %dma_wait3A_360] : memref<80x128xi32, #tpu.memory_space<vmem>> -> memref<1x128xi32, #tpu.memory_space<vmem>>
      %dma_wait3A_362 = tpu.memref_squeeze %dma_wait3A_361 : memref<1x128xi32, #tpu.memory_space<vmem>> -> memref<128xi32, #tpu.memory_space<vmem>>
      %dma_wait3A_363 = arith.constant 0 : i32
      %dma_wait3A_364 = arith.constant 0 : i32
      %dma_wait3A_365 = tpu.memref_slice %arg7[%dma_wait3A_363, %dma_wait3A_364] : memref<10112x64xf32, #tpu.memory_space<vmem_shared>> -> memref<10112x64xf32, #tpu.memory_space<vmem_shared>>
      tpu.wait_indirect_dma semaphore(%run_scoped3A_353 : memref<!tpu.dma_semaphore, #tpu.memory_space<semaphore_mem>>) src(%arg12 : memref<128x64xf32, #tpu.memory_space<vmem>>) dst(%dma_wait3A_365 : memref<10112x64xf32, #tpu.memory_space<vmem_shared>>)
      tpu.yield
    }) : () -> ()
    %dma_wait3A_312 = arith.constant 75 : i32
    %dma_wait3A_313 = arith.constant 0 : i32
    %dma_wait3A_314 = tpu.memref_slice %arg8[%dma_wait3A_312, %dma_wait3A_313] : memref<80x128xi32, #tpu.memory_space<vmem>> -> memref<1x128xi32, #tpu.memory_space<vmem>>
    %dma_wait3A_315 = tpu.memref_squeeze %dma_wait3A_314 : memref<1x128xi32, #tpu.memory_space<vmem>> -> memref<128xi32, #tpu.memory_space<vmem>>
    %dma_wait3A_316 = arith.constant 0 : i32
    %dma_wait3A_317 = arith.constant 0 : i32
    %dma_wait3A_318 = tpu.memref_slice %arg2[%dma_wait3A_316, %dma_wait3A_317] : memref<10000x64xf32, #tpu.memory_space<hbm>> -> memref<10000x64xf32, #tpu.memory_space<hbm>>
    tpu.wait_indirect_dma semaphore(%arg21 : memref<!tpu.dma_semaphore, #tpu.memory_space<semaphore_mem>>) src(%dma_wait3A_318 : memref<10000x64xf32, #tpu.memory_space<hbm>>) dst(%arg13 : memref<128x64xf32, #tpu.memory_space<vmem>>)
    %run_scoped3A_319 = arith.constant 75 : i32
    "tpu.region"() ({
      %run_scoped3A_353 = tpu.sem_alloc : memref<!tpu.dma_semaphore, #tpu.memory_space<semaphore_mem>>
      %dma_start3A_354 = arith.constant 0 : i32
      %dma_start3A_355 = tpu.memref_slice %arg9[%run_scoped3A_319, %dma_start3A_354] : memref<80x128xi32, #tpu.memory_space<vmem>> -> memref<1x128xi32, #tpu.memory_space<vmem>>
      %dma_start3A_356 = tpu.memref_squeeze %dma_start3A_355 : memref<1x128xi32, #tpu.memory_space<vmem>> -> memref<128xi32, #tpu.memory_space<vmem>>
      %dma_start3A_357 = arith.constant 0 : i32
      %dma_start3A_358 = arith.constant 0 : i32
      %dma_start3A_359 = tpu.memref_slice %arg7[%dma_start3A_357, %dma_start3A_358] : memref<10112x64xf32, #tpu.memory_space<vmem_shared>> -> memref<10112x64xf32, #tpu.memory_space<vmem_shared>>
      tpu.enqueue_indirect_dma source(%arg13 : memref<128x64xf32, #tpu.memory_space<vmem>>) target(%dma_start3A_359 : memref<10112x64xf32, #tpu.memory_space<vmem_shared>>) offsets(%dma_start3A_356 : memref<128xi32, #tpu.memory_space<vmem>>) semaphore(%run_scoped3A_353 : memref<!tpu.dma_semaphore, #tpu.memory_space<semaphore_mem>>) {add = true}
      %dma_wait3A_360 = arith.constant 0 : i32
      %dma_wait3A_361 = tpu.memref_slice %arg9[%run_scoped3A_319, %dma_wait3A_360] : memref<80x128xi32, #tpu.memory_space<vmem>> -> memref<1x128xi32, #tpu.memory_space<vmem>>
      %dma_wait3A_362 = tpu.memref_squeeze %dma_wait3A_361 : memref<1x128xi32, #tpu.memory_space<vmem>> -> memref<128xi32, #tpu.memory_space<vmem>>
      %dma_wait3A_363 = arith.constant 0 : i32
      %dma_wait3A_364 = arith.constant 0 : i32
      %dma_wait3A_365 = tpu.memref_slice %arg7[%dma_wait3A_363, %dma_wait3A_364] : memref<10112x64xf32, #tpu.memory_space<vmem_shared>> -> memref<10112x64xf32, #tpu.memory_space<vmem_shared>>
      tpu.wait_indirect_dma semaphore(%run_scoped3A_353 : memref<!tpu.dma_semaphore, #tpu.memory_space<semaphore_mem>>) src(%arg13 : memref<128x64xf32, #tpu.memory_space<vmem>>) dst(%dma_wait3A_365 : memref<10112x64xf32, #tpu.memory_space<vmem_shared>>)
      tpu.yield
    }) : () -> ()
    %dma_wait3A_320 = arith.constant 76 : i32
    %dma_wait3A_321 = arith.constant 0 : i32
    %dma_wait3A_322 = tpu.memref_slice %arg8[%dma_wait3A_320, %dma_wait3A_321] : memref<80x128xi32, #tpu.memory_space<vmem>> -> memref<1x128xi32, #tpu.memory_space<vmem>>
    %dma_wait3A_323 = tpu.memref_squeeze %dma_wait3A_322 : memref<1x128xi32, #tpu.memory_space<vmem>> -> memref<128xi32, #tpu.memory_space<vmem>>
    %dma_wait3A_324 = arith.constant 0 : i32
    %dma_wait3A_325 = arith.constant 0 : i32
    %dma_wait3A_326 = tpu.memref_slice %arg2[%dma_wait3A_324, %dma_wait3A_325] : memref<10000x64xf32, #tpu.memory_space<hbm>> -> memref<10000x64xf32, #tpu.memory_space<hbm>>
    tpu.wait_indirect_dma semaphore(%arg22 : memref<!tpu.dma_semaphore, #tpu.memory_space<semaphore_mem>>) src(%dma_wait3A_326 : memref<10000x64xf32, #tpu.memory_space<hbm>>) dst(%arg14 : memref<128x64xf32, #tpu.memory_space<vmem>>)
    %run_scoped3A_327 = arith.constant 76 : i32
    "tpu.region"() ({
      %run_scoped3A_353 = tpu.sem_alloc : memref<!tpu.dma_semaphore, #tpu.memory_space<semaphore_mem>>
      %dma_start3A_354 = arith.constant 0 : i32
      %dma_start3A_355 = tpu.memref_slice %arg9[%run_scoped3A_327, %dma_start3A_354] : memref<80x128xi32, #tpu.memory_space<vmem>> -> memref<1x128xi32, #tpu.memory_space<vmem>>
      %dma_start3A_356 = tpu.memref_squeeze %dma_start3A_355 : memref<1x128xi32, #tpu.memory_space<vmem>> -> memref<128xi32, #tpu.memory_space<vmem>>
      %dma_start3A_357 = arith.constant 0 : i32
      %dma_start3A_358 = arith.constant 0 : i32
      %dma_start3A_359 = tpu.memref_slice %arg7[%dma_start3A_357, %dma_start3A_358] : memref<10112x64xf32, #tpu.memory_space<vmem_shared>> -> memref<10112x64xf32, #tpu.memory_space<vmem_shared>>
      tpu.enqueue_indirect_dma source(%arg14 : memref<128x64xf32, #tpu.memory_space<vmem>>) target(%dma_start3A_359 : memref<10112x64xf32, #tpu.memory_space<vmem_shared>>) offsets(%dma_start3A_356 : memref<128xi32, #tpu.memory_space<vmem>>) semaphore(%run_scoped3A_353 : memref<!tpu.dma_semaphore, #tpu.memory_space<semaphore_mem>>) {add = true}
      %dma_wait3A_360 = arith.constant 0 : i32
      %dma_wait3A_361 = tpu.memref_slice %arg9[%run_scoped3A_327, %dma_wait3A_360] : memref<80x128xi32, #tpu.memory_space<vmem>> -> memref<1x128xi32, #tpu.memory_space<vmem>>
      %dma_wait3A_362 = tpu.memref_squeeze %dma_wait3A_361 : memref<1x128xi32, #tpu.memory_space<vmem>> -> memref<128xi32, #tpu.memory_space<vmem>>
      %dma_wait3A_363 = arith.constant 0 : i32
      %dma_wait3A_364 = arith.constant 0 : i32
      %dma_wait3A_365 = tpu.memref_slice %arg7[%dma_wait3A_363, %dma_wait3A_364] : memref<10112x64xf32, #tpu.memory_space<vmem_shared>> -> memref<10112x64xf32, #tpu.memory_space<vmem_shared>>
      tpu.wait_indirect_dma semaphore(%run_scoped3A_353 : memref<!tpu.dma_semaphore, #tpu.memory_space<semaphore_mem>>) src(%arg14 : memref<128x64xf32, #tpu.memory_space<vmem>>) dst(%dma_wait3A_365 : memref<10112x64xf32, #tpu.memory_space<vmem_shared>>)
      tpu.yield
    }) : () -> ()
    %dma_wait3A_328 = arith.constant 77 : i32
    %dma_wait3A_329 = arith.constant 0 : i32
    %dma_wait3A_330 = tpu.memref_slice %arg8[%dma_wait3A_328, %dma_wait3A_329] : memref<80x128xi32, #tpu.memory_space<vmem>> -> memref<1x128xi32, #tpu.memory_space<vmem>>
    %dma_wait3A_331 = tpu.memref_squeeze %dma_wait3A_330 : memref<1x128xi32, #tpu.memory_space<vmem>> -> memref<128xi32, #tpu.memory_space<vmem>>
    %dma_wait3A_332 = arith.constant 0 : i32
    %dma_wait3A_333 = arith.constant 0 : i32
    %dma_wait3A_334 = tpu.memref_slice %arg2[%dma_wait3A_332, %dma_wait3A_333] : memref<10000x64xf32, #tpu.memory_space<hbm>> -> memref<10000x64xf32, #tpu.memory_space<hbm>>
    tpu.wait_indirect_dma semaphore(%arg23 : memref<!tpu.dma_semaphore, #tpu.memory_space<semaphore_mem>>) src(%dma_wait3A_334 : memref<10000x64xf32, #tpu.memory_space<hbm>>) dst(%arg15 : memref<128x64xf32, #tpu.memory_space<vmem>>)
    %run_scoped3A_335 = arith.constant 77 : i32
    "tpu.region"() ({
      %run_scoped3A_353 = tpu.sem_alloc : memref<!tpu.dma_semaphore, #tpu.memory_space<semaphore_mem>>
      %dma_start3A_354 = arith.constant 0 : i32
      %dma_start3A_355 = tpu.memref_slice %arg9[%run_scoped3A_335, %dma_start3A_354] : memref<80x128xi32, #tpu.memory_space<vmem>> -> memref<1x128xi32, #tpu.memory_space<vmem>>
      %dma_start3A_356 = tpu.memref_squeeze %dma_start3A_355 : memref<1x128xi32, #tpu.memory_space<vmem>> -> memref<128xi32, #tpu.memory_space<vmem>>
      %dma_start3A_357 = arith.constant 0 : i32
      %dma_start3A_358 = arith.constant 0 : i32
      %dma_start3A_359 = tpu.memref_slice %arg7[%dma_start3A_357, %dma_start3A_358] : memref<10112x64xf32, #tpu.memory_space<vmem_shared>> -> memref<10112x64xf32, #tpu.memory_space<vmem_shared>>
      tpu.enqueue_indirect_dma source(%arg15 : memref<128x64xf32, #tpu.memory_space<vmem>>) target(%dma_start3A_359 : memref<10112x64xf32, #tpu.memory_space<vmem_shared>>) offsets(%dma_start3A_356 : memref<128xi32, #tpu.memory_space<vmem>>) semaphore(%run_scoped3A_353 : memref<!tpu.dma_semaphore, #tpu.memory_space<semaphore_mem>>) {add = true}
      %dma_wait3A_360 = arith.constant 0 : i32
      %dma_wait3A_361 = tpu.memref_slice %arg9[%run_scoped3A_335, %dma_wait3A_360] : memref<80x128xi32, #tpu.memory_space<vmem>> -> memref<1x128xi32, #tpu.memory_space<vmem>>
      %dma_wait3A_362 = tpu.memref_squeeze %dma_wait3A_361 : memref<1x128xi32, #tpu.memory_space<vmem>> -> memref<128xi32, #tpu.memory_space<vmem>>
      %dma_wait3A_363 = arith.constant 0 : i32
      %dma_wait3A_364 = arith.constant 0 : i32
      %dma_wait3A_365 = tpu.memref_slice %arg7[%dma_wait3A_363, %dma_wait3A_364] : memref<10112x64xf32, #tpu.memory_space<vmem_shared>> -> memref<10112x64xf32, #tpu.memory_space<vmem_shared>>
      tpu.wait_indirect_dma semaphore(%run_scoped3A_353 : memref<!tpu.dma_semaphore, #tpu.memory_space<semaphore_mem>>) src(%arg15 : memref<128x64xf32, #tpu.memory_space<vmem>>) dst(%dma_wait3A_365 : memref<10112x64xf32, #tpu.memory_space<vmem_shared>>)
      tpu.yield
    }) : () -> ()
    %dma_wait3A_336 = arith.constant 78 : i32
    %dma_wait3A_337 = arith.constant 0 : i32
    %dma_wait3A_338 = tpu.memref_slice %arg8[%dma_wait3A_336, %dma_wait3A_337] : memref<80x128xi32, #tpu.memory_space<vmem>> -> memref<1x128xi32, #tpu.memory_space<vmem>>
    %dma_wait3A_339 = tpu.memref_squeeze %dma_wait3A_338 : memref<1x128xi32, #tpu.memory_space<vmem>> -> memref<128xi32, #tpu.memory_space<vmem>>
    %dma_wait3A_340 = arith.constant 0 : i32
    %dma_wait3A_341 = arith.constant 0 : i32
    %dma_wait3A_342 = tpu.memref_slice %arg2[%dma_wait3A_340, %dma_wait3A_341] : memref<10000x64xf32, #tpu.memory_space<hbm>> -> memref<10000x64xf32, #tpu.memory_space<hbm>>
    tpu.wait_indirect_dma semaphore(%arg24 : memref<!tpu.dma_semaphore, #tpu.memory_space<semaphore_mem>>) src(%dma_wait3A_342 : memref<10000x64xf32, #tpu.memory_space<hbm>>) dst(%arg16 : memref<128x64xf32, #tpu.memory_space<vmem>>)
    %run_scoped3A_343 = arith.constant 78 : i32
    "tpu.region"() ({
      %run_scoped3A_353 = tpu.sem_alloc : memref<!tpu.dma_semaphore, #tpu.memory_space<semaphore_mem>>
      %dma_start3A_354 = arith.constant 0 : i32
      %dma_start3A_355 = tpu.memref_slice %arg9[%run_scoped3A_343, %dma_start3A_354] : memref<80x128xi32, #tpu.memory_space<vmem>> -> memref<1x128xi32, #tpu.memory_space<vmem>>
      %dma_start3A_356 = tpu.memref_squeeze %dma_start3A_355 : memref<1x128xi32, #tpu.memory_space<vmem>> -> memref<128xi32, #tpu.memory_space<vmem>>
      %dma_start3A_357 = arith.constant 0 : i32
      %dma_start3A_358 = arith.constant 0 : i32
      %dma_start3A_359 = tpu.memref_slice %arg7[%dma_start3A_357, %dma_start3A_358] : memref<10112x64xf32, #tpu.memory_space<vmem_shared>> -> memref<10112x64xf32, #tpu.memory_space<vmem_shared>>
      tpu.enqueue_indirect_dma source(%arg16 : memref<128x64xf32, #tpu.memory_space<vmem>>) target(%dma_start3A_359 : memref<10112x64xf32, #tpu.memory_space<vmem_shared>>) offsets(%dma_start3A_356 : memref<128xi32, #tpu.memory_space<vmem>>) semaphore(%run_scoped3A_353 : memref<!tpu.dma_semaphore, #tpu.memory_space<semaphore_mem>>) {add = true}
      %dma_wait3A_360 = arith.constant 0 : i32
      %dma_wait3A_361 = tpu.memref_slice %arg9[%run_scoped3A_343, %dma_wait3A_360] : memref<80x128xi32, #tpu.memory_space<vmem>> -> memref<1x128xi32, #tpu.memory_space<vmem>>
      %dma_wait3A_362 = tpu.memref_squeeze %dma_wait3A_361 : memref<1x128xi32, #tpu.memory_space<vmem>> -> memref<128xi32, #tpu.memory_space<vmem>>
      %dma_wait3A_363 = arith.constant 0 : i32
      %dma_wait3A_364 = arith.constant 0 : i32
      %dma_wait3A_365 = tpu.memref_slice %arg7[%dma_wait3A_363, %dma_wait3A_364] : memref<10112x64xf32, #tpu.memory_space<vmem_shared>> -> memref<10112x64xf32, #tpu.memory_space<vmem_shared>>
      tpu.wait_indirect_dma semaphore(%run_scoped3A_353 : memref<!tpu.dma_semaphore, #tpu.memory_space<semaphore_mem>>) src(%arg16 : memref<128x64xf32, #tpu.memory_space<vmem>>) dst(%dma_wait3A_365 : memref<10112x64xf32, #tpu.memory_space<vmem_shared>>)
      tpu.yield
    }) : () -> ()
    %dma_wait3A_344 = arith.constant 79 : i32
    %dma_wait3A_345 = arith.constant 0 : i32
    %dma_wait3A_346 = tpu.memref_slice %arg8[%dma_wait3A_344, %dma_wait3A_345] : memref<80x128xi32, #tpu.memory_space<vmem>> -> memref<1x128xi32, #tpu.memory_space<vmem>>
    %dma_wait3A_347 = tpu.memref_squeeze %dma_wait3A_346 : memref<1x128xi32, #tpu.memory_space<vmem>> -> memref<128xi32, #tpu.memory_space<vmem>>
    %dma_wait3A_348 = arith.constant 0 : i32
    %dma_wait3A_349 = arith.constant 0 : i32
    %dma_wait3A_350 = tpu.memref_slice %arg2[%dma_wait3A_348, %dma_wait3A_349] : memref<10000x64xf32, #tpu.memory_space<hbm>> -> memref<10000x64xf32, #tpu.memory_space<hbm>>
    tpu.wait_indirect_dma semaphore(%arg25 : memref<!tpu.dma_semaphore, #tpu.memory_space<semaphore_mem>>) src(%dma_wait3A_350 : memref<10000x64xf32, #tpu.memory_space<hbm>>) dst(%arg17 : memref<128x64xf32, #tpu.memory_space<vmem>>)
    %run_scoped3A_351 = arith.constant 79 : i32
    "tpu.region"() ({
      %run_scoped3A_353 = tpu.sem_alloc : memref<!tpu.dma_semaphore, #tpu.memory_space<semaphore_mem>>
      %dma_start3A_354 = arith.constant 0 : i32
      %dma_start3A_355 = tpu.memref_slice %arg9[%run_scoped3A_351, %dma_start3A_354] : memref<80x128xi32, #tpu.memory_space<vmem>> -> memref<1x128xi32, #tpu.memory_space<vmem>>
      %dma_start3A_356 = tpu.memref_squeeze %dma_start3A_355 : memref<1x128xi32, #tpu.memory_space<vmem>> -> memref<128xi32, #tpu.memory_space<vmem>>
      %dma_start3A_357 = arith.constant 0 : i32
      %dma_start3A_358 = arith.constant 0 : i32
      %dma_start3A_359 = tpu.memref_slice %arg7[%dma_start3A_357, %dma_start3A_358] : memref<10112x64xf32, #tpu.memory_space<vmem_shared>> -> memref<10112x64xf32, #tpu.memory_space<vmem_shared>>
      tpu.enqueue_indirect_dma source(%arg17 : memref<128x64xf32, #tpu.memory_space<vmem>>) target(%dma_start3A_359 : memref<10112x64xf32, #tpu.memory_space<vmem_shared>>) offsets(%dma_start3A_356 : memref<128xi32, #tpu.memory_space<vmem>>) semaphore(%run_scoped3A_353 : memref<!tpu.dma_semaphore, #tpu.memory_space<semaphore_mem>>) {add = true}
      %dma_wait3A_360 = arith.constant 0 : i32
      %dma_wait3A_361 = tpu.memref_slice %arg9[%run_scoped3A_351, %dma_wait3A_360] : memref<80x128xi32, #tpu.memory_space<vmem>> -> memref<1x128xi32, #tpu.memory_space<vmem>>
      %dma_wait3A_362 = tpu.memref_squeeze %dma_wait3A_361 : memref<1x128xi32, #tpu.memory_space<vmem>> -> memref<128xi32, #tpu.memory_space<vmem>>
      %dma_wait3A_363 = arith.constant 0 : i32
      %dma_wait3A_364 = arith.constant 0 : i32
      %dma_wait3A_365 = tpu.memref_slice %arg7[%dma_wait3A_363, %dma_wait3A_364] : memref<10112x64xf32, #tpu.memory_space<vmem_shared>> -> memref<10112x64xf32, #tpu.memory_space<vmem_shared>>
      tpu.wait_indirect_dma semaphore(%run_scoped3A_353 : memref<!tpu.dma_semaphore, #tpu.memory_space<semaphore_mem>>) src(%arg17 : memref<128x64xf32, #tpu.memory_space<vmem>>) dst(%dma_wait3A_365 : memref<10112x64xf32, #tpu.memory_space<vmem_shared>>)
      tpu.yield
    }) : () -> ()
    %barrier3A_352 = arith.constant 0 : index
    tpu.barrier barrier_id(%barrier3A_352)
    "tpu.region"() ({
      %run_scoped3A_353 = tpu.sem_alloc : memref<!tpu.dma_semaphore, #tpu.memory_space<semaphore_mem>>
      %dma_start3A_354 = arith.constant 0 : i32
      %dma_start3A_355 = tpu.memref_slice %arg6[%arg0, %multiple_of3A, %dma_start3A_354] : memref<2x10112x64xf32, #tpu.memory_space<hbm>> -> memref<1x632x64xf32, #tpu.memory_space<hbm>>
      %dma_start3A_356 = tpu.memref_squeeze %dma_start3A_355 : memref<1x632x64xf32, #tpu.memory_space<hbm>> -> memref<632x64xf32, #tpu.memory_space<hbm>>
      %dma_start3A_357 = arith.constant 0 : i32
      %dma_start3A_358 = tpu.memref_slice %arg7[%multiple_of3A, %dma_start3A_357] : memref<10112x64xf32, #tpu.memory_space<vmem_shared>> -> memref<632x64xf32, #tpu.memory_space<vmem_shared>>
      tpu.enqueue_dma source(%dma_start3A_358 : memref<632x64xf32, #tpu.memory_space<vmem_shared>>) target(%dma_start3A_356 : memref<632x64xf32, #tpu.memory_space<hbm>>) target_semaphore(%run_scoped3A_353 : memref<!tpu.dma_semaphore, #tpu.memory_space<semaphore_mem>>)
      %dma_wait3A_359 = arith.constant 0 : i32
      %dma_wait3A_360 = tpu.memref_slice %arg6[%arg0, %multiple_of3A, %dma_wait3A_359] : memref<2x10112x64xf32, #tpu.memory_space<hbm>> -> memref<1x632x64xf32, #tpu.memory_space<hbm>>
      %dma_wait3A_361 = tpu.memref_squeeze %dma_wait3A_360 : memref<1x632x64xf32, #tpu.memory_space<hbm>> -> memref<632x64xf32, #tpu.memory_space<hbm>>
      %dma_wait3A_362 = arith.constant 0 : i32
      %dma_wait3A_363 = tpu.memref_slice %arg7[%multiple_of3A, %dma_wait3A_362] : memref<10112x64xf32, #tpu.memory_space<vmem_shared>> -> memref<632x64xf32, #tpu.memory_space<vmem_shared>>
      tpu.wait_dma2 semaphore(%run_scoped3A_353 : memref<!tpu.dma_semaphore, #tpu.memory_space<semaphore_mem>>) src(%dma_wait3A_363 : memref<632x64xf32, #tpu.memory_space<vmem_shared>>) dst(%dma_wait3A_361 : memref<632x64xf32, #tpu.memory_space<hbm>>)
      tpu.yield
    }) : () -> ()
    return
  }
}

#map = affine_map<(d0, d1) -> (0, 0)>
#map1 = affine_map<(d0, d1) -> (0, 0, 0)>
module attributes {stable_mosaic.version = 14 : i64} {
  func.func @seg_sum(%arg0: i32, %arg1: i32, %arg2: memref<20000x64xf32, #tpu.memory_space<hbm>>, %arg3: memref<2x2560x128xi32, #tpu.memory_space<hbm>>, %arg4: memref<2560x128xi32, #tpu.memory_space<hbm>>, %arg5: memref<632x64xf32, #tpu.memory_space<hbm>>, %arg6: memref<2x10112x64xf32, #tpu.memory_space<hbm>>, %arg7: memref<10112x64xf32, #tpu.memory_space<vmem_shared>>, %arg8: memref<160x128xi32, #tpu.memory_space<vmem>>, %arg9: memref<160x128xi32, #tpu.memory_space<vmem>>, %arg10: memref<128x64xf32, #tpu.memory_space<vmem>>, %arg11: memref<128x64xf32, #tpu.memory_space<vmem>>, %arg12: memref<128x64xf32, #tpu.memory_space<vmem>>, %arg13: memref<128x64xf32, #tpu.memory_space<vmem>>, %arg14: memref<128x64xf32, #tpu.memory_space<vmem>>, %arg15: memref<!tpu.dma_semaphore, #tpu.memory_space<semaphore_mem>>, %arg16: memref<!tpu.dma_semaphore, #tpu.memory_space<semaphore_mem>>, %arg17: memref<!tpu.dma_semaphore, #tpu.memory_space<semaphore_mem>>, %arg18: memref<!tpu.dma_semaphore, #tpu.memory_space<semaphore_mem>>, %arg19: memref<!tpu.dma_semaphore, #tpu.memory_space<semaphore_mem>>, %arg20: memref<!tpu.dma_semaphore, #tpu.memory_space<semaphore_mem>>, %arg21: memref<!tpu.dma_semaphore, #tpu.memory_space<semaphore_mem>>, %arg22: memref<!tpu.dma_semaphore, #tpu.memory_space<semaphore_mem>>, %arg23: memref<!tpu.dma_semaphore, #tpu.memory_space<semaphore_mem>>, %arg24: memref<!tpu.dma_semaphore, #tpu.memory_space<semaphore_mem>>) attributes {dimension_semantics = [#tpu.dimension_semantics<core_parallel>, #tpu.dimension_semantics<subcore_parallel>], iteration_bounds = array<i64: 2, 16>, scalar_prefetch = 0 : i64, scratch_operands = 18 : i64, tpu.core_type = #tpu.core_type<sc_vector_subcore>, window_params = [{transform_indices = #map}, {transform_indices = #map1}, {transform_indices = #map}, {transform_indices = #map}, {transform_indices = #map1}]} {
    %mul3A = arith.constant 632 : i32
    %mul3A_0 = arith.muli %arg1, %mul3A : i32
    %multiple_of3A = tpu.assume_multiple %mul3A_0, 8 : i32
    "tpu.region"() ({
      %run_scoped3A_222 = tpu.sem_alloc : memref<!tpu.dma_semaphore, #tpu.memory_space<semaphore_mem>>
      %dma_start3A_223 = arith.constant 0 : i32
      %dma_start3A_224 = tpu.memref_slice %arg7[%multiple_of3A, %dma_start3A_223] : memref<10112x64xf32, #tpu.memory_space<vmem_shared>> -> memref<632x64xf32, #tpu.memory_space<vmem_shared>>
      tpu.enqueue_dma source(%arg5 : memref<632x64xf32, #tpu.memory_space<hbm>>) target(%dma_start3A_224 : memref<632x64xf32, #tpu.memory_space<vmem_shared>>) target_semaphore(%run_scoped3A_222 : memref<!tpu.dma_semaphore, #tpu.memory_space<semaphore_mem>>)
      %dma_wait3A_225 = arith.constant 0 : i32
      %dma_wait3A_226 = tpu.memref_slice %arg7[%multiple_of3A, %dma_wait3A_225] : memref<10112x64xf32, #tpu.memory_space<vmem_shared>> -> memref<632x64xf32, #tpu.memory_space<vmem_shared>>
      tpu.wait_dma2 semaphore(%run_scoped3A_222 : memref<!tpu.dma_semaphore, #tpu.memory_space<semaphore_mem>>) src(%arg5 : memref<632x64xf32, #tpu.memory_space<hbm>>) dst(%dma_wait3A_226 : memref<632x64xf32, #tpu.memory_space<vmem_shared>>)
      tpu.yield
    }) : () -> ()
    %mul3A_1 = arith.constant 160 : i32
    %mul3A_2 = arith.muli %arg1, %mul3A_1 : i32
    %multiple_of3A_3 = tpu.assume_multiple %mul3A_2, 8 : i32
    "tpu.region"() ({
      %run_scoped3A_222 = tpu.sem_alloc : memref<!tpu.dma_semaphore, #tpu.memory_space<semaphore_mem>>
      %dma_start3A_223 = arith.constant 0 : i32
      %dma_start3A_224 = tpu.memref_slice %arg3[%arg0, %multiple_of3A_3, %dma_start3A_223] : memref<2x2560x128xi32, #tpu.memory_space<hbm>> -> memref<1x160x128xi32, #tpu.memory_space<hbm>>
      %dma_start3A_225 = tpu.memref_squeeze %dma_start3A_224 : memref<1x160x128xi32, #tpu.memory_space<hbm>> -> memref<160x128xi32, #tpu.memory_space<hbm>>
      %dma_start3A_226 = arith.constant 0 : i32
      %dma_start3A_227 = tpu.memref_slice %arg3[%arg0, %multiple_of3A_3, %dma_start3A_226] : memref<2x2560x128xi32, #tpu.memory_space<hbm>> -> memref<1x160x128xi32, #tpu.memory_space<hbm>>
      %dma_start3A_228 = tpu.memref_squeeze %dma_start3A_227 : memref<1x160x128xi32, #tpu.memory_space<hbm>> -> memref<160x128xi32, #tpu.memory_space<hbm>>
      tpu.enqueue_dma source(%dma_start3A_228 : memref<160x128xi32, #tpu.memory_space<hbm>>) target(%arg8 : memref<160x128xi32, #tpu.memory_space<vmem>>) target_semaphore(%run_scoped3A_222 : memref<!tpu.dma_semaphore, #tpu.memory_space<semaphore_mem>>)
      %dma_wait3A_229 = arith.constant 0 : i32
      %dma_wait3A_230 = tpu.memref_slice %arg3[%arg0, %multiple_of3A_3, %dma_wait3A_229] : memref<2x2560x128xi32, #tpu.memory_space<hbm>> -> memref<1x160x128xi32, #tpu.memory_space<hbm>>
      %dma_wait3A_231 = tpu.memref_squeeze %dma_wait3A_230 : memref<1x160x128xi32, #tpu.memory_space<hbm>> -> memref<160x128xi32, #tpu.memory_space<hbm>>
      %dma_wait3A_232 = arith.constant 0 : i32
      %dma_wait3A_233 = tpu.memref_slice %arg3[%arg0, %multiple_of3A_3, %dma_wait3A_232] : memref<2x2560x128xi32, #tpu.memory_space<hbm>> -> memref<1x160x128xi32, #tpu.memory_space<hbm>>
      %dma_wait3A_234 = tpu.memref_squeeze %dma_wait3A_233 : memref<1x160x128xi32, #tpu.memory_space<hbm>> -> memref<160x128xi32, #tpu.memory_space<hbm>>
      tpu.wait_dma2 semaphore(%run_scoped3A_222 : memref<!tpu.dma_semaphore, #tpu.memory_space<semaphore_mem>>) src(%dma_wait3A_234 : memref<160x128xi32, #tpu.memory_space<hbm>>) dst(%arg8 : memref<160x128xi32, #tpu.memory_space<vmem>>)
      tpu.yield
    }) : () -> ()
    "tpu.region"() ({
      %run_scoped3A_222 = tpu.sem_alloc : memref<!tpu.dma_semaphore, #tpu.memory_space<semaphore_mem>>
      %dma_start3A_223 = arith.constant 0 : i32
      %dma_start3A_224 = tpu.memref_slice %arg4[%multiple_of3A_3, %dma_start3A_223] : memref<2560x128xi32, #tpu.memory_space<hbm>> -> memref<160x128xi32, #tpu.memory_space<hbm>>
      %dma_start3A_225 = arith.constant 0 : i32
      %dma_start3A_226 = tpu.memref_slice %arg4[%multiple_of3A_3, %dma_start3A_225] : memref<2560x128xi32, #tpu.memory_space<hbm>> -> memref<160x128xi32, #tpu.memory_space<hbm>>
      tpu.enqueue_dma source(%dma_start3A_226 : memref<160x128xi32, #tpu.memory_space<hbm>>) target(%arg9 : memref<160x128xi32, #tpu.memory_space<vmem>>) target_semaphore(%run_scoped3A_222 : memref<!tpu.dma_semaphore, #tpu.memory_space<semaphore_mem>>)
      %dma_wait3A_227 = arith.constant 0 : i32
      %dma_wait3A_228 = tpu.memref_slice %arg4[%multiple_of3A_3, %dma_wait3A_227] : memref<2560x128xi32, #tpu.memory_space<hbm>> -> memref<160x128xi32, #tpu.memory_space<hbm>>
      %dma_wait3A_229 = arith.constant 0 : i32
      %dma_wait3A_230 = tpu.memref_slice %arg4[%multiple_of3A_3, %dma_wait3A_229] : memref<2560x128xi32, #tpu.memory_space<hbm>> -> memref<160x128xi32, #tpu.memory_space<hbm>>
      tpu.wait_dma2 semaphore(%run_scoped3A_222 : memref<!tpu.dma_semaphore, #tpu.memory_space<semaphore_mem>>) src(%dma_wait3A_230 : memref<160x128xi32, #tpu.memory_space<hbm>>) dst(%arg9 : memref<160x128xi32, #tpu.memory_space<vmem>>)
      tpu.yield
    }) : () -> ()
    %barrier3A = arith.constant 0 : index
    tpu.barrier barrier_id(%barrier3A)
    %dma_start3A = arith.constant 0 : i32
    %dma_start3A_4 = arith.constant 0 : i32
    %dma_start3A_5 = tpu.memref_slice %arg8[%dma_start3A, %dma_start3A_4] : memref<160x128xi32, #tpu.memory_space<vmem>> -> memref<1x128xi32, #tpu.memory_space<vmem>>
    %dma_start3A_6 = tpu.memref_squeeze %dma_start3A_5 : memref<1x128xi32, #tpu.memory_space<vmem>> -> memref<128xi32, #tpu.memory_space<vmem>>
    %dma_start3A_7 = arith.constant 0 : i32
    %dma_start3A_8 = arith.constant 0 : i32
    %dma_start3A_9 = tpu.memref_slice %arg2[%dma_start3A_7, %dma_start3A_8] : memref<20000x64xf32, #tpu.memory_space<hbm>> -> memref<20000x64xf32, #tpu.memory_space<hbm>>
    tpu.enqueue_indirect_dma source(%dma_start3A_9 : memref<20000x64xf32, #tpu.memory_space<hbm>>) target(%arg10 : memref<128x64xf32, #tpu.memory_space<vmem>>) offsets(%dma_start3A_6 : memref<128xi32, #tpu.memory_space<vmem>>) semaphore(%arg15 : memref<!tpu.dma_semaphore, #tpu.memory_space<semaphore_mem>>)
    %dma_start3A_10 = arith.constant 1 : i32
    %dma_start3A_11 = arith.constant 0 : i32
    %dma_start3A_12 = tpu.memref_slice %arg8[%dma_start3A_10, %dma_start3A_11] : memref<160x128xi32, #tpu.memory_space<vmem>> -> memref<1x128xi32, #tpu.memory_space<vmem>>
    %dma_start3A_13 = tpu.memref_squeeze %dma_start3A_12 : memref<1x128xi32, #tpu.memory_space<vmem>> -> memref<128xi32, #tpu.memory_space<vmem>>
    %dma_start3A_14 = arith.constant 0 : i32
    %dma_start3A_15 = arith.constant 0 : i32
    %dma_start3A_16 = tpu.memref_slice %arg2[%dma_start3A_14, %dma_start3A_15] : memref<20000x64xf32, #tpu.memory_space<hbm>> -> memref<20000x64xf32, #tpu.memory_space<hbm>>
    tpu.enqueue_indirect_dma source(%dma_start3A_16 : memref<20000x64xf32, #tpu.memory_space<hbm>>) target(%arg11 : memref<128x64xf32, #tpu.memory_space<vmem>>) offsets(%dma_start3A_13 : memref<128xi32, #tpu.memory_space<vmem>>) semaphore(%arg16 : memref<!tpu.dma_semaphore, #tpu.memory_space<semaphore_mem>>)
    %dma_start3A_17 = arith.constant 2 : i32
    %dma_start3A_18 = arith.constant 0 : i32
    %dma_start3A_19 = tpu.memref_slice %arg8[%dma_start3A_17, %dma_start3A_18] : memref<160x128xi32, #tpu.memory_space<vmem>> -> memref<1x128xi32, #tpu.memory_space<vmem>>
    %dma_start3A_20 = tpu.memref_squeeze %dma_start3A_19 : memref<1x128xi32, #tpu.memory_space<vmem>> -> memref<128xi32, #tpu.memory_space<vmem>>
    %dma_start3A_21 = arith.constant 0 : i32
    %dma_start3A_22 = arith.constant 0 : i32
    %dma_start3A_23 = tpu.memref_slice %arg2[%dma_start3A_21, %dma_start3A_22] : memref<20000x64xf32, #tpu.memory_space<hbm>> -> memref<20000x64xf32, #tpu.memory_space<hbm>>
    tpu.enqueue_indirect_dma source(%dma_start3A_23 : memref<20000x64xf32, #tpu.memory_space<hbm>>) target(%arg12 : memref<128x64xf32, #tpu.memory_space<vmem>>) offsets(%dma_start3A_20 : memref<128xi32, #tpu.memory_space<vmem>>) semaphore(%arg17 : memref<!tpu.dma_semaphore, #tpu.memory_space<semaphore_mem>>)
    %dma_start3A_24 = arith.constant 3 : i32
    %dma_start3A_25 = arith.constant 0 : i32
    %dma_start3A_26 = tpu.memref_slice %arg8[%dma_start3A_24, %dma_start3A_25] : memref<160x128xi32, #tpu.memory_space<vmem>> -> memref<1x128xi32, #tpu.memory_space<vmem>>
    %dma_start3A_27 = tpu.memref_squeeze %dma_start3A_26 : memref<1x128xi32, #tpu.memory_space<vmem>> -> memref<128xi32, #tpu.memory_space<vmem>>
    %dma_start3A_28 = arith.constant 0 : i32
    %dma_start3A_29 = arith.constant 0 : i32
    %dma_start3A_30 = tpu.memref_slice %arg2[%dma_start3A_28, %dma_start3A_29] : memref<20000x64xf32, #tpu.memory_space<hbm>> -> memref<20000x64xf32, #tpu.memory_space<hbm>>
    tpu.enqueue_indirect_dma source(%dma_start3A_30 : memref<20000x64xf32, #tpu.memory_space<hbm>>) target(%arg13 : memref<128x64xf32, #tpu.memory_space<vmem>>) offsets(%dma_start3A_27 : memref<128xi32, #tpu.memory_space<vmem>>) semaphore(%arg18 : memref<!tpu.dma_semaphore, #tpu.memory_space<semaphore_mem>>)
    %dma_wait3A = arith.constant 0 : i32
    %dma_wait3A_31 = arith.constant 0 : i32
    %dma_wait3A_32 = tpu.memref_slice %arg8[%dma_wait3A, %dma_wait3A_31] : memref<160x128xi32, #tpu.memory_space<vmem>> -> memref<1x128xi32, #tpu.memory_space<vmem>>
    %dma_wait3A_33 = tpu.memref_squeeze %dma_wait3A_32 : memref<1x128xi32, #tpu.memory_space<vmem>> -> memref<128xi32, #tpu.memory_space<vmem>>
    %dma_wait3A_34 = arith.constant 0 : i32
    %dma_wait3A_35 = arith.constant 0 : i32
    %dma_wait3A_36 = tpu.memref_slice %arg2[%dma_wait3A_34, %dma_wait3A_35] : memref<20000x64xf32, #tpu.memory_space<hbm>> -> memref<20000x64xf32, #tpu.memory_space<hbm>>
    tpu.wait_indirect_dma semaphore(%arg15 : memref<!tpu.dma_semaphore, #tpu.memory_space<semaphore_mem>>) src(%dma_wait3A_36 : memref<20000x64xf32, #tpu.memory_space<hbm>>) dst(%arg10 : memref<128x64xf32, #tpu.memory_space<vmem>>)
    %dma_start3A_37 = arith.constant 0 : i32
    %dma_start3A_38 = arith.constant 0 : i32
    %dma_start3A_39 = tpu.memref_slice %arg9[%dma_start3A_37, %dma_start3A_38] : memref<160x128xi32, #tpu.memory_space<vmem>> -> memref<1x128xi32, #tpu.memory_space<vmem>>
    %dma_start3A_40 = tpu.memref_squeeze %dma_start3A_39 : memref<1x128xi32, #tpu.memory_space<vmem>> -> memref<128xi32, #tpu.memory_space<vmem>>
    %dma_start3A_41 = arith.constant 0 : i32
    %dma_start3A_42 = arith.constant 0 : i32
    %dma_start3A_43 = tpu.memref_slice %arg7[%dma_start3A_41, %dma_start3A_42] : memref<10112x64xf32, #tpu.memory_space<vmem_shared>> -> memref<10112x64xf32, #tpu.memory_space<vmem_shared>>
    tpu.enqueue_indirect_dma source(%arg10 : memref<128x64xf32, #tpu.memory_space<vmem>>) target(%dma_start3A_43 : memref<10112x64xf32, #tpu.memory_space<vmem_shared>>) offsets(%dma_start3A_40 : memref<128xi32, #tpu.memory_space<vmem>>) semaphore(%arg20 : memref<!tpu.dma_semaphore, #tpu.memory_space<semaphore_mem>>) {add = true}
    %dma_start3A_44 = arith.constant 4 : i32
    %dma_start3A_45 = arith.constant 0 : i32
    %dma_start3A_46 = tpu.memref_slice %arg8[%dma_start3A_44, %dma_start3A_45] : memref<160x128xi32, #tpu.memory_space<vmem>> -> memref<1x128xi32, #tpu.memory_space<vmem>>
    %dma_start3A_47 = tpu.memref_squeeze %dma_start3A_46 : memref<1x128xi32, #tpu.memory_space<vmem>> -> memref<128xi32, #tpu.memory_space<vmem>>
    %dma_start3A_48 = arith.constant 0 : i32
    %dma_start3A_49 = arith.constant 0 : i32
    %dma_start3A_50 = tpu.memref_slice %arg2[%dma_start3A_48, %dma_start3A_49] : memref<20000x64xf32, #tpu.memory_space<hbm>> -> memref<20000x64xf32, #tpu.memory_space<hbm>>
    tpu.enqueue_indirect_dma source(%dma_start3A_50 : memref<20000x64xf32, #tpu.memory_space<hbm>>) target(%arg14 : memref<128x64xf32, #tpu.memory_space<vmem>>) offsets(%dma_start3A_47 : memref<128xi32, #tpu.memory_space<vmem>>) semaphore(%arg19 : memref<!tpu.dma_semaphore, #tpu.memory_space<semaphore_mem>>)
    %dma_wait3A_51 = arith.constant 1 : i32
    %dma_wait3A_52 = arith.constant 0 : i32
    %dma_wait3A_53 = tpu.memref_slice %arg8[%dma_wait3A_51, %dma_wait3A_52] : memref<160x128xi32, #tpu.memory_space<vmem>> -> memref<1x128xi32, #tpu.memory_space<vmem>>
    %dma_wait3A_54 = tpu.memref_squeeze %dma_wait3A_53 : memref<1x128xi32, #tpu.memory_space<vmem>> -> memref<128xi32, #tpu.memory_space<vmem>>
    %dma_wait3A_55 = arith.constant 0 : i32
    %dma_wait3A_56 = arith.constant 0 : i32
    %dma_wait3A_57 = tpu.memref_slice %arg2[%dma_wait3A_55, %dma_wait3A_56] : memref<20000x64xf32, #tpu.memory_space<hbm>> -> memref<20000x64xf32, #tpu.memory_space<hbm>>
    tpu.wait_indirect_dma semaphore(%arg16 : memref<!tpu.dma_semaphore, #tpu.memory_space<semaphore_mem>>) src(%dma_wait3A_57 : memref<20000x64xf32, #tpu.memory_space<hbm>>) dst(%arg11 : memref<128x64xf32, #tpu.memory_space<vmem>>)
    %dma_start3A_58 = arith.constant 1 : i32
    %dma_start3A_59 = arith.constant 0 : i32
    %dma_start3A_60 = tpu.memref_slice %arg9[%dma_start3A_58, %dma_start3A_59] : memref<160x128xi32, #tpu.memory_space<vmem>> -> memref<1x128xi32, #tpu.memory_space<vmem>>
    %dma_start3A_61 = tpu.memref_squeeze %dma_start3A_60 : memref<1x128xi32, #tpu.memory_space<vmem>> -> memref<128xi32, #tpu.memory_space<vmem>>
    %dma_start3A_62 = arith.constant 0 : i32
    %dma_start3A_63 = arith.constant 0 : i32
    %dma_start3A_64 = tpu.memref_slice %arg7[%dma_start3A_62, %dma_start3A_63] : memref<10112x64xf32, #tpu.memory_space<vmem_shared>> -> memref<10112x64xf32, #tpu.memory_space<vmem_shared>>
    tpu.enqueue_indirect_dma source(%arg11 : memref<128x64xf32, #tpu.memory_space<vmem>>) target(%dma_start3A_64 : memref<10112x64xf32, #tpu.memory_space<vmem_shared>>) offsets(%dma_start3A_61 : memref<128xi32, #tpu.memory_space<vmem>>) semaphore(%arg21 : memref<!tpu.dma_semaphore, #tpu.memory_space<semaphore_mem>>) {add = true}
    %dma_wait3A_65 = arith.constant 0 : i32
    %dma_wait3A_66 = arith.constant 0 : i32
    %dma_wait3A_67 = tpu.memref_slice %arg9[%dma_wait3A_65, %dma_wait3A_66] : memref<160x128xi32, #tpu.memory_space<vmem>> -> memref<1x128xi32, #tpu.memory_space<vmem>>
    %dma_wait3A_68 = tpu.memref_squeeze %dma_wait3A_67 : memref<1x128xi32, #tpu.memory_space<vmem>> -> memref<128xi32, #tpu.memory_space<vmem>>
    %dma_wait3A_69 = arith.constant 0 : i32
    %dma_wait3A_70 = arith.constant 0 : i32
    %dma_wait3A_71 = tpu.memref_slice %arg7[%dma_wait3A_69, %dma_wait3A_70] : memref<10112x64xf32, #tpu.memory_space<vmem_shared>> -> memref<10112x64xf32, #tpu.memory_space<vmem_shared>>
    tpu.wait_indirect_dma semaphore(%arg20 : memref<!tpu.dma_semaphore, #tpu.memory_space<semaphore_mem>>) src(%arg10 : memref<128x64xf32, #tpu.memory_space<vmem>>) dst(%dma_wait3A_71 : memref<10112x64xf32, #tpu.memory_space<vmem_shared>>)
    %dma_start3A_72 = arith.constant 5 : i32
    %dma_start3A_73 = arith.constant 0 : i32
    %dma_start3A_74 = tpu.memref_slice %arg8[%dma_start3A_72, %dma_start3A_73] : memref<160x128xi32, #tpu.memory_space<vmem>> -> memref<1x128xi32, #tpu.memory_space<vmem>>
    %dma_start3A_75 = tpu.memref_squeeze %dma_start3A_74 : memref<1x128xi32, #tpu.memory_space<vmem>> -> memref<128xi32, #tpu.memory_space<vmem>>
    %dma_start3A_76 = arith.constant 0 : i32
    %dma_start3A_77 = arith.constant 0 : i32
    %dma_start3A_78 = tpu.memref_slice %arg2[%dma_start3A_76, %dma_start3A_77] : memref<20000x64xf32, #tpu.memory_space<hbm>> -> memref<20000x64xf32, #tpu.memory_space<hbm>>
    tpu.enqueue_indirect_dma source(%dma_start3A_78 : memref<20000x64xf32, #tpu.memory_space<hbm>>) target(%arg10 : memref<128x64xf32, #tpu.memory_space<vmem>>) offsets(%dma_start3A_75 : memref<128xi32, #tpu.memory_space<vmem>>) semaphore(%arg15 : memref<!tpu.dma_semaphore, #tpu.memory_space<semaphore_mem>>)
    %dma_wait3A_79 = arith.constant 2 : i32
    %dma_wait3A_80 = arith.constant 0 : i32
    %dma_wait3A_81 = tpu.memref_slice %arg8[%dma_wait3A_79, %dma_wait3A_80] : memref<160x128xi32, #tpu.memory_space<vmem>> -> memref<1x128xi32, #tpu.memory_space<vmem>>
    %dma_wait3A_82 = tpu.memref_squeeze %dma_wait3A_81 : memref<1x128xi32, #tpu.memory_space<vmem>> -> memref<128xi32, #tpu.memory_space<vmem>>
    %dma_wait3A_83 = arith.constant 0 : i32
    %dma_wait3A_84 = arith.constant 0 : i32
    %dma_wait3A_85 = tpu.memref_slice %arg2[%dma_wait3A_83, %dma_wait3A_84] : memref<20000x64xf32, #tpu.memory_space<hbm>> -> memref<20000x64xf32, #tpu.memory_space<hbm>>
    tpu.wait_indirect_dma semaphore(%arg17 : memref<!tpu.dma_semaphore, #tpu.memory_space<semaphore_mem>>) src(%dma_wait3A_85 : memref<20000x64xf32, #tpu.memory_space<hbm>>) dst(%arg12 : memref<128x64xf32, #tpu.memory_space<vmem>>)
    %dma_start3A_86 = arith.constant 2 : i32
    %dma_start3A_87 = arith.constant 0 : i32
    %dma_start3A_88 = tpu.memref_slice %arg9[%dma_start3A_86, %dma_start3A_87] : memref<160x128xi32, #tpu.memory_space<vmem>> -> memref<1x128xi32, #tpu.memory_space<vmem>>
    %dma_start3A_89 = tpu.memref_squeeze %dma_start3A_88 : memref<1x128xi32, #tpu.memory_space<vmem>> -> memref<128xi32, #tpu.memory_space<vmem>>
    %dma_start3A_90 = arith.constant 0 : i32
    %dma_start3A_91 = arith.constant 0 : i32
    %dma_start3A_92 = tpu.memref_slice %arg7[%dma_start3A_90, %dma_start3A_91] : memref<10112x64xf32, #tpu.memory_space<vmem_shared>> -> memref<10112x64xf32, #tpu.memory_space<vmem_shared>>
    tpu.enqueue_indirect_dma source(%arg12 : memref<128x64xf32, #tpu.memory_space<vmem>>) target(%dma_start3A_92 : memref<10112x64xf32, #tpu.memory_space<vmem_shared>>) offsets(%dma_start3A_89 : memref<128xi32, #tpu.memory_space<vmem>>) semaphore(%arg22 : memref<!tpu.dma_semaphore, #tpu.memory_space<semaphore_mem>>) {add = true}
    %dma_wait3A_93 = arith.constant 1 : i32
    %dma_wait3A_94 = arith.constant 0 : i32
    %dma_wait3A_95 = tpu.memref_slice %arg9[%dma_wait3A_93, %dma_wait3A_94] : memref<160x128xi32, #tpu.memory_space<vmem>> -> memref<1x128xi32, #tpu.memory_space<vmem>>
    %dma_wait3A_96 = tpu.memref_squeeze %dma_wait3A_95 : memref<1x128xi32, #tpu.memory_space<vmem>> -> memref<128xi32, #tpu.memory_space<vmem>>
    %dma_wait3A_97 = arith.constant 0 : i32
    %dma_wait3A_98 = arith.constant 0 : i32
    %dma_wait3A_99 = tpu.memref_slice %arg7[%dma_wait3A_97, %dma_wait3A_98] : memref<10112x64xf32, #tpu.memory_space<vmem_shared>> -> memref<10112x64xf32, #tpu.memory_space<vmem_shared>>
    tpu.wait_indirect_dma semaphore(%arg21 : memref<!tpu.dma_semaphore, #tpu.memory_space<semaphore_mem>>) src(%arg11 : memref<128x64xf32, #tpu.memory_space<vmem>>) dst(%dma_wait3A_99 : memref<10112x64xf32, #tpu.memory_space<vmem_shared>>)
    %dma_start3A_100 = arith.constant 6 : i32
    %dma_start3A_101 = arith.constant 0 : i32
    %dma_start3A_102 = tpu.memref_slice %arg8[%dma_start3A_100, %dma_start3A_101] : memref<160x128xi32, #tpu.memory_space<vmem>> -> memref<1x128xi32, #tpu.memory_space<vmem>>
    %dma_start3A_103 = tpu.memref_squeeze %dma_start3A_102 : memref<1x128xi32, #tpu.memory_space<vmem>> -> memref<128xi32, #tpu.memory_space<vmem>>
    %dma_start3A_104 = arith.constant 0 : i32
    %dma_start3A_105 = arith.constant 0 : i32
    %dma_start3A_106 = tpu.memref_slice %arg2[%dma_start3A_104, %dma_start3A_105] : memref<20000x64xf32, #tpu.memory_space<hbm>> -> memref<20000x64xf32, #tpu.memory_space<hbm>>
    tpu.enqueue_indirect_dma source(%dma_start3A_106 : memref<20000x64xf32, #tpu.memory_space<hbm>>) target(%arg11 : memref<128x64xf32, #tpu.memory_space<vmem>>) offsets(%dma_start3A_103 : memref<128xi32, #tpu.memory_space<vmem>>) semaphore(%arg16 : memref<!tpu.dma_semaphore, #tpu.memory_space<semaphore_mem>>)
    %dma_wait3A_107 = arith.constant 3 : i32
    %dma_wait3A_108 = arith.constant 0 : i32
    %dma_wait3A_109 = tpu.memref_slice %arg8[%dma_wait3A_107, %dma_wait3A_108] : memref<160x128xi32, #tpu.memory_space<vmem>> -> memref<1x128xi32, #tpu.memory_space<vmem>>
    %dma_wait3A_110 = tpu.memref_squeeze %dma_wait3A_109 : memref<1x128xi32, #tpu.memory_space<vmem>> -> memref<128xi32, #tpu.memory_space<vmem>>
    %dma_wait3A_111 = arith.constant 0 : i32
    %dma_wait3A_112 = arith.constant 0 : i32
    %dma_wait3A_113 = tpu.memref_slice %arg2[%dma_wait3A_111, %dma_wait3A_112] : memref<20000x64xf32, #tpu.memory_space<hbm>> -> memref<20000x64xf32, #tpu.memory_space<hbm>>
    tpu.wait_indirect_dma semaphore(%arg18 : memref<!tpu.dma_semaphore, #tpu.memory_space<semaphore_mem>>) src(%dma_wait3A_113 : memref<20000x64xf32, #tpu.memory_space<hbm>>) dst(%arg13 : memref<128x64xf32, #tpu.memory_space<vmem>>)
    %dma_start3A_114 = arith.constant 3 : i32
    %dma_start3A_115 = arith.constant 0 : i32
    %dma_start3A_116 = tpu.memref_slice %arg9[%dma_start3A_114, %dma_start3A_115] : memref<160x128xi32, #tpu.memory_space<vmem>> -> memref<1x128xi32, #tpu.memory_space<vmem>>
    %dma_start3A_117 = tpu.memref_squeeze %dma_start3A_116 : memref<1x128xi32, #tpu.memory_space<vmem>> -> memref<128xi32, #tpu.memory_space<vmem>>
    %dma_start3A_118 = arith.constant 0 : i32
    %dma_start3A_119 = arith.constant 0 : i32
    %dma_start3A_120 = tpu.memref_slice %arg7[%dma_start3A_118, %dma_start3A_119] : memref<10112x64xf32, #tpu.memory_space<vmem_shared>> -> memref<10112x64xf32, #tpu.memory_space<vmem_shared>>
    tpu.enqueue_indirect_dma source(%arg13 : memref<128x64xf32, #tpu.memory_space<vmem>>) target(%dma_start3A_120 : memref<10112x64xf32, #tpu.memory_space<vmem_shared>>) offsets(%dma_start3A_117 : memref<128xi32, #tpu.memory_space<vmem>>) semaphore(%arg23 : memref<!tpu.dma_semaphore, #tpu.memory_space<semaphore_mem>>) {add = true}
    %dma_wait3A_121 = arith.constant 2 : i32
    %dma_wait3A_122 = arith.constant 0 : i32
    %dma_wait3A_123 = tpu.memref_slice %arg9[%dma_wait3A_121, %dma_wait3A_122] : memref<160x128xi32, #tpu.memory_space<vmem>> -> memref<1x128xi32, #tpu.memory_space<vmem>>
    %dma_wait3A_124 = tpu.memref_squeeze %dma_wait3A_123 : memref<1x128xi32, #tpu.memory_space<vmem>> -> memref<128xi32, #tpu.memory_space<vmem>>
    %dma_wait3A_125 = arith.constant 0 : i32
    %dma_wait3A_126 = arith.constant 0 : i32
    %dma_wait3A_127 = tpu.memref_slice %arg7[%dma_wait3A_125, %dma_wait3A_126] : memref<10112x64xf32, #tpu.memory_space<vmem_shared>> -> memref<10112x64xf32, #tpu.memory_space<vmem_shared>>
    tpu.wait_indirect_dma semaphore(%arg22 : memref<!tpu.dma_semaphore, #tpu.memory_space<semaphore_mem>>) src(%arg12 : memref<128x64xf32, #tpu.memory_space<vmem>>) dst(%dma_wait3A_127 : memref<10112x64xf32, #tpu.memory_space<vmem_shared>>)
    %dma_start3A_128 = arith.constant 7 : i32
    %dma_start3A_129 = arith.constant 0 : i32
    %dma_start3A_130 = tpu.memref_slice %arg8[%dma_start3A_128, %dma_start3A_129] : memref<160x128xi32, #tpu.memory_space<vmem>> -> memref<1x128xi32, #tpu.memory_space<vmem>>
    %dma_start3A_131 = tpu.memref_squeeze %dma_start3A_130 : memref<1x128xi32, #tpu.memory_space<vmem>> -> memref<128xi32, #tpu.memory_space<vmem>>
    %dma_start3A_132 = arith.constant 0 : i32
    %dma_start3A_133 = arith.constant 0 : i32
    %dma_start3A_134 = tpu.memref_slice %arg2[%dma_start3A_132, %dma_start3A_133] : memref<20000x64xf32, #tpu.memory_space<hbm>> -> memref<20000x64xf32, #tpu.memory_space<hbm>>
    tpu.enqueue_indirect_dma source(%dma_start3A_134 : memref<20000x64xf32, #tpu.memory_space<hbm>>) target(%arg12 : memref<128x64xf32, #tpu.memory_space<vmem>>) offsets(%dma_start3A_131 : memref<128xi32, #tpu.memory_space<vmem>>) semaphore(%arg17 : memref<!tpu.dma_semaphore, #tpu.memory_space<semaphore_mem>>)
    %dma_wait3A_135 = arith.constant 4 : i32
    %dma_wait3A_136 = arith.constant 0 : i32
    %dma_wait3A_137 = tpu.memref_slice %arg8[%dma_wait3A_135, %dma_wait3A_136] : memref<160x128xi32, #tpu.memory_space<vmem>> -> memref<1x128xi32, #tpu.memory_space<vmem>>
    %dma_wait3A_138 = tpu.memref_squeeze %dma_wait3A_137 : memref<1x128xi32, #tpu.memory_space<vmem>> -> memref<128xi32, #tpu.memory_space<vmem>>
    %dma_wait3A_139 = arith.constant 0 : i32
    %dma_wait3A_140 = arith.constant 0 : i32
    %dma_wait3A_141 = tpu.memref_slice %arg2[%dma_wait3A_139, %dma_wait3A_140] : memref<20000x64xf32, #tpu.memory_space<hbm>> -> memref<20000x64xf32, #tpu.memory_space<hbm>>
    tpu.wait_indirect_dma semaphore(%arg19 : memref<!tpu.dma_semaphore, #tpu.memory_space<semaphore_mem>>) src(%dma_wait3A_141 : memref<20000x64xf32, #tpu.memory_space<hbm>>) dst(%arg14 : memref<128x64xf32, #tpu.memory_space<vmem>>)
    %dma_start3A_142 = arith.constant 4 : i32
    %dma_start3A_143 = arith.constant 0 : i32
    %dma_start3A_144 = tpu.memref_slice %arg9[%dma_start3A_142, %dma_start3A_143] : memref<160x128xi32, #tpu.memory_space<vmem>> -> memref<1x128xi32, #tpu.memory_space<vmem>>
    %dma_start3A_145 = tpu.memref_squeeze %dma_start3A_144 : memref<1x128xi32, #tpu.memory_space<vmem>> -> memref<128xi32, #tpu.memory_space<vmem>>
    %dma_start3A_146 = arith.constant 0 : i32
    %dma_start3A_147 = arith.constant 0 : i32
    %dma_start3A_148 = tpu.memref_slice %arg7[%dma_start3A_146, %dma_start3A_147] : memref<10112x64xf32, #tpu.memory_space<vmem_shared>> -> memref<10112x64xf32, #tpu.memory_space<vmem_shared>>
    tpu.enqueue_indirect_dma source(%arg14 : memref<128x64xf32, #tpu.memory_space<vmem>>) target(%dma_start3A_148 : memref<10112x64xf32, #tpu.memory_space<vmem_shared>>) offsets(%dma_start3A_145 : memref<128xi32, #tpu.memory_space<vmem>>) semaphore(%arg24 : memref<!tpu.dma_semaphore, #tpu.memory_space<semaphore_mem>>) {add = true}
    %dma_wait3A_149 = arith.constant 3 : i32
    %dma_wait3A_150 = arith.constant 0 : i32
    %dma_wait3A_151 = tpu.memref_slice %arg9[%dma_wait3A_149, %dma_wait3A_150] : memref<160x128xi32, #tpu.memory_space<vmem>> -> memref<1x128xi32, #tpu.memory_space<vmem>>
    %dma_wait3A_152 = tpu.memref_squeeze %dma_wait3A_151 : memref<1x128xi32, #tpu.memory_space<vmem>> -> memref<128xi32, #tpu.memory_space<vmem>>
    %dma_wait3A_153 = arith.constant 0 : i32
    %dma_wait3A_154 = arith.constant 0 : i32
    %dma_wait3A_155 = tpu.memref_slice %arg7[%dma_wait3A_153, %dma_wait3A_154] : memref<10112x64xf32, #tpu.memory_space<vmem_shared>> -> memref<10112x64xf32, #tpu.memory_space<vmem_shared>>
    tpu.wait_indirect_dma semaphore(%arg23 : memref<!tpu.dma_semaphore, #tpu.memory_space<semaphore_mem>>) src(%arg13 : memref<128x64xf32, #tpu.memory_space<vmem>>) dst(%dma_wait3A_155 : memref<10112x64xf32, #tpu.memory_space<vmem_shared>>)
    %dma_start3A_156 = arith.constant 8 : i32
    %dma_start3A_157 = arith.constant 0 : i32
    %dma_start3A_158 = tpu.memref_slice %arg8[%dma_start3A_156, %dma_start3A_157] : memref<160x128xi32, #tpu.memory_space<vmem>> -> memref<1x128xi32, #tpu.memory_space<vmem>>
    %dma_start3A_159 = tpu.memref_squeeze %dma_start3A_158 : memref<1x128xi32, #tpu.memory_space<vmem>> -> memref<128xi32, #tpu.memory_space<vmem>>
    %dma_start3A_160 = arith.constant 0 : i32
    %dma_start3A_161 = arith.constant 0 : i32
    %dma_start3A_162 = tpu.memref_slice %arg2[%dma_start3A_160, %dma_start3A_161] : memref<20000x64xf32, #tpu.memory_space<hbm>> -> memref<20000x64xf32, #tpu.memory_space<hbm>>
    tpu.enqueue_indirect_dma source(%dma_start3A_162 : memref<20000x64xf32, #tpu.memory_space<hbm>>) target(%arg13 : memref<128x64xf32, #tpu.memory_space<vmem>>) offsets(%dma_start3A_159 : memref<128xi32, #tpu.memory_space<vmem>>) semaphore(%arg18 : memref<!tpu.dma_semaphore, #tpu.memory_space<semaphore_mem>>)
    %scan3A = arith.constant 0 : i32
    %scan3A_163 = arith.constant 1 : i32
    %scan3A_164 = arith.constant 30 : i32
    %scan3A_165 = arith.addi %scan3A_163, %scan3A_164 : i32
    %scan3A_166 = arith.constant 1 : i32
    scf.for %scan3A_222 = %scan3A_163 to %scan3A_165 step %scan3A_166  : i32 {
      %mul3A_223 = arith.constant 5 : i32
      %mul3A_224 = arith.muli %mul3A_223, %scan3A_222 : i32
      %add3A = arith.constant 0 : i32
      %add3A_225 = arith.addi %mul3A_224, %add3A : i32
      %dma_wait3A_226 = arith.constant 0 : i32
      %dma_wait3A_227 = tpu.memref_slice %arg8[%add3A_225, %dma_wait3A_226] : memref<160x128xi32, #tpu.memory_space<vmem>> -> memref<1x128xi32, #tpu.memory_space<vmem>>
      %dma_wait3A_228 = tpu.memref_squeeze %dma_wait3A_227 : memref<1x128xi32, #tpu.memory_space<vmem>> -> memref<128xi32, #tpu.memory_space<vmem>>
      %dma_wait3A_229 = arith.constant 0 : i32
      %dma_wait3A_230 = arith.constant 0 : i32
      %dma_wait3A_231 = tpu.memref_slice %arg2[%dma_wait3A_229, %dma_wait3A_230] : memref<20000x64xf32, #tpu.memory_space<hbm>> -> memref<20000x64xf32, #tpu.memory_space<hbm>>
      tpu.wait_indirect_dma semaphore(%arg15 : memref<!tpu.dma_semaphore, #tpu.memory_space<semaphore_mem>>) src(%dma_wait3A_231 : memref<20000x64xf32, #tpu.memory_space<hbm>>) dst(%arg10 : memref<128x64xf32, #tpu.memory_space<vmem>>)
      %dma_start3A_232 = arith.constant 0 : i32
      %dma_start3A_233 = tpu.memref_slice %arg9[%add3A_225, %dma_start3A_232] : memref<160x128xi32, #tpu.memory_space<vmem>> -> memref<1x128xi32, #tpu.memory_space<vmem>>
      %dma_start3A_234 = tpu.memref_squeeze %dma_start3A_233 : memref<1x128xi32, #tpu.memory_space<vmem>> -> memref<128xi32, #tpu.memory_space<vmem>>
      %dma_start3A_235 = arith.constant 0 : i32
      %dma_start3A_236 = arith.constant 0 : i32
      %dma_start3A_237 = tpu.memref_slice %arg7[%dma_start3A_235, %dma_start3A_236] : memref<10112x64xf32, #tpu.memory_space<vmem_shared>> -> memref<10112x64xf32, #tpu.memory_space<vmem_shared>>
      tpu.enqueue_indirect_dma source(%arg10 : memref<128x64xf32, #tpu.memory_space<vmem>>) target(%dma_start3A_237 : memref<10112x64xf32, #tpu.memory_space<vmem_shared>>) offsets(%dma_start3A_234 : memref<128xi32, #tpu.memory_space<vmem>>) semaphore(%arg20 : memref<!tpu.dma_semaphore, #tpu.memory_space<semaphore_mem>>) {add = true}
      %sub3A = arith.constant 1 : i32
      %sub3A_238 = arith.subi %add3A_225, %sub3A : i32
      %dma_wait3A_239 = arith.constant 0 : i32
      %dma_wait3A_240 = tpu.memref_slice %arg9[%sub3A_238, %dma_wait3A_239] : memref<160x128xi32, #tpu.memory_space<vmem>> -> memref<1x128xi32, #tpu.memory_space<vmem>>
      %dma_wait3A_241 = tpu.memref_squeeze %dma_wait3A_240 : memref<1x128xi32, #tpu.memory_space<vmem>> -> memref<128xi32, #tpu.memory_space<vmem>>
      %dma_wait3A_242 = arith.constant 0 : i32
      %dma_wait3A_243 = arith.constant 0 : i32
      %dma_wait3A_244 = tpu.memref_slice %arg7[%dma_wait3A_242, %dma_wait3A_243] : memref<10112x64xf32, #tpu.memory_space<vmem_shared>> -> memref<10112x64xf32, #tpu.memory_space<vmem_shared>>
      tpu.wait_indirect_dma semaphore(%arg24 : memref<!tpu.dma_semaphore, #tpu.memory_space<semaphore_mem>>) src(%arg14 : memref<128x64xf32, #tpu.memory_space<vmem>>) dst(%dma_wait3A_244 : memref<10112x64xf32, #tpu.memory_space<vmem_shared>>)
      %add3A_245 = arith.constant 4 : i32
      %add3A_246 = arith.addi %add3A_225, %add3A_245 : i32
      %dma_start3A_247 = arith.constant 0 : i32
      %dma_start3A_248 = tpu.memref_slice %arg8[%add3A_246, %dma_start3A_247] : memref<160x128xi32, #tpu.memory_space<vmem>> -> memref<1x128xi32, #tpu.memory_space<vmem>>
      %dma_start3A_249 = tpu.memref_squeeze %dma_start3A_248 : memref<1x128xi32, #tpu.memory_space<vmem>> -> memref<128xi32, #tpu.memory_space<vmem>>
      %dma_start3A_250 = arith.constant 0 : i32
      %dma_start3A_251 = arith.constant 0 : i32
      %dma_start3A_252 = tpu.memref_slice %arg2[%dma_start3A_250, %dma_start3A_251] : memref<20000x64xf32, #tpu.memory_space<hbm>> -> memref<20000x64xf32, #tpu.memory_space<hbm>>
      tpu.enqueue_indirect_dma source(%dma_start3A_252 : memref<20000x64xf32, #tpu.memory_space<hbm>>) target(%arg14 : memref<128x64xf32, #tpu.memory_space<vmem>>) offsets(%dma_start3A_249 : memref<128xi32, #tpu.memory_space<vmem>>) semaphore(%arg19 : memref<!tpu.dma_semaphore, #tpu.memory_space<semaphore_mem>>)
      %mul3A_253 = arith.constant 5 : i32
      %mul3A_254 = arith.muli %mul3A_253, %scan3A_222 : i32
      %add3A_255 = arith.constant 1 : i32
      %add3A_256 = arith.addi %mul3A_254, %add3A_255 : i32
      %dma_wait3A_257 = arith.constant 0 : i32
      %dma_wait3A_258 = tpu.memref_slice %arg8[%add3A_256, %dma_wait3A_257] : memref<160x128xi32, #tpu.memory_space<vmem>> -> memref<1x128xi32, #tpu.memory_space<vmem>>
      %dma_wait3A_259 = tpu.memref_squeeze %dma_wait3A_258 : memref<1x128xi32, #tpu.memory_space<vmem>> -> memref<128xi32, #tpu.memory_space<vmem>>
      %dma_wait3A_260 = arith.constant 0 : i32
      %dma_wait3A_261 = arith.constant 0 : i32
      %dma_wait3A_262 = tpu.memref_slice %arg2[%dma_wait3A_260, %dma_wait3A_261] : memref<20000x64xf32, #tpu.memory_space<hbm>> -> memref<20000x64xf32, #tpu.memory_space<hbm>>
      tpu.wait_indirect_dma semaphore(%arg16 : memref<!tpu.dma_semaphore, #tpu.memory_space<semaphore_mem>>) src(%dma_wait3A_262 : memref<20000x64xf32, #tpu.memory_space<hbm>>) dst(%arg11 : memref<128x64xf32, #tpu.memory_space<vmem>>)
      %dma_start3A_263 = arith.constant 0 : i32
      %dma_start3A_264 = tpu.memref_slice %arg9[%add3A_256, %dma_start3A_263] : memref<160x128xi32, #tpu.memory_space<vmem>> -> memref<1x128xi32, #tpu.memory_space<vmem>>
      %dma_start3A_265 = tpu.memref_squeeze %dma_start3A_264 : memref<1x128xi32, #tpu.memory_space<vmem>> -> memref<128xi32, #tpu.memory_space<vmem>>
      %dma_start3A_266 = arith.constant 0 : i32
      %dma_start3A_267 = arith.constant 0 : i32
      %dma_start3A_268 = tpu.memref_slice %arg7[%dma_start3A_266, %dma_start3A_267] : memref<10112x64xf32, #tpu.memory_space<vmem_shared>> -> memref<10112x64xf32, #tpu.memory_space<vmem_shared>>
      tpu.enqueue_indirect_dma source(%arg11 : memref<128x64xf32, #tpu.memory_space<vmem>>) target(%dma_start3A_268 : memref<10112x64xf32, #tpu.memory_space<vmem_shared>>) offsets(%dma_start3A_265 : memref<128xi32, #tpu.memory_space<vmem>>) semaphore(%arg21 : memref<!tpu.dma_semaphore, #tpu.memory_space<semaphore_mem>>) {add = true}
      %sub3A_269 = arith.constant 1 : i32
      %sub3A_270 = arith.subi %add3A_256, %sub3A_269 : i32
      %dma_wait3A_271 = arith.constant 0 : i32
      %dma_wait3A_272 = tpu.memref_slice %arg9[%sub3A_270, %dma_wait3A_271] : memref<160x128xi32, #tpu.memory_space<vmem>> -> memref<1x128xi32, #tpu.memory_space<vmem>>
      %dma_wait3A_273 = tpu.memref_squeeze %dma_wait3A_272 : memref<1x128xi32, #tpu.memory_space<vmem>> -> memref<128xi32, #tpu.memory_space<vmem>>
      %dma_wait3A_274 = arith.constant 0 : i32
      %dma_wait3A_275 = arith.constant 0 : i32
      %dma_wait3A_276 = tpu.memref_slice %arg7[%dma_wait3A_274, %dma_wait3A_275] : memref<10112x64xf32, #tpu.memory_space<vmem_shared>> -> memref<10112x64xf32, #tpu.memory_space<vmem_shared>>
      tpu.wait_indirect_dma semaphore(%arg20 : memref<!tpu.dma_semaphore, #tpu.memory_space<semaphore_mem>>) src(%arg10 : memref<128x64xf32, #tpu.memory_space<vmem>>) dst(%dma_wait3A_276 : memref<10112x64xf32, #tpu.memory_space<vmem_shared>>)
      %add3A_277 = arith.constant 4 : i32
      %add3A_278 = arith.addi %add3A_256, %add3A_277 : i32
      %dma_start3A_279 = arith.constant 0 : i32
      %dma_start3A_280 = tpu.memref_slice %arg8[%add3A_278, %dma_start3A_279] : memref<160x128xi32, #tpu.memory_space<vmem>> -> memref<1x128xi32, #tpu.memory_space<vmem>>
      %dma_start3A_281 = tpu.memref_squeeze %dma_start3A_280 : memref<1x128xi32, #tpu.memory_space<vmem>> -> memref<128xi32, #tpu.memory_space<vmem>>
      %dma_start3A_282 = arith.constant 0 : i32
      %dma_start3A_283 = arith.constant 0 : i32
      %dma_start3A_284 = tpu.memref_slice %arg2[%dma_start3A_282, %dma_start3A_283] : memref<20000x64xf32, #tpu.memory_space<hbm>> -> memref<20000x64xf32, #tpu.memory_space<hbm>>
      tpu.enqueue_indirect_dma source(%dma_start3A_284 : memref<20000x64xf32, #tpu.memory_space<hbm>>) target(%arg10 : memref<128x64xf32, #tpu.memory_space<vmem>>) offsets(%dma_start3A_281 : memref<128xi32, #tpu.memory_space<vmem>>) semaphore(%arg15 : memref<!tpu.dma_semaphore, #tpu.memory_space<semaphore_mem>>)
      %mul3A_285 = arith.constant 5 : i32
      %mul3A_286 = arith.muli %mul3A_285, %scan3A_222 : i32
      %add3A_287 = arith.constant 2 : i32
      %add3A_288 = arith.addi %mul3A_286, %add3A_287 : i32
      %dma_wait3A_289 = arith.constant 0 : i32
      %dma_wait3A_290 = tpu.memref_slice %arg8[%add3A_288, %dma_wait3A_289] : memref<160x128xi32, #tpu.memory_space<vmem>> -> memref<1x128xi32, #tpu.memory_space<vmem>>
      %dma_wait3A_291 = tpu.memref_squeeze %dma_wait3A_290 : memref<1x128xi32, #tpu.memory_space<vmem>> -> memref<128xi32, #tpu.memory_space<vmem>>
      %dma_wait3A_292 = arith.constant 0 : i32
      %dma_wait3A_293 = arith.constant 0 : i32
      %dma_wait3A_294 = tpu.memref_slice %arg2[%dma_wait3A_292, %dma_wait3A_293] : memref<20000x64xf32, #tpu.memory_space<hbm>> -> memref<20000x64xf32, #tpu.memory_space<hbm>>
      tpu.wait_indirect_dma semaphore(%arg17 : memref<!tpu.dma_semaphore, #tpu.memory_space<semaphore_mem>>) src(%dma_wait3A_294 : memref<20000x64xf32, #tpu.memory_space<hbm>>) dst(%arg12 : memref<128x64xf32, #tpu.memory_space<vmem>>)
      %dma_start3A_295 = arith.constant 0 : i32
      %dma_start3A_296 = tpu.memref_slice %arg9[%add3A_288, %dma_start3A_295] : memref<160x128xi32, #tpu.memory_space<vmem>> -> memref<1x128xi32, #tpu.memory_space<vmem>>
      %dma_start3A_297 = tpu.memref_squeeze %dma_start3A_296 : memref<1x128xi32, #tpu.memory_space<vmem>> -> memref<128xi32, #tpu.memory_space<vmem>>
      %dma_start3A_298 = arith.constant 0 : i32
      %dma_start3A_299 = arith.constant 0 : i32
      %dma_start3A_300 = tpu.memref_slice %arg7[%dma_start3A_298, %dma_start3A_299] : memref<10112x64xf32, #tpu.memory_space<vmem_shared>> -> memref<10112x64xf32, #tpu.memory_space<vmem_shared>>
      tpu.enqueue_indirect_dma source(%arg12 : memref<128x64xf32, #tpu.memory_space<vmem>>) target(%dma_start3A_300 : memref<10112x64xf32, #tpu.memory_space<vmem_shared>>) offsets(%dma_start3A_297 : memref<128xi32, #tpu.memory_space<vmem>>) semaphore(%arg22 : memref<!tpu.dma_semaphore, #tpu.memory_space<semaphore_mem>>) {add = true}
      %sub3A_301 = arith.constant 1 : i32
      %sub3A_302 = arith.subi %add3A_288, %sub3A_301 : i32
      %dma_wait3A_303 = arith.constant 0 : i32
      %dma_wait3A_304 = tpu.memref_slice %arg9[%sub3A_302, %dma_wait3A_303] : memref<160x128xi32, #tpu.memory_space<vmem>> -> memref<1x128xi32, #tpu.memory_space<vmem>>
      %dma_wait3A_305 = tpu.memref_squeeze %dma_wait3A_304 : memref<1x128xi32, #tpu.memory_space<vmem>> -> memref<128xi32, #tpu.memory_space<vmem>>
      %dma_wait3A_306 = arith.constant 0 : i32
      %dma_wait3A_307 = arith.constant 0 : i32
      %dma_wait3A_308 = tpu.memref_slice %arg7[%dma_wait3A_306, %dma_wait3A_307] : memref<10112x64xf32, #tpu.memory_space<vmem_shared>> -> memref<10112x64xf32, #tpu.memory_space<vmem_shared>>
      tpu.wait_indirect_dma semaphore(%arg21 : memref<!tpu.dma_semaphore, #tpu.memory_space<semaphore_mem>>) src(%arg11 : memref<128x64xf32, #tpu.memory_space<vmem>>) dst(%dma_wait3A_308 : memref<10112x64xf32, #tpu.memory_space<vmem_shared>>)
      %add3A_309 = arith.constant 4 : i32
      %add3A_310 = arith.addi %add3A_288, %add3A_309 : i32
      %dma_start3A_311 = arith.constant 0 : i32
      %dma_start3A_312 = tpu.memref_slice %arg8[%add3A_310, %dma_start3A_311] : memref<160x128xi32, #tpu.memory_space<vmem>> -> memref<1x128xi32, #tpu.memory_space<vmem>>
      %dma_start3A_313 = tpu.memref_squeeze %dma_start3A_312 : memref<1x128xi32, #tpu.memory_space<vmem>> -> memref<128xi32, #tpu.memory_space<vmem>>
      %dma_start3A_314 = arith.constant 0 : i32
      %dma_start3A_315 = arith.constant 0 : i32
      %dma_start3A_316 = tpu.memref_slice %arg2[%dma_start3A_314, %dma_start3A_315] : memref<20000x64xf32, #tpu.memory_space<hbm>> -> memref<20000x64xf32, #tpu.memory_space<hbm>>
      tpu.enqueue_indirect_dma source(%dma_start3A_316 : memref<20000x64xf32, #tpu.memory_space<hbm>>) target(%arg11 : memref<128x64xf32, #tpu.memory_space<vmem>>) offsets(%dma_start3A_313 : memref<128xi32, #tpu.memory_space<vmem>>) semaphore(%arg16 : memref<!tpu.dma_semaphore, #tpu.memory_space<semaphore_mem>>)
      %mul3A_317 = arith.constant 5 : i32
      %mul3A_318 = arith.muli %mul3A_317, %scan3A_222 : i32
      %add3A_319 = arith.constant 3 : i32
      %add3A_320 = arith.addi %mul3A_318, %add3A_319 : i32
      %dma_wait3A_321 = arith.constant 0 : i32
      %dma_wait3A_322 = tpu.memref_slice %arg8[%add3A_320, %dma_wait3A_321] : memref<160x128xi32, #tpu.memory_space<vmem>> -> memref<1x128xi32, #tpu.memory_space<vmem>>
      %dma_wait3A_323 = tpu.memref_squeeze %dma_wait3A_322 : memref<1x128xi32, #tpu.memory_space<vmem>> -> memref<128xi32, #tpu.memory_space<vmem>>
      %dma_wait3A_324 = arith.constant 0 : i32
      %dma_wait3A_325 = arith.constant 0 : i32
      %dma_wait3A_326 = tpu.memref_slice %arg2[%dma_wait3A_324, %dma_wait3A_325] : memref<20000x64xf32, #tpu.memory_space<hbm>> -> memref<20000x64xf32, #tpu.memory_space<hbm>>
      tpu.wait_indirect_dma semaphore(%arg18 : memref<!tpu.dma_semaphore, #tpu.memory_space<semaphore_mem>>) src(%dma_wait3A_326 : memref<20000x64xf32, #tpu.memory_space<hbm>>) dst(%arg13 : memref<128x64xf32, #tpu.memory_space<vmem>>)
      %dma_start3A_327 = arith.constant 0 : i32
      %dma_start3A_328 = tpu.memref_slice %arg9[%add3A_320, %dma_start3A_327] : memref<160x128xi32, #tpu.memory_space<vmem>> -> memref<1x128xi32, #tpu.memory_space<vmem>>
      %dma_start3A_329 = tpu.memref_squeeze %dma_start3A_328 : memref<1x128xi32, #tpu.memory_space<vmem>> -> memref<128xi32, #tpu.memory_space<vmem>>
      %dma_start3A_330 = arith.constant 0 : i32
      %dma_start3A_331 = arith.constant 0 : i32
      %dma_start3A_332 = tpu.memref_slice %arg7[%dma_start3A_330, %dma_start3A_331] : memref<10112x64xf32, #tpu.memory_space<vmem_shared>> -> memref<10112x64xf32, #tpu.memory_space<vmem_shared>>
      tpu.enqueue_indirect_dma source(%arg13 : memref<128x64xf32, #tpu.memory_space<vmem>>) target(%dma_start3A_332 : memref<10112x64xf32, #tpu.memory_space<vmem_shared>>) offsets(%dma_start3A_329 : memref<128xi32, #tpu.memory_space<vmem>>) semaphore(%arg23 : memref<!tpu.dma_semaphore, #tpu.memory_space<semaphore_mem>>) {add = true}
      %sub3A_333 = arith.constant 1 : i32
      %sub3A_334 = arith.subi %add3A_320, %sub3A_333 : i32
      %dma_wait3A_335 = arith.constant 0 : i32
      %dma_wait3A_336 = tpu.memref_slice %arg9[%sub3A_334, %dma_wait3A_335] : memref<160x128xi32, #tpu.memory_space<vmem>> -> memref<1x128xi32, #tpu.memory_space<vmem>>
      %dma_wait3A_337 = tpu.memref_squeeze %dma_wait3A_336 : memref<1x128xi32, #tpu.memory_space<vmem>> -> memref<128xi32, #tpu.memory_space<vmem>>
      %dma_wait3A_338 = arith.constant 0 : i32
      %dma_wait3A_339 = arith.constant 0 : i32
      %dma_wait3A_340 = tpu.memref_slice %arg7[%dma_wait3A_338, %dma_wait3A_339] : memref<10112x64xf32, #tpu.memory_space<vmem_shared>> -> memref<10112x64xf32, #tpu.memory_space<vmem_shared>>
      tpu.wait_indirect_dma semaphore(%arg22 : memref<!tpu.dma_semaphore, #tpu.memory_space<semaphore_mem>>) src(%arg12 : memref<128x64xf32, #tpu.memory_space<vmem>>) dst(%dma_wait3A_340 : memref<10112x64xf32, #tpu.memory_space<vmem_shared>>)
      %add3A_341 = arith.constant 4 : i32
      %add3A_342 = arith.addi %add3A_320, %add3A_341 : i32
      %dma_start3A_343 = arith.constant 0 : i32
      %dma_start3A_344 = tpu.memref_slice %arg8[%add3A_342, %dma_start3A_343] : memref<160x128xi32, #tpu.memory_space<vmem>> -> memref<1x128xi32, #tpu.memory_space<vmem>>
      %dma_start3A_345 = tpu.memref_squeeze %dma_start3A_344 : memref<1x128xi32, #tpu.memory_space<vmem>> -> memref<128xi32, #tpu.memory_space<vmem>>
      %dma_start3A_346 = arith.constant 0 : i32
      %dma_start3A_347 = arith.constant 0 : i32
      %dma_start3A_348 = tpu.memref_slice %arg2[%dma_start3A_346, %dma_start3A_347] : memref<20000x64xf32, #tpu.memory_space<hbm>> -> memref<20000x64xf32, #tpu.memory_space<hbm>>
      tpu.enqueue_indirect_dma source(%dma_start3A_348 : memref<20000x64xf32, #tpu.memory_space<hbm>>) target(%arg12 : memref<128x64xf32, #tpu.memory_space<vmem>>) offsets(%dma_start3A_345 : memref<128xi32, #tpu.memory_space<vmem>>) semaphore(%arg17 : memref<!tpu.dma_semaphore, #tpu.memory_space<semaphore_mem>>)
      %mul3A_349 = arith.constant 5 : i32
      %mul3A_350 = arith.muli %mul3A_349, %scan3A_222 : i32
      %add3A_351 = arith.constant 4 : i32
      %add3A_352 = arith.addi %mul3A_350, %add3A_351 : i32
      %dma_wait3A_353 = arith.constant 0 : i32
      %dma_wait3A_354 = tpu.memref_slice %arg8[%add3A_352, %dma_wait3A_353] : memref<160x128xi32, #tpu.memory_space<vmem>> -> memref<1x128xi32, #tpu.memory_space<vmem>>
      %dma_wait3A_355 = tpu.memref_squeeze %dma_wait3A_354 : memref<1x128xi32, #tpu.memory_space<vmem>> -> memref<128xi32, #tpu.memory_space<vmem>>
      %dma_wait3A_356 = arith.constant 0 : i32
      %dma_wait3A_357 = arith.constant 0 : i32
      %dma_wait3A_358 = tpu.memref_slice %arg2[%dma_wait3A_356, %dma_wait3A_357] : memref<20000x64xf32, #tpu.memory_space<hbm>> -> memref<20000x64xf32, #tpu.memory_space<hbm>>
      tpu.wait_indirect_dma semaphore(%arg19 : memref<!tpu.dma_semaphore, #tpu.memory_space<semaphore_mem>>) src(%dma_wait3A_358 : memref<20000x64xf32, #tpu.memory_space<hbm>>) dst(%arg14 : memref<128x64xf32, #tpu.memory_space<vmem>>)
      %dma_start3A_359 = arith.constant 0 : i32
      %dma_start3A_360 = tpu.memref_slice %arg9[%add3A_352, %dma_start3A_359] : memref<160x128xi32, #tpu.memory_space<vmem>> -> memref<1x128xi32, #tpu.memory_space<vmem>>
      %dma_start3A_361 = tpu.memref_squeeze %dma_start3A_360 : memref<1x128xi32, #tpu.memory_space<vmem>> -> memref<128xi32, #tpu.memory_space<vmem>>
      %dma_start3A_362 = arith.constant 0 : i32
      %dma_start3A_363 = arith.constant 0 : i32
      %dma_start3A_364 = tpu.memref_slice %arg7[%dma_start3A_362, %dma_start3A_363] : memref<10112x64xf32, #tpu.memory_space<vmem_shared>> -> memref<10112x64xf32, #tpu.memory_space<vmem_shared>>
      tpu.enqueue_indirect_dma source(%arg14 : memref<128x64xf32, #tpu.memory_space<vmem>>) target(%dma_start3A_364 : memref<10112x64xf32, #tpu.memory_space<vmem_shared>>) offsets(%dma_start3A_361 : memref<128xi32, #tpu.memory_space<vmem>>) semaphore(%arg24 : memref<!tpu.dma_semaphore, #tpu.memory_space<semaphore_mem>>) {add = true}
      %sub3A_365 = arith.constant 1 : i32
      %sub3A_366 = arith.subi %add3A_352, %sub3A_365 : i32
      %dma_wait3A_367 = arith.constant 0 : i32
      %dma_wait3A_368 = tpu.memref_slice %arg9[%sub3A_366, %dma_wait3A_367] : memref<160x128xi32, #tpu.memory_space<vmem>> -> memref<1x128xi32, #tpu.memory_space<vmem>>
      %dma_wait3A_369 = tpu.memref_squeeze %dma_wait3A_368 : memref<1x128xi32, #tpu.memory_space<vmem>> -> memref<128xi32, #tpu.memory_space<vmem>>
      %dma_wait3A_370 = arith.constant 0 : i32
      %dma_wait3A_371 = arith.constant 0 : i32
      %dma_wait3A_372 = tpu.memref_slice %arg7[%dma_wait3A_370, %dma_wait3A_371] : memref<10112x64xf32, #tpu.memory_space<vmem_shared>> -> memref<10112x64xf32, #tpu.memory_space<vmem_shared>>
      tpu.wait_indirect_dma semaphore(%arg23 : memref<!tpu.dma_semaphore, #tpu.memory_space<semaphore_mem>>) src(%arg13 : memref<128x64xf32, #tpu.memory_space<vmem>>) dst(%dma_wait3A_372 : memref<10112x64xf32, #tpu.memory_space<vmem_shared>>)
      %add3A_373 = arith.constant 4 : i32
      %add3A_374 = arith.addi %add3A_352, %add3A_373 : i32
      %dma_start3A_375 = arith.constant 0 : i32
      %dma_start3A_376 = tpu.memref_slice %arg8[%add3A_374, %dma_start3A_375] : memref<160x128xi32, #tpu.memory_space<vmem>> -> memref<1x128xi32, #tpu.memory_space<vmem>>
      %dma_start3A_377 = tpu.memref_squeeze %dma_start3A_376 : memref<1x128xi32, #tpu.memory_space<vmem>> -> memref<128xi32, #tpu.memory_space<vmem>>
      %dma_start3A_378 = arith.constant 0 : i32
      %dma_start3A_379 = arith.constant 0 : i32
      %dma_start3A_380 = tpu.memref_slice %arg2[%dma_start3A_378, %dma_start3A_379] : memref<20000x64xf32, #tpu.memory_space<hbm>> -> memref<20000x64xf32, #tpu.memory_space<hbm>>
      tpu.enqueue_indirect_dma source(%dma_start3A_380 : memref<20000x64xf32, #tpu.memory_space<hbm>>) target(%arg13 : memref<128x64xf32, #tpu.memory_space<vmem>>) offsets(%dma_start3A_377 : memref<128xi32, #tpu.memory_space<vmem>>) semaphore(%arg18 : memref<!tpu.dma_semaphore, #tpu.memory_space<semaphore_mem>>)
    }
    %scan3A_167 = arith.constant 30 : i32
    %dma_wait3A_168 = arith.constant 154 : i32
    %dma_wait3A_169 = arith.constant 0 : i32
    %dma_wait3A_170 = tpu.memref_slice %arg9[%dma_wait3A_168, %dma_wait3A_169] : memref<160x128xi32, #tpu.memory_space<vmem>> -> memref<1x128xi32, #tpu.memory_space<vmem>>
    %dma_wait3A_171 = tpu.memref_squeeze %dma_wait3A_170 : memref<1x128xi32, #tpu.memory_space<vmem>> -> memref<128xi32, #tpu.memory_space<vmem>>
    %dma_wait3A_172 = arith.constant 0 : i32
    %dma_wait3A_173 = arith.constant 0 : i32
    %dma_wait3A_174 = tpu.memref_slice %arg7[%dma_wait3A_172, %dma_wait3A_173] : memref<10112x64xf32, #tpu.memory_space<vmem_shared>> -> memref<10112x64xf32, #tpu.memory_space<vmem_shared>>
    tpu.wait_indirect_dma semaphore(%arg24 : memref<!tpu.dma_semaphore, #tpu.memory_space<semaphore_mem>>) src(%arg14 : memref<128x64xf32, #tpu.memory_space<vmem>>) dst(%dma_wait3A_174 : memref<10112x64xf32, #tpu.memory_space<vmem_shared>>)
    %dma_start3A_175 = arith.constant 159 : i32
    %dma_start3A_176 = arith.constant 0 : i32
    %dma_start3A_177 = tpu.memref_slice %arg8[%dma_start3A_175, %dma_start3A_176] : memref<160x128xi32, #tpu.memory_space<vmem>> -> memref<1x128xi32, #tpu.memory_space<vmem>>
    %dma_start3A_178 = tpu.memref_squeeze %dma_start3A_177 : memref<1x128xi32, #tpu.memory_space<vmem>> -> memref<128xi32, #tpu.memory_space<vmem>>
    %dma_start3A_179 = arith.constant 0 : i32
    %dma_start3A_180 = arith.constant 0 : i32
    %dma_start3A_181 = tpu.memref_slice %arg2[%dma_start3A_179, %dma_start3A_180] : memref<20000x64xf32, #tpu.memory_space<hbm>> -> memref<20000x64xf32, #tpu.memory_space<hbm>>
    tpu.enqueue_indirect_dma source(%dma_start3A_181 : memref<20000x64xf32, #tpu.memory_space<hbm>>) target(%arg14 : memref<128x64xf32, #tpu.memory_space<vmem>>) offsets(%dma_start3A_178 : memref<128xi32, #tpu.memory_space<vmem>>) semaphore(%arg19 : memref<!tpu.dma_semaphore, #tpu.memory_space<semaphore_mem>>)
    %dma_wait3A_182 = arith.constant 155 : i32
    %dma_wait3A_183 = arith.constant 0 : i32
    %dma_wait3A_184 = tpu.memref_slice %arg8[%dma_wait3A_182, %dma_wait3A_183] : memref<160x128xi32, #tpu.memory_space<vmem>> -> memref<1x128xi32, #tpu.memory_space<vmem>>
    %dma_wait3A_185 = tpu.memref_squeeze %dma_wait3A_184 : memref<1x128xi32, #tpu.memory_space<vmem>> -> memref<128xi32, #tpu.memory_space<vmem>>
    %dma_wait3A_186 = arith.constant 0 : i32
    %dma_wait3A_187 = arith.constant 0 : i32
    %dma_wait3A_188 = tpu.memref_slice %arg2[%dma_wait3A_186, %dma_wait3A_187] : memref<20000x64xf32, #tpu.memory_space<hbm>> -> memref<20000x64xf32, #tpu.memory_space<hbm>>
    tpu.wait_indirect_dma semaphore(%arg15 : memref<!tpu.dma_semaphore, #tpu.memory_space<semaphore_mem>>) src(%dma_wait3A_188 : memref<20000x64xf32, #tpu.memory_space<hbm>>) dst(%arg10 : memref<128x64xf32, #tpu.memory_space<vmem>>)
    %run_scoped3A = arith.constant 155 : i32
    "tpu.region"() ({
      %run_scoped3A_222 = tpu.sem_alloc : memref<!tpu.dma_semaphore, #tpu.memory_space<semaphore_mem>>
      %dma_start3A_223 = arith.constant 0 : i32
      %dma_start3A_224 = tpu.memref_slice %arg9[%run_scoped3A, %dma_start3A_223] : memref<160x128xi32, #tpu.memory_space<vmem>> -> memref<1x128xi32, #tpu.memory_space<vmem>>
      %dma_start3A_225 = tpu.memref_squeeze %dma_start3A_224 : memref<1x128xi32, #tpu.memory_space<vmem>> -> memref<128xi32, #tpu.memory_space<vmem>>
      %dma_start3A_226 = arith.constant 0 : i32
      %dma_start3A_227 = arith.constant 0 : i32
      %dma_start3A_228 = tpu.memref_slice %arg7[%dma_start3A_226, %dma_start3A_227] : memref<10112x64xf32, #tpu.memory_space<vmem_shared>> -> memref<10112x64xf32, #tpu.memory_space<vmem_shared>>
      tpu.enqueue_indirect_dma source(%arg10 : memref<128x64xf32, #tpu.memory_space<vmem>>) target(%dma_start3A_228 : memref<10112x64xf32, #tpu.memory_space<vmem_shared>>) offsets(%dma_start3A_225 : memref<128xi32, #tpu.memory_space<vmem>>) semaphore(%run_scoped3A_222 : memref<!tpu.dma_semaphore, #tpu.memory_space<semaphore_mem>>) {add = true}
      %dma_wait3A_229 = arith.constant 0 : i32
      %dma_wait3A_230 = tpu.memref_slice %arg9[%run_scoped3A, %dma_wait3A_229] : memref<160x128xi32, #tpu.memory_space<vmem>> -> memref<1x128xi32, #tpu.memory_space<vmem>>
      %dma_wait3A_231 = tpu.memref_squeeze %dma_wait3A_230 : memref<1x128xi32, #tpu.memory_space<vmem>> -> memref<128xi32, #tpu.memory_space<vmem>>
      %dma_wait3A_232 = arith.constant 0 : i32
      %dma_wait3A_233 = arith.constant 0 : i32
      %dma_wait3A_234 = tpu.memref_slice %arg7[%dma_wait3A_232, %dma_wait3A_233] : memref<10112x64xf32, #tpu.memory_space<vmem_shared>> -> memref<10112x64xf32, #tpu.memory_space<vmem_shared>>
      tpu.wait_indirect_dma semaphore(%run_scoped3A_222 : memref<!tpu.dma_semaphore, #tpu.memory_space<semaphore_mem>>) src(%arg10 : memref<128x64xf32, #tpu.memory_space<vmem>>) dst(%dma_wait3A_234 : memref<10112x64xf32, #tpu.memory_space<vmem_shared>>)
      tpu.yield
    }) : () -> ()
    %dma_wait3A_189 = arith.constant 156 : i32
    %dma_wait3A_190 = arith.constant 0 : i32
    %dma_wait3A_191 = tpu.memref_slice %arg8[%dma_wait3A_189, %dma_wait3A_190] : memref<160x128xi32, #tpu.memory_space<vmem>> -> memref<1x128xi32, #tpu.memory_space<vmem>>
    %dma_wait3A_192 = tpu.memref_squeeze %dma_wait3A_191 : memref<1x128xi32, #tpu.memory_space<vmem>> -> memref<128xi32, #tpu.memory_space<vmem>>
    %dma_wait3A_193 = arith.constant 0 : i32
    %dma_wait3A_194 = arith.constant 0 : i32
    %dma_wait3A_195 = tpu.memref_slice %arg2[%dma_wait3A_193, %dma_wait3A_194] : memref<20000x64xf32, #tpu.memory_space<hbm>> -> memref<20000x64xf32, #tpu.memory_space<hbm>>
    tpu.wait_indirect_dma semaphore(%arg16 : memref<!tpu.dma_semaphore, #tpu.memory_space<semaphore_mem>>) src(%dma_wait3A_195 : memref<20000x64xf32, #tpu.memory_space<hbm>>) dst(%arg11 : memref<128x64xf32, #tpu.memory_space<vmem>>)
    %run_scoped3A_196 = arith.constant 156 : i32
    "tpu.region"() ({
      %run_scoped3A_222 = tpu.sem_alloc : memref<!tpu.dma_semaphore, #tpu.memory_space<semaphore_mem>>
      %dma_start3A_223 = arith.constant 0 : i32
      %dma_start3A_224 = tpu.memref_slice %arg9[%run_scoped3A_196, %dma_start3A_223] : memref<160x128xi32, #tpu.memory_space<vmem>> -> memref<1x128xi32, #tpu.memory_space<vmem>>
      %dma_start3A_225 = tpu.memref_squeeze %dma_start3A_224 : memref<1x128xi32, #tpu.memory_space<vmem>> -> memref<128xi32, #tpu.memory_space<vmem>>
      %dma_start3A_226 = arith.constant 0 : i32
      %dma_start3A_227 = arith.constant 0 : i32
      %dma_start3A_228 = tpu.memref_slice %arg7[%dma_start3A_226, %dma_start3A_227] : memref<10112x64xf32, #tpu.memory_space<vmem_shared>> -> memref<10112x64xf32, #tpu.memory_space<vmem_shared>>
      tpu.enqueue_indirect_dma source(%arg11 : memref<128x64xf32, #tpu.memory_space<vmem>>) target(%dma_start3A_228 : memref<10112x64xf32, #tpu.memory_space<vmem_shared>>) offsets(%dma_start3A_225 : memref<128xi32, #tpu.memory_space<vmem>>) semaphore(%run_scoped3A_222 : memref<!tpu.dma_semaphore, #tpu.memory_space<semaphore_mem>>) {add = true}
      %dma_wait3A_229 = arith.constant 0 : i32
      %dma_wait3A_230 = tpu.memref_slice %arg9[%run_scoped3A_196, %dma_wait3A_229] : memref<160x128xi32, #tpu.memory_space<vmem>> -> memref<1x128xi32, #tpu.memory_space<vmem>>
      %dma_wait3A_231 = tpu.memref_squeeze %dma_wait3A_230 : memref<1x128xi32, #tpu.memory_space<vmem>> -> memref<128xi32, #tpu.memory_space<vmem>>
      %dma_wait3A_232 = arith.constant 0 : i32
      %dma_wait3A_233 = arith.constant 0 : i32
      %dma_wait3A_234 = tpu.memref_slice %arg7[%dma_wait3A_232, %dma_wait3A_233] : memref<10112x64xf32, #tpu.memory_space<vmem_shared>> -> memref<10112x64xf32, #tpu.memory_space<vmem_shared>>
      tpu.wait_indirect_dma semaphore(%run_scoped3A_222 : memref<!tpu.dma_semaphore, #tpu.memory_space<semaphore_mem>>) src(%arg11 : memref<128x64xf32, #tpu.memory_space<vmem>>) dst(%dma_wait3A_234 : memref<10112x64xf32, #tpu.memory_space<vmem_shared>>)
      tpu.yield
    }) : () -> ()
    %dma_wait3A_197 = arith.constant 157 : i32
    %dma_wait3A_198 = arith.constant 0 : i32
    %dma_wait3A_199 = tpu.memref_slice %arg8[%dma_wait3A_197, %dma_wait3A_198] : memref<160x128xi32, #tpu.memory_space<vmem>> -> memref<1x128xi32, #tpu.memory_space<vmem>>
    %dma_wait3A_200 = tpu.memref_squeeze %dma_wait3A_199 : memref<1x128xi32, #tpu.memory_space<vmem>> -> memref<128xi32, #tpu.memory_space<vmem>>
    %dma_wait3A_201 = arith.constant 0 : i32
    %dma_wait3A_202 = arith.constant 0 : i32
    %dma_wait3A_203 = tpu.memref_slice %arg2[%dma_wait3A_201, %dma_wait3A_202] : memref<20000x64xf32, #tpu.memory_space<hbm>> -> memref<20000x64xf32, #tpu.memory_space<hbm>>
    tpu.wait_indirect_dma semaphore(%arg17 : memref<!tpu.dma_semaphore, #tpu.memory_space<semaphore_mem>>) src(%dma_wait3A_203 : memref<20000x64xf32, #tpu.memory_space<hbm>>) dst(%arg12 : memref<128x64xf32, #tpu.memory_space<vmem>>)
    %run_scoped3A_204 = arith.constant 157 : i32
    "tpu.region"() ({
      %run_scoped3A_222 = tpu.sem_alloc : memref<!tpu.dma_semaphore, #tpu.memory_space<semaphore_mem>>
      %dma_start3A_223 = arith.constant 0 : i32
      %dma_start3A_224 = tpu.memref_slice %arg9[%run_scoped3A_204, %dma_start3A_223] : memref<160x128xi32, #tpu.memory_space<vmem>> -> memref<1x128xi32, #tpu.memory_space<vmem>>
      %dma_start3A_225 = tpu.memref_squeeze %dma_start3A_224 : memref<1x128xi32, #tpu.memory_space<vmem>> -> memref<128xi32, #tpu.memory_space<vmem>>
      %dma_start3A_226 = arith.constant 0 : i32
      %dma_start3A_227 = arith.constant 0 : i32
      %dma_start3A_228 = tpu.memref_slice %arg7[%dma_start3A_226, %dma_start3A_227] : memref<10112x64xf32, #tpu.memory_space<vmem_shared>> -> memref<10112x64xf32, #tpu.memory_space<vmem_shared>>
      tpu.enqueue_indirect_dma source(%arg12 : memref<128x64xf32, #tpu.memory_space<vmem>>) target(%dma_start3A_228 : memref<10112x64xf32, #tpu.memory_space<vmem_shared>>) offsets(%dma_start3A_225 : memref<128xi32, #tpu.memory_space<vmem>>) semaphore(%run_scoped3A_222 : memref<!tpu.dma_semaphore, #tpu.memory_space<semaphore_mem>>) {add = true}
      %dma_wait3A_229 = arith.constant 0 : i32
      %dma_wait3A_230 = tpu.memref_slice %arg9[%run_scoped3A_204, %dma_wait3A_229] : memref<160x128xi32, #tpu.memory_space<vmem>> -> memref<1x128xi32, #tpu.memory_space<vmem>>
      %dma_wait3A_231 = tpu.memref_squeeze %dma_wait3A_230 : memref<1x128xi32, #tpu.memory_space<vmem>> -> memref<128xi32, #tpu.memory_space<vmem>>
      %dma_wait3A_232 = arith.constant 0 : i32
      %dma_wait3A_233 = arith.constant 0 : i32
      %dma_wait3A_234 = tpu.memref_slice %arg7[%dma_wait3A_232, %dma_wait3A_233] : memref<10112x64xf32, #tpu.memory_space<vmem_shared>> -> memref<10112x64xf32, #tpu.memory_space<vmem_shared>>
      tpu.wait_indirect_dma semaphore(%run_scoped3A_222 : memref<!tpu.dma_semaphore, #tpu.memory_space<semaphore_mem>>) src(%arg12 : memref<128x64xf32, #tpu.memory_space<vmem>>) dst(%dma_wait3A_234 : memref<10112x64xf32, #tpu.memory_space<vmem_shared>>)
      tpu.yield
    }) : () -> ()
    %dma_wait3A_205 = arith.constant 158 : i32
    %dma_wait3A_206 = arith.constant 0 : i32
    %dma_wait3A_207 = tpu.memref_slice %arg8[%dma_wait3A_205, %dma_wait3A_206] : memref<160x128xi32, #tpu.memory_space<vmem>> -> memref<1x128xi32, #tpu.memory_space<vmem>>
    %dma_wait3A_208 = tpu.memref_squeeze %dma_wait3A_207 : memref<1x128xi32, #tpu.memory_space<vmem>> -> memref<128xi32, #tpu.memory_space<vmem>>
    %dma_wait3A_209 = arith.constant 0 : i32
    %dma_wait3A_210 = arith.constant 0 : i32
    %dma_wait3A_211 = tpu.memref_slice %arg2[%dma_wait3A_209, %dma_wait3A_210] : memref<20000x64xf32, #tpu.memory_space<hbm>> -> memref<20000x64xf32, #tpu.memory_space<hbm>>
    tpu.wait_indirect_dma semaphore(%arg18 : memref<!tpu.dma_semaphore, #tpu.memory_space<semaphore_mem>>) src(%dma_wait3A_211 : memref<20000x64xf32, #tpu.memory_space<hbm>>) dst(%arg13 : memref<128x64xf32, #tpu.memory_space<vmem>>)
    %run_scoped3A_212 = arith.constant 158 : i32
    "tpu.region"() ({
      %run_scoped3A_222 = tpu.sem_alloc : memref<!tpu.dma_semaphore, #tpu.memory_space<semaphore_mem>>
      %dma_start3A_223 = arith.constant 0 : i32
      %dma_start3A_224 = tpu.memref_slice %arg9[%run_scoped3A_212, %dma_start3A_223] : memref<160x128xi32, #tpu.memory_space<vmem>> -> memref<1x128xi32, #tpu.memory_space<vmem>>
      %dma_start3A_225 = tpu.memref_squeeze %dma_start3A_224 : memref<1x128xi32, #tpu.memory_space<vmem>> -> memref<128xi32, #tpu.memory_space<vmem>>
      %dma_start3A_226 = arith.constant 0 : i32
      %dma_start3A_227 = arith.constant 0 : i32
      %dma_start3A_228 = tpu.memref_slice %arg7[%dma_start3A_226, %dma_start3A_227] : memref<10112x64xf32, #tpu.memory_space<vmem_shared>> -> memref<10112x64xf32, #tpu.memory_space<vmem_shared>>
      tpu.enqueue_indirect_dma source(%arg13 : memref<128x64xf32, #tpu.memory_space<vmem>>) target(%dma_start3A_228 : memref<10112x64xf32, #tpu.memory_space<vmem_shared>>) offsets(%dma_start3A_225 : memref<128xi32, #tpu.memory_space<vmem>>) semaphore(%run_scoped3A_222 : memref<!tpu.dma_semaphore, #tpu.memory_space<semaphore_mem>>) {add = true}
      %dma_wait3A_229 = arith.constant 0 : i32
      %dma_wait3A_230 = tpu.memref_slice %arg9[%run_scoped3A_212, %dma_wait3A_229] : memref<160x128xi32, #tpu.memory_space<vmem>> -> memref<1x128xi32, #tpu.memory_space<vmem>>
      %dma_wait3A_231 = tpu.memref_squeeze %dma_wait3A_230 : memref<1x128xi32, #tpu.memory_space<vmem>> -> memref<128xi32, #tpu.memory_space<vmem>>
      %dma_wait3A_232 = arith.constant 0 : i32
      %dma_wait3A_233 = arith.constant 0 : i32
      %dma_wait3A_234 = tpu.memref_slice %arg7[%dma_wait3A_232, %dma_wait3A_233] : memref<10112x64xf32, #tpu.memory_space<vmem_shared>> -> memref<10112x64xf32, #tpu.memory_space<vmem_shared>>
      tpu.wait_indirect_dma semaphore(%run_scoped3A_222 : memref<!tpu.dma_semaphore, #tpu.memory_space<semaphore_mem>>) src(%arg13 : memref<128x64xf32, #tpu.memory_space<vmem>>) dst(%dma_wait3A_234 : memref<10112x64xf32, #tpu.memory_space<vmem_shared>>)
      tpu.yield
    }) : () -> ()
    %dma_wait3A_213 = arith.constant 159 : i32
    %dma_wait3A_214 = arith.constant 0 : i32
    %dma_wait3A_215 = tpu.memref_slice %arg8[%dma_wait3A_213, %dma_wait3A_214] : memref<160x128xi32, #tpu.memory_space<vmem>> -> memref<1x128xi32, #tpu.memory_space<vmem>>
    %dma_wait3A_216 = tpu.memref_squeeze %dma_wait3A_215 : memref<1x128xi32, #tpu.memory_space<vmem>> -> memref<128xi32, #tpu.memory_space<vmem>>
    %dma_wait3A_217 = arith.constant 0 : i32
    %dma_wait3A_218 = arith.constant 0 : i32
    %dma_wait3A_219 = tpu.memref_slice %arg2[%dma_wait3A_217, %dma_wait3A_218] : memref<20000x64xf32, #tpu.memory_space<hbm>> -> memref<20000x64xf32, #tpu.memory_space<hbm>>
    tpu.wait_indirect_dma semaphore(%arg19 : memref<!tpu.dma_semaphore, #tpu.memory_space<semaphore_mem>>) src(%dma_wait3A_219 : memref<20000x64xf32, #tpu.memory_space<hbm>>) dst(%arg14 : memref<128x64xf32, #tpu.memory_space<vmem>>)
    %run_scoped3A_220 = arith.constant 159 : i32
    "tpu.region"() ({
      %run_scoped3A_222 = tpu.sem_alloc : memref<!tpu.dma_semaphore, #tpu.memory_space<semaphore_mem>>
      %dma_start3A_223 = arith.constant 0 : i32
      %dma_start3A_224 = tpu.memref_slice %arg9[%run_scoped3A_220, %dma_start3A_223] : memref<160x128xi32, #tpu.memory_space<vmem>> -> memref<1x128xi32, #tpu.memory_space<vmem>>
      %dma_start3A_225 = tpu.memref_squeeze %dma_start3A_224 : memref<1x128xi32, #tpu.memory_space<vmem>> -> memref<128xi32, #tpu.memory_space<vmem>>
      %dma_start3A_226 = arith.constant 0 : i32
      %dma_start3A_227 = arith.constant 0 : i32
      %dma_start3A_228 = tpu.memref_slice %arg7[%dma_start3A_226, %dma_start3A_227] : memref<10112x64xf32, #tpu.memory_space<vmem_shared>> -> memref<10112x64xf32, #tpu.memory_space<vmem_shared>>
      tpu.enqueue_indirect_dma source(%arg14 : memref<128x64xf32, #tpu.memory_space<vmem>>) target(%dma_start3A_228 : memref<10112x64xf32, #tpu.memory_space<vmem_shared>>) offsets(%dma_start3A_225 : memref<128xi32, #tpu.memory_space<vmem>>) semaphore(%run_scoped3A_222 : memref<!tpu.dma_semaphore, #tpu.memory_space<semaphore_mem>>) {add = true}
      %dma_wait3A_229 = arith.constant 0 : i32
      %dma_wait3A_230 = tpu.memref_slice %arg9[%run_scoped3A_220, %dma_wait3A_229] : memref<160x128xi32, #tpu.memory_space<vmem>> -> memref<1x128xi32, #tpu.memory_space<vmem>>
      %dma_wait3A_231 = tpu.memref_squeeze %dma_wait3A_230 : memref<1x128xi32, #tpu.memory_space<vmem>> -> memref<128xi32, #tpu.memory_space<vmem>>
      %dma_wait3A_232 = arith.constant 0 : i32
      %dma_wait3A_233 = arith.constant 0 : i32
      %dma_wait3A_234 = tpu.memref_slice %arg7[%dma_wait3A_232, %dma_wait3A_233] : memref<10112x64xf32, #tpu.memory_space<vmem_shared>> -> memref<10112x64xf32, #tpu.memory_space<vmem_shared>>
      tpu.wait_indirect_dma semaphore(%run_scoped3A_222 : memref<!tpu.dma_semaphore, #tpu.memory_space<semaphore_mem>>) src(%arg14 : memref<128x64xf32, #tpu.memory_space<vmem>>) dst(%dma_wait3A_234 : memref<10112x64xf32, #tpu.memory_space<vmem_shared>>)
      tpu.yield
    }) : () -> ()
    %barrier3A_221 = arith.constant 0 : index
    tpu.barrier barrier_id(%barrier3A_221)
    "tpu.region"() ({
      %run_scoped3A_222 = tpu.sem_alloc : memref<!tpu.dma_semaphore, #tpu.memory_space<semaphore_mem>>
      %dma_start3A_223 = arith.constant 0 : i32
      %dma_start3A_224 = tpu.memref_slice %arg6[%arg0, %multiple_of3A, %dma_start3A_223] : memref<2x10112x64xf32, #tpu.memory_space<hbm>> -> memref<1x632x64xf32, #tpu.memory_space<hbm>>
      %dma_start3A_225 = tpu.memref_squeeze %dma_start3A_224 : memref<1x632x64xf32, #tpu.memory_space<hbm>> -> memref<632x64xf32, #tpu.memory_space<hbm>>
      %dma_start3A_226 = arith.constant 0 : i32
      %dma_start3A_227 = tpu.memref_slice %arg7[%multiple_of3A, %dma_start3A_226] : memref<10112x64xf32, #tpu.memory_space<vmem_shared>> -> memref<632x64xf32, #tpu.memory_space<vmem_shared>>
      tpu.enqueue_dma source(%dma_start3A_227 : memref<632x64xf32, #tpu.memory_space<vmem_shared>>) target(%dma_start3A_225 : memref<632x64xf32, #tpu.memory_space<hbm>>) target_semaphore(%run_scoped3A_222 : memref<!tpu.dma_semaphore, #tpu.memory_space<semaphore_mem>>)
      %dma_wait3A_228 = arith.constant 0 : i32
      %dma_wait3A_229 = tpu.memref_slice %arg6[%arg0, %multiple_of3A, %dma_wait3A_228] : memref<2x10112x64xf32, #tpu.memory_space<hbm>> -> memref<1x632x64xf32, #tpu.memory_space<hbm>>
      %dma_wait3A_230 = tpu.memref_squeeze %dma_wait3A_229 : memref<1x632x64xf32, #tpu.memory_space<hbm>> -> memref<632x64xf32, #tpu.memory_space<hbm>>
      %dma_wait3A_231 = arith.constant 0 : i32
      %dma_wait3A_232 = tpu.memref_slice %arg7[%multiple_of3A, %dma_wait3A_231] : memref<10112x64xf32, #tpu.memory_space<vmem_shared>> -> memref<632x64xf32, #tpu.memory_space<vmem_shared>>
      tpu.wait_dma2 semaphore(%run_scoped3A_222 : memref<!tpu.dma_semaphore, #tpu.memory_space<semaphore_mem>>) src(%dma_wait3A_232 : memref<632x64xf32, #tpu.memory_space<vmem_shared>>) dst(%dma_wait3A_230 : memref<632x64xf32, #tpu.memory_space<hbm>>)
      tpu.yield
    }) : () -> ()
    return
  }
}

module attributes {stable_mosaic.version = 14 : i64} {
  func.func @_mlp1_kernel(%arg0: i32, %arg1: memref<1000x128xf32, #tpu.memory_space<vmem>>, %arg2: memref<2x1000x64xf32, #tpu.memory_space<vmem>>, %arg3: memref<128x64xf32, #tpu.memory_space<vmem>>, %arg4: memref<1x64xf32, #tpu.memory_space<vmem>>, %arg5: memref<1x64xf32, #tpu.memory_space<vmem>>, %arg6: memref<1x64xf32, #tpu.memory_space<vmem>>, %arg7: memref<1x64xf32, #tpu.memory_space<vmem>>, %arg8: memref<1x64xf32, #tpu.memory_space<vmem>>, %arg9: memref<64x64xf32, #tpu.memory_space<vmem>>, %arg10: memref<1x64xf32, #tpu.memory_space<vmem>>, %arg11: memref<1000x64xf32, #tpu.memory_space<vmem>>) attributes {dimension_semantics = [#tpu.dimension_semantics<arbitrary>], iteration_bounds = array<i64: 10>, scalar_prefetch = 0 : i64, scratch_operands = 0 : i64, tpu.core_type = #tpu.core_type<tc>, window_params = [{transform_indices = @transform_0, window_bounds = array<i64: 1000, 128>}, {transform_indices = @transform_1, window_bounds = array<i64: 2, 1000, 64>}, {pipeline_mode = #tpu.pipeline_mode<synchronous>, transform_indices = @transform_2, window_bounds = array<i64: 128, 64>}, {pipeline_mode = #tpu.pipeline_mode<synchronous>, transform_indices = @transform_3, window_bounds = array<i64: 1, 64>}, {pipeline_mode = #tpu.pipeline_mode<synchronous>, transform_indices = @transform_4, window_bounds = array<i64: 1, 64>}, {pipeline_mode = #tpu.pipeline_mode<synchronous>, transform_indices = @transform_5, window_bounds = array<i64: 1, 64>}, {pipeline_mode = #tpu.pipeline_mode<synchronous>, transform_indices = @transform_6, window_bounds = array<i64: 1, 64>}, {pipeline_mode = #tpu.pipeline_mode<synchronous>, transform_indices = @transform_7, window_bounds = array<i64: 1, 64>}, {pipeline_mode = #tpu.pipeline_mode<synchronous>, transform_indices = @transform_8, window_bounds = array<i64: 64, 64>}, {pipeline_mode = #tpu.pipeline_mode<synchronous>, transform_indices = @transform_9, window_bounds = array<i64: 1, 64>}, {transform_indices = @transform_10, window_bounds = array<i64: 1000, 64>}]} {
    %get3A = arith.constant 0 : index
    %get3A_0 = arith.constant 0 : index
    %get3A_1 = vector.load %arg1[%get3A, %get3A_0] : memref<1000x128xf32, #tpu.memory_space<vmem>>, vector<1000x128xf32>
    %get3A_2 = arith.constant 0 : index
    %get3A_3 = arith.constant 0 : index
    %get3A_4 = arith.constant 0 : index
    %get3A_5 = vector.load %arg2[%get3A_2, %get3A_3, %get3A_4] : memref<2x1000x64xf32, #tpu.memory_space<vmem>>, vector<2x1000x64xf32>
    %slice3A = vector.extract_strided_slice %get3A_1 {offsets = [0, 0], sizes = [1000, 64], strides = [1, 1]} : vector<1000x128xf32> to vector<1000x64xf32>
    %slice3A_6 = vector.extract_strided_slice %get3A_5 {offsets = [0, 0, 0], sizes = [1, 1000, 64], strides = [1, 1, 1]} : vector<2x1000x64xf32> to vector<1x1000x64xf32>
    %squeeze3A = vector.shape_cast %slice3A_6 : vector<1x1000x64xf32> to vector<1000x64xf32>
    %add3A = arith.addf %slice3A, %squeeze3A : vector<1000x64xf32>
    %slice3A_7 = vector.extract_strided_slice %get3A_1 {offsets = [0, 64], sizes = [1000, 64], strides = [1, 1]} : vector<1000x128xf32> to vector<1000x64xf32>
    %slice3A_8 = vector.extract_strided_slice %get3A_5 {offsets = [1, 0, 0], sizes = [1, 1000, 64], strides = [1, 1, 1]} : vector<2x1000x64xf32> to vector<1x1000x64xf32>
    %squeeze3A_9 = vector.shape_cast %slice3A_8 : vector<1x1000x64xf32> to vector<1000x64xf32>
    %add3A_10 = arith.addf %slice3A_7, %squeeze3A_9 : vector<1000x64xf32>
    %get3A_11 = arith.constant 0 : index
    %get3A_12 = arith.constant 0 : index
    %get3A_13 = vector.load %arg3[%get3A_11, %get3A_12] : memref<128x64xf32, #tpu.memory_space<vmem>>, vector<128x64xf32>
    %slice3A_14 = vector.extract_strided_slice %get3A_13 {offsets = [0, 0], sizes = [64, 64], strides = [1, 1]} : vector<128x64xf32> to vector<64x64xf32>
    %dot_general3A = arith.constant dense<0.000000e+00> : vector<1000x64xf32>
    %dot_general3A_15 = tpu.matmul %add3A, %slice3A_14, %dot_general3A {dimension_numbers = #tpu.dot_dimension_numbers<[1], [0], [0], [1], [0, 0, 1, 1], [], []>, transpose_lhs_hint = false} : vector<1000x64xf32>, vector<64x64xf32>, vector<1000x64xf32> -> vector<1000x64xf32>
    %slice3A_16 = vector.extract_strided_slice %get3A_13 {offsets = [64, 0], sizes = [64, 64], strides = [1, 1]} : vector<128x64xf32> to vector<64x64xf32>
    %dot_general3A_17 = arith.constant dense<0.000000e+00> : vector<1000x64xf32>
    %dot_general3A_18 = tpu.matmul %add3A_10, %slice3A_16, %dot_general3A_17 {dimension_numbers = #tpu.dot_dimension_numbers<[1], [0], [0], [1], [0, 0, 1, 1], [], []>, transpose_lhs_hint = false} : vector<1000x64xf32>, vector<64x64xf32>, vector<1000x64xf32> -> vector<1000x64xf32>
    %add3A_19 = arith.addf %dot_general3A_15, %dot_general3A_18 : vector<1000x64xf32>
    %get3A_20 = arith.constant 0 : index
    %get3A_21 = arith.constant 0 : index
    %get3A_22 = vector.load %arg4[%get3A_20, %get3A_21] : memref<1x64xf32, #tpu.memory_space<vmem>>, vector<1x64xf32>
    %add3A_23 = vector.broadcast %get3A_22 : vector<1x64xf32> to vector<1000x64xf32>
    %add3A_24 = arith.addf %add3A_19, %add3A_23 : vector<1000x64xf32>
    %get3A_25 = arith.constant 0 : index
    %get3A_26 = arith.constant 0 : index
    %get3A_27 = vector.load %arg5[%get3A_25, %get3A_26] : memref<1x64xf32, #tpu.memory_space<vmem>>, vector<1x64xf32>
    %get3A_28 = arith.constant 0 : index
    %get3A_29 = arith.constant 0 : index
    %get3A_30 = vector.load %arg8[%get3A_28, %get3A_29] : memref<1x64xf32, #tpu.memory_space<vmem>>, vector<1x64xf32>
    %add3A_31 = arith.constant 9.99999974E-6 : f32
    %add3A_32 = vector.broadcast %add3A_31 : f32 to vector<1x64xf32>
    %add3A_33 = arith.addf %get3A_30, %add3A_32 : vector<1x64xf32>
    %rsqrt3A = math.rsqrt %add3A_33 : vector<1x64xf32>
    %mul3A = arith.mulf %get3A_27, %rsqrt3A : vector<1x64xf32>
    %get3A_34 = arith.constant 0 : index
    %get3A_35 = arith.constant 0 : index
    %get3A_36 = vector.load %arg7[%get3A_34, %get3A_35] : memref<1x64xf32, #tpu.memory_space<vmem>>, vector<1x64xf32>
    %sub3A = vector.broadcast %get3A_36 : vector<1x64xf32> to vector<1000x64xf32>
    %sub3A_37 = arith.subf %add3A_24, %sub3A : vector<1000x64xf32>
    %mul3A_38 = vector.broadcast %mul3A : vector<1x64xf32> to vector<1000x64xf32>
    %mul3A_39 = arith.mulf %sub3A_37, %mul3A_38 : vector<1000x64xf32>
    %get3A_40 = arith.constant 0 : index
    %get3A_41 = arith.constant 0 : index
    %get3A_42 = vector.load %arg6[%get3A_40, %get3A_41] : memref<1x64xf32, #tpu.memory_space<vmem>>, vector<1x64xf32>
    %add3A_43 = vector.broadcast %get3A_42 : vector<1x64xf32> to vector<1000x64xf32>
    %add3A_44 = arith.addf %mul3A_39, %add3A_43 : vector<1000x64xf32>
    %gt3A = arith.constant 0.000000e+00 : f32
    %gt3A_45 = vector.broadcast %gt3A : f32 to vector<1000x64xf32>
    %gt3A_46 = arith.cmpf ogt, %add3A_44, %gt3A_45 : vector<1000x64xf32>
    %min3A = arith.constant 0.000000e+00 : f32
    %min3A_47 = vector.broadcast %min3A : f32 to vector<1000x64xf32>
    %min3A_48 = arith.minimumf %add3A_44, %min3A_47 : vector<1000x64xf32>
    %exp3A = math.exp %min3A_48 : vector<1000x64xf32>
    %sub3A_49 = arith.constant 1.000000e+00 : f32
    %sub3A_50 = vector.broadcast %sub3A_49 : f32 to vector<1000x64xf32>
    %sub3A_51 = arith.subf %exp3A, %sub3A_50 : vector<1000x64xf32>
    %select_n3A = arith.select %gt3A_46, %add3A_44, %sub3A_51 : vector<1000x64xi1>, vector<1000x64xf32>
    %get3A_52 = arith.constant 0 : index
    %get3A_53 = arith.constant 0 : index
    %get3A_54 = vector.load %arg9[%get3A_52, %get3A_53] : memref<64x64xf32, #tpu.memory_space<vmem>>, vector<64x64xf32>
    %dot_general3A_55 = arith.constant dense<0.000000e+00> : vector<1000x64xf32>
    %dot_general3A_56 = tpu.matmul %select_n3A, %get3A_54, %dot_general3A_55 {dimension_numbers = #tpu.dot_dimension_numbers<[1], [0], [0], [1], [0, 0, 1, 1], [], []>, transpose_lhs_hint = false} : vector<1000x64xf32>, vector<64x64xf32>, vector<1000x64xf32> -> vector<1000x64xf32>
    %get3A_57 = arith.constant 0 : index
    %get3A_58 = arith.constant 0 : index
    %get3A_59 = vector.load %arg10[%get3A_57, %get3A_58] : memref<1x64xf32, #tpu.memory_space<vmem>>, vector<1x64xf32>
    %add3A_60 = vector.broadcast %get3A_59 : vector<1x64xf32> to vector<1000x64xf32>
    %add3A_61 = arith.addf %dot_general3A_56, %add3A_60 : vector<1000x64xf32>
    %gt3A_62 = arith.constant 0.000000e+00 : f32
    %gt3A_63 = vector.broadcast %gt3A_62 : f32 to vector<1000x64xf32>
    %gt3A_64 = arith.cmpf ogt, %add3A_61, %gt3A_63 : vector<1000x64xf32>
    %min3A_65 = arith.constant 0.000000e+00 : f32
    %min3A_66 = vector.broadcast %min3A_65 : f32 to vector<1000x64xf32>
    %min3A_67 = arith.minimumf %add3A_61, %min3A_66 : vector<1000x64xf32>
    %exp3A_68 = math.exp %min3A_67 : vector<1000x64xf32>
    %sub3A_69 = arith.constant 1.000000e+00 : f32
    %sub3A_70 = vector.broadcast %sub3A_69 : f32 to vector<1000x64xf32>
    %sub3A_71 = arith.subf %exp3A_68, %sub3A_70 : vector<1000x64xf32>
    %select_n3A_72 = arith.select %gt3A_64, %add3A_61, %sub3A_71 : vector<1000x64xi1>, vector<1000x64xf32>
    %swap3A = arith.constant 0 : index
    %swap3A_73 = arith.constant 0 : index
    %swap3A_74 = vector.load %arg11[%swap3A, %swap3A_73] : memref<1000x64xf32, #tpu.memory_space<vmem>>, vector<1000x64xf32>
    tpu.vector_store %arg11[%swap3A, %swap3A_73], %select_n3A_72 {strides = array<i32>} : memref<1000x64xf32, #tpu.memory_space<vmem>>, vector<1000x64xf32>,
    return
  }
  func.func @transform_0(%arg0: i32) -> (i32, i32) {
    %c0_i32 = arith.constant 0 : i32
    %c0_i32_0 = arith.constant 0 : i32
    return %arg0, %c0_i32 : i32, i32
  }
  func.func @transform_1(%arg0: i32) -> (i32, i32, i32) {
    %c0_i32 = arith.constant 0 : i32
    %c0_i32_0 = arith.constant 0 : i32
    %c0_i32_1 = arith.constant 0 : i32
    return %c0_i32, %arg0, %c0_i32_0 : i32, i32, i32
  }
  func.func @transform_2(%arg0: i32) -> (i32, i32) {
    %c0_i32 = arith.constant 0 : i32
    %c0_i32_0 = arith.constant 0 : i32
    %c0_i32_1 = arith.constant 0 : i32
    return %c0_i32, %c0_i32_0 : i32, i32
  }
  func.func @transform_3(%arg0: i32) -> (i32, i32) {
    %c0_i32 = arith.constant 0 : i32
    %c0_i32_0 = arith.constant 0 : i32
    %c0_i32_1 = arith.constant 0 : i32
    return %c0_i32, %c0_i32_0 : i32, i32
  }
  func.func @transform_4(%arg0: i32) -> (i32, i32) {
    %c0_i32 = arith.constant 0 : i32
    %c0_i32_0 = arith.constant 0 : i32
    %c0_i32_1 = arith.constant 0 : i32
    return %c0_i32, %c0_i32_0 : i32, i32
  }
  func.func @transform_5(%arg0: i32) -> (i32, i32) {
    %c0_i32 = arith.constant 0 : i32
    %c0_i32_0 = arith.constant 0 : i32
    %c0_i32_1 = arith.constant 0 : i32
    return %c0_i32, %c0_i32_0 : i32, i32
  }
  func.func @transform_6(%arg0: i32) -> (i32, i32) {
    %c0_i32 = arith.constant 0 : i32
    %c0_i32_0 = arith.constant 0 : i32
    %c0_i32_1 = arith.constant 0 : i32
    return %c0_i32, %c0_i32_0 : i32, i32
  }
  func.func @transform_7(%arg0: i32) -> (i32, i32) {
    %c0_i32 = arith.constant 0 : i32
    %c0_i32_0 = arith.constant 0 : i32
    %c0_i32_1 = arith.constant 0 : i32
    return %c0_i32, %c0_i32_0 : i32, i32
  }
  func.func @transform_8(%arg0: i32) -> (i32, i32) {
    %c0_i32 = arith.constant 0 : i32
    %c0_i32_0 = arith.constant 0 : i32
    %c0_i32_1 = arith.constant 0 : i32
    return %c0_i32, %c0_i32_0 : i32, i32
  }
  func.func @transform_9(%arg0: i32) -> (i32, i32) {
    %c0_i32 = arith.constant 0 : i32
    %c0_i32_0 = arith.constant 0 : i32
    %c0_i32_1 = arith.constant 0 : i32
    return %c0_i32, %c0_i32_0 : i32, i32
  }
  func.func @transform_10(%arg0: i32) -> (i32, i32) {
    %c0_i32 = arith.constant 0 : i32
    %c0_i32_0 = arith.constant 0 : i32
    return %arg0, %c0_i32 : i32, i32
  }
}

module attributes {stable_mosaic.version = 14 : i64} {
  func.func @_mlp2_kernel(%arg0: i32, %arg1: memref<1000x64xf32, #tpu.memory_space<vmem>>, %arg2: memref<2x1000x64xf32, #tpu.memory_space<vmem>>, %arg3: memref<1x1x1000xi32, #tpu.memory_space<vmem>>, %arg4: memref<64x64xf32, #tpu.memory_space<vmem>>, %arg5: memref<1x64xf32, #tpu.memory_space<vmem>>, %arg6: memref<64x64xf32, #tpu.memory_space<vmem>>, %arg7: memref<1x64xf32, #tpu.memory_space<vmem>>, %arg8: memref<64x64xf32, #tpu.memory_space<vmem>>, %arg9: memref<1x64xf32, #tpu.memory_space<vmem>>, %arg10: memref<64x32xf32, #tpu.memory_space<vmem>>, %arg11: memref<1x32xf32, #tpu.memory_space<vmem>>, %arg12: memref<32x10xf32, #tpu.memory_space<vmem>>, %arg13: memref<1x10xf32, #tpu.memory_space<vmem>>, %arg14: memref<64x10xf32, #tpu.memory_space<vmem>>, %arg15: memref<64x64xf32, #tpu.memory_space<vmem>>) attributes {dimension_semantics = [#tpu.dimension_semantics<arbitrary>], iteration_bounds = array<i64: 10>, scalar_prefetch = 0 : i64, scratch_operands = 1 : i64, tpu.core_type = #tpu.core_type<tc>, window_params = [{transform_indices = @transform_0, window_bounds = array<i64: 1000, 64>}, {transform_indices = @transform_1, window_bounds = array<i64: 2, 1000, 64>}, {transform_indices = @transform_2, window_bounds = array<i64: 1, 1, 1000>}, {pipeline_mode = #tpu.pipeline_mode<synchronous>, transform_indices = @transform_3, window_bounds = array<i64: 64, 64>}, {pipeline_mode = #tpu.pipeline_mode<synchronous>, transform_indices = @transform_4, window_bounds = array<i64: 1, 64>}, {pipeline_mode = #tpu.pipeline_mode<synchronous>, transform_indices = @transform_5, window_bounds = array<i64: 64, 64>}, {pipeline_mode = #tpu.pipeline_mode<synchronous>, transform_indices = @transform_6, window_bounds = array<i64: 1, 64>}, {pipeline_mode = #tpu.pipeline_mode<synchronous>, transform_indices = @transform_7, window_bounds = array<i64: 64, 64>}, {pipeline_mode = #tpu.pipeline_mode<synchronous>, transform_indices = @transform_8, window_bounds = array<i64: 1, 64>}, {pipeline_mode = #tpu.pipeline_mode<synchronous>, transform_indices = @transform_9, window_bounds = array<i64: 64, 32>}, {pipeline_mode = #tpu.pipeline_mode<synchronous>, transform_indices = @transform_10, window_bounds = array<i64: 1, 32>}, {pipeline_mode = #tpu.pipeline_mode<synchronous>, transform_indices = @transform_11, window_bounds = array<i64: 32, 10>}, {pipeline_mode = #tpu.pipeline_mode<synchronous>, transform_indices = @transform_12, window_bounds = array<i64: 1, 10>}, {pipeline_mode = #tpu.pipeline_mode<synchronous>, transform_indices = @transform_13, window_bounds = array<i64: 64, 10>}]} {
    %get3A = arith.constant 0 : index
    %get3A_0 = arith.constant 0 : index
    %get3A_1 = vector.load %arg1[%get3A, %get3A_0] : memref<1000x64xf32, #tpu.memory_space<vmem>>, vector<1000x64xf32>
    %get3A_2 = arith.constant 0 : index
    %get3A_3 = arith.constant 0 : index
    %get3A_4 = arith.constant 0 : index
    %get3A_5 = vector.load %arg2[%get3A_2, %get3A_3, %get3A_4] : memref<2x1000x64xf32, #tpu.memory_space<vmem>>, vector<2x1000x64xf32>
    %slice3A = vector.extract_strided_slice %get3A_5 {offsets = [0, 0, 0], sizes = [1, 1000, 64], strides = [1, 1, 1]} : vector<2x1000x64xf32> to vector<1x1000x64xf32>
    %squeeze3A = vector.shape_cast %slice3A : vector<1x1000x64xf32> to vector<1000x64xf32>
    %add3A = arith.addf %get3A_1, %squeeze3A : vector<1000x64xf32>
    %slice3A_6 = vector.extract_strided_slice %get3A_5 {offsets = [1, 0, 0], sizes = [1, 1000, 64], strides = [1, 1, 1]} : vector<2x1000x64xf32> to vector<1x1000x64xf32>
    %squeeze3A_7 = vector.shape_cast %slice3A_6 : vector<1x1000x64xf32> to vector<1000x64xf32>
    %add3A_8 = arith.addf %add3A, %squeeze3A_7 : vector<1000x64xf32>
    %get3A_9 = arith.constant 0 : index
    %get3A_10 = arith.constant 0 : index
    %get3A_11 = vector.load %arg4[%get3A_9, %get3A_10] : memref<64x64xf32, #tpu.memory_space<vmem>>, vector<64x64xf32>
    %dot_general3A = arith.constant dense<0.000000e+00> : vector<1000x64xf32>
    %dot_general3A_12 = tpu.matmul %add3A_8, %get3A_11, %dot_general3A {dimension_numbers = #tpu.dot_dimension_numbers<[1], [0], [0], [1], [0, 0, 1, 1], [], []>, transpose_lhs_hint = false} : vector<1000x64xf32>, vector<64x64xf32>, vector<1000x64xf32> -> vector<1000x64xf32>
    %get3A_13 = arith.constant 0 : index
    %get3A_14 = arith.constant 0 : index
    %get3A_15 = vector.load %arg5[%get3A_13, %get3A_14] : memref<1x64xf32, #tpu.memory_space<vmem>>, vector<1x64xf32>
    %add3A_16 = vector.broadcast %get3A_15 : vector<1x64xf32> to vector<1000x64xf32>
    %add3A_17 = arith.addf %dot_general3A_12, %add3A_16 : vector<1000x64xf32>
    %gt3A = arith.constant 0.000000e+00 : f32
    %gt3A_18 = vector.broadcast %gt3A : f32 to vector<1000x64xf32>
    %gt3A_19 = arith.cmpf ogt, %add3A_17, %gt3A_18 : vector<1000x64xf32>
    %min3A = arith.constant 0.000000e+00 : f32
    %min3A_20 = vector.broadcast %min3A : f32 to vector<1000x64xf32>
    %min3A_21 = arith.minimumf %add3A_17, %min3A_20 : vector<1000x64xf32>
    %exp3A = math.exp %min3A_21 : vector<1000x64xf32>
    %sub3A = arith.constant 1.000000e+00 : f32
    %sub3A_22 = vector.broadcast %sub3A : f32 to vector<1000x64xf32>
    %sub3A_23 = arith.subf %exp3A, %sub3A_22 : vector<1000x64xf32>
    %select_n3A = arith.select %gt3A_19, %add3A_17, %sub3A_23 : vector<1000x64xi1>, vector<1000x64xf32>
    %get3A_24 = arith.constant 0 : index
    %get3A_25 = arith.constant 0 : index
    %get3A_26 = vector.load %arg6[%get3A_24, %get3A_25] : memref<64x64xf32, #tpu.memory_space<vmem>>, vector<64x64xf32>
    %dot_general3A_27 = arith.constant dense<0.000000e+00> : vector<1000x64xf32>
    %dot_general3A_28 = tpu.matmul %select_n3A, %get3A_26, %dot_general3A_27 {dimension_numbers = #tpu.dot_dimension_numbers<[1], [0], [0], [1], [0, 0, 1, 1], [], []>, transpose_lhs_hint = false} : vector<1000x64xf32>, vector<64x64xf32>, vector<1000x64xf32> -> vector<1000x64xf32>
    %get3A_29 = arith.constant 0 : index
    %get3A_30 = arith.constant 0 : index
    %get3A_31 = vector.load %arg7[%get3A_29, %get3A_30] : memref<1x64xf32, #tpu.memory_space<vmem>>, vector<1x64xf32>
    %add3A_32 = vector.broadcast %get3A_31 : vector<1x64xf32> to vector<1000x64xf32>
    %add3A_33 = arith.addf %dot_general3A_28, %add3A_32 : vector<1000x64xf32>
    %gt3A_34 = arith.constant 0.000000e+00 : f32
    %gt3A_35 = vector.broadcast %gt3A_34 : f32 to vector<1000x64xf32>
    %gt3A_36 = arith.cmpf ogt, %add3A_33, %gt3A_35 : vector<1000x64xf32>
    %min3A_37 = arith.constant 0.000000e+00 : f32
    %min3A_38 = vector.broadcast %min3A_37 : f32 to vector<1000x64xf32>
    %min3A_39 = arith.minimumf %add3A_33, %min3A_38 : vector<1000x64xf32>
    %exp3A_40 = math.exp %min3A_39 : vector<1000x64xf32>
    %sub3A_41 = arith.constant 1.000000e+00 : f32
    %sub3A_42 = vector.broadcast %sub3A_41 : f32 to vector<1000x64xf32>
    %sub3A_43 = arith.subf %exp3A_40, %sub3A_42 : vector<1000x64xf32>
    %select_n3A_44 = arith.select %gt3A_36, %add3A_33, %sub3A_43 : vector<1000x64xi1>, vector<1000x64xf32>
    %get3A_45 = arith.constant 0 : index
    %get3A_46 = arith.constant 0 : index
    %get3A_47 = arith.constant 0 : index
    %get3A_48 = vector.load %arg3[%get3A_45, %get3A_46, %get3A_47] : memref<1x1x1000xi32, #tpu.memory_space<vmem>>, vector<1x1x1000xi32>
    %get3A_49 = vector.shape_cast %get3A_48 : vector<1x1x1000xi32> to vector<1x1000xi32>
    %iota3A = tpu.iota {dimensions = array<i32: 0>} : vector<64x1000xi32>
    %eq3A = vector.broadcast %get3A_49 : vector<1x1000xi32> to vector<64x1000xi32>
    %eq3A_50 = arith.cmpi eq, %iota3A, %eq3A : vector<64x1000xi32>
    %convert_element_type3A = arith.extui %eq3A_50 : vector<64x1000xi1> to vector<64x1000xi32>
    %convert_element_type3A_51 = arith.sitofp %convert_element_type3A : vector<64x1000xi32> to vector<64x1000xf32>
    %dot_general3A_52 = arith.constant dense<0.000000e+00> : vector<64x64xf32>
    %dot_general3A_53 = tpu.matmul %convert_element_type3A_51, %select_n3A_44, %dot_general3A_52 {dimension_numbers = #tpu.dot_dimension_numbers<[1], [0], [0], [1], [0, 0, 1, 1], [], []>, transpose_lhs_hint = false} : vector<64x1000xf32>, vector<1000x64xf32>, vector<64x64xf32> -> vector<64x64xf32>
    %eq3A_54 = arith.constant 0 : i32
    %eq3A_55 = arith.cmpi eq, %arg0, %eq3A_54 : i32
    %convert_element_type3A_56 = arith.extui %eq3A_55 : i1 to i32
    %cond3A = arith.constant 0 : i32
    %cond3A_57 = arith.cmpi ne, %convert_element_type3A_56, %cond3A : i32
    scf.if %cond3A_57 {
      %swap3A = arith.constant 0 : index
      %swap3A_68 = arith.constant 0 : index
      %swap3A_69 = vector.load %arg15[%swap3A, %swap3A_68] : memref<64x64xf32, #tpu.memory_space<vmem>>, vector<64x64xf32>
      tpu.vector_store %arg15[%swap3A, %swap3A_68], %dot_general3A_53 {strides = array<i32>} : memref<64x64xf32, #tpu.memory_space<vmem>>, vector<64x64xf32>,
    } else {
    }
    %gt3A_58 = arith.constant 0 : i32
    %gt3A_59 = arith.cmpi sgt, %arg0, %gt3A_58 : i32
    %convert_element_type3A_60 = arith.extui %gt3A_59 : i1 to i32
    %cond3A_61 = arith.constant 0 : i32
    %cond3A_62 = arith.cmpi ne, %convert_element_type3A_60, %cond3A_61 : i32
    scf.if %cond3A_62 {
      %get3A_68 = arith.constant 0 : index
      %get3A_69 = arith.constant 0 : index
      %get3A_70 = vector.load %arg15[%get3A_68, %get3A_69] : memref<64x64xf32, #tpu.memory_space<vmem>>, vector<64x64xf32>
      %add3A_71 = arith.addf %get3A_70, %dot_general3A_53 : vector<64x64xf32>
      %swap3A = arith.constant 0 : index
      %swap3A_72 = arith.constant 0 : index
      %swap3A_73 = vector.load %arg15[%swap3A, %swap3A_72] : memref<64x64xf32, #tpu.memory_space<vmem>>, vector<64x64xf32>
      tpu.vector_store %arg15[%swap3A, %swap3A_72], %add3A_71 {strides = array<i32>} : memref<64x64xf32, #tpu.memory_space<vmem>>, vector<64x64xf32>,
    } else {
    }
    %eq3A_63 = arith.constant 9 : i32
    %eq3A_64 = arith.cmpi eq, %arg0, %eq3A_63 : i32
    %convert_element_type3A_65 = arith.extui %eq3A_64 : i1 to i32
    %cond3A_66 = arith.constant 0 : i32
    %cond3A_67 = arith.cmpi ne, %convert_element_type3A_65, %cond3A_66 : i32
    scf.if %cond3A_67 {
      %get3A_68 = arith.constant 0 : index
      %get3A_69 = arith.constant 0 : index
      %get3A_70 = vector.load %arg15[%get3A_68, %get3A_69] : memref<64x64xf32, #tpu.memory_space<vmem>>, vector<64x64xf32>
      %get3A_71 = arith.constant 0 : index
      %get3A_72 = arith.constant 0 : index
      %get3A_73 = vector.load %arg8[%get3A_71, %get3A_72] : memref<64x64xf32, #tpu.memory_space<vmem>>, vector<64x64xf32>
      %dot_general3A_74 = arith.constant dense<0.000000e+00> : vector<64x64xf32>
      %dot_general3A_75 = tpu.matmul %get3A_70, %get3A_73, %dot_general3A_74 {dimension_numbers = #tpu.dot_dimension_numbers<[1], [0], [0], [1], [0, 0, 1, 1], [], []>, transpose_lhs_hint = false} : vector<64x64xf32>, vector<64x64xf32>, vector<64x64xf32> -> vector<64x64xf32>
      %get3A_76 = arith.constant 0 : index
      %get3A_77 = arith.constant 0 : index
      %get3A_78 = vector.load %arg9[%get3A_76, %get3A_77] : memref<1x64xf32, #tpu.memory_space<vmem>>, vector<1x64xf32>
      %add3A_79 = vector.broadcast %get3A_78 : vector<1x64xf32> to vector<64x64xf32>
      %add3A_80 = arith.addf %dot_general3A_75, %add3A_79 : vector<64x64xf32>
      %gt3A_81 = arith.constant 0.000000e+00 : f32
      %gt3A_82 = vector.broadcast %gt3A_81 : f32 to vector<64x64xf32>
      %gt3A_83 = arith.cmpf ogt, %add3A_80, %gt3A_82 : vector<64x64xf32>
      %min3A_84 = arith.constant 0.000000e+00 : f32
      %min3A_85 = vector.broadcast %min3A_84 : f32 to vector<64x64xf32>
      %min3A_86 = arith.minimumf %add3A_80, %min3A_85 : vector<64x64xf32>
      %exp3A_87 = math.exp %min3A_86 : vector<64x64xf32>
      %sub3A_88 = arith.constant 1.000000e+00 : f32
      %sub3A_89 = vector.broadcast %sub3A_88 : f32 to vector<64x64xf32>
      %sub3A_90 = arith.subf %exp3A_87, %sub3A_89 : vector<64x64xf32>
      %select_n3A_91 = arith.select %gt3A_83, %add3A_80, %sub3A_90 : vector<64x64xi1>, vector<64x64xf32>
      %get3A_92 = arith.constant 0 : index
      %get3A_93 = arith.constant 0 : index
      %get3A_94 = vector.load %arg10[%get3A_92, %get3A_93] : memref<64x32xf32, #tpu.memory_space<vmem>>, vector<64x32xf32>
      %dot_general3A_95 = arith.constant dense<0.000000e+00> : vector<64x32xf32>
      %dot_general3A_96 = tpu.matmul %select_n3A_91, %get3A_94, %dot_general3A_95 {dimension_numbers = #tpu.dot_dimension_numbers<[1], [0], [0], [1], [0, 0, 1, 1], [], []>, transpose_lhs_hint = false} : vector<64x64xf32>, vector<64x32xf32>, vector<64x32xf32> -> vector<64x32xf32>
      %get3A_97 = arith.constant 0 : index
      %get3A_98 = arith.constant 0 : index
      %get3A_99 = vector.load %arg11[%get3A_97, %get3A_98] : memref<1x32xf32, #tpu.memory_space<vmem>>, vector<1x32xf32>
      %add3A_100 = vector.broadcast %get3A_99 : vector<1x32xf32> to vector<64x32xf32>
      %add3A_101 = arith.addf %dot_general3A_96, %add3A_100 : vector<64x32xf32>
      %gt3A_102 = arith.constant 0.000000e+00 : f32
      %gt3A_103 = vector.broadcast %gt3A_102 : f32 to vector<64x32xf32>
      %gt3A_104 = arith.cmpf ogt, %add3A_101, %gt3A_103 : vector<64x32xf32>
      %min3A_105 = arith.constant 0.000000e+00 : f32
      %min3A_106 = vector.broadcast %min3A_105 : f32 to vector<64x32xf32>
      %min3A_107 = arith.minimumf %add3A_101, %min3A_106 : vector<64x32xf32>
      %exp3A_108 = math.exp %min3A_107 : vector<64x32xf32>
      %sub3A_109 = arith.constant 1.000000e+00 : f32
      %sub3A_110 = vector.broadcast %sub3A_109 : f32 to vector<64x32xf32>
      %sub3A_111 = arith.subf %exp3A_108, %sub3A_110 : vector<64x32xf32>
      %select_n3A_112 = arith.select %gt3A_104, %add3A_101, %sub3A_111 : vector<64x32xi1>, vector<64x32xf32>
      %get3A_113 = arith.constant 0 : index
      %get3A_114 = arith.constant 0 : index
      %get3A_115 = vector.load %arg12[%get3A_113, %get3A_114] : memref<32x10xf32, #tpu.memory_space<vmem>>, vector<32x10xf32>
      %dot_general3A_116 = arith.constant dense<0.000000e+00> : vector<64x10xf32>
      %dot_general3A_117 = tpu.matmul %select_n3A_112, %get3A_115, %dot_general3A_116 {dimension_numbers = #tpu.dot_dimension_numbers<[1], [0], [0], [1], [0, 0, 1, 1], [], []>, transpose_lhs_hint = false} : vector<64x32xf32>, vector<32x10xf32>, vector<64x10xf32> -> vector<64x10xf32>
      %get3A_118 = arith.constant 0 : index
      %get3A_119 = arith.constant 0 : index
      %get3A_120 = vector.load %arg13[%get3A_118, %get3A_119] : memref<1x10xf32, #tpu.memory_space<vmem>>, vector<1x10xf32>
      %add3A_121 = vector.broadcast %get3A_120 : vector<1x10xf32> to vector<64x10xf32>
      %add3A_122 = arith.addf %dot_general3A_117, %add3A_121 : vector<64x10xf32>
      %swap3A = arith.constant 0 : index
      %swap3A_123 = arith.constant 0 : index
      %swap3A_124 = vector.load %arg14[%swap3A, %swap3A_123] : memref<64x10xf32, #tpu.memory_space<vmem>>, vector<64x10xf32>
      tpu.vector_store %arg14[%swap3A, %swap3A_123], %add3A_122 {strides = array<i32>} : memref<64x10xf32, #tpu.memory_space<vmem>>, vector<64x10xf32>,
    } else {
    }
    return
  }
  func.func @transform_0(%arg0: i32) -> (i32, i32) {
    %c0_i32 = arith.constant 0 : i32
    %c0_i32_0 = arith.constant 0 : i32
    return %arg0, %c0_i32 : i32, i32
  }
  func.func @transform_1(%arg0: i32) -> (i32, i32, i32) {
    %c0_i32 = arith.constant 0 : i32
    %c0_i32_0 = arith.constant 0 : i32
    %c0_i32_1 = arith.constant 0 : i32
    return %c0_i32, %arg0, %c0_i32_0 : i32, i32, i32
  }
  func.func @transform_2(%arg0: i32) -> (i32, i32, i32) {
    %c0_i32 = arith.constant 0 : i32
    %c0_i32_0 = arith.constant 0 : i32
    %c0_i32_1 = arith.constant 0 : i32
    return %arg0, %c0_i32, %c0_i32_0 : i32, i32, i32
  }
  func.func @transform_3(%arg0: i32) -> (i32, i32) {
    %c0_i32 = arith.constant 0 : i32
    %c0_i32_0 = arith.constant 0 : i32
    %c0_i32_1 = arith.constant 0 : i32
    return %c0_i32, %c0_i32_0 : i32, i32
  }
  func.func @transform_4(%arg0: i32) -> (i32, i32) {
    %c0_i32 = arith.constant 0 : i32
    %c0_i32_0 = arith.constant 0 : i32
    %c0_i32_1 = arith.constant 0 : i32
    return %c0_i32, %c0_i32_0 : i32, i32
  }
  func.func @transform_5(%arg0: i32) -> (i32, i32) {
    %c0_i32 = arith.constant 0 : i32
    %c0_i32_0 = arith.constant 0 : i32
    %c0_i32_1 = arith.constant 0 : i32
    return %c0_i32, %c0_i32_0 : i32, i32
  }
  func.func @transform_6(%arg0: i32) -> (i32, i32) {
    %c0_i32 = arith.constant 0 : i32
    %c0_i32_0 = arith.constant 0 : i32
    %c0_i32_1 = arith.constant 0 : i32
    return %c0_i32, %c0_i32_0 : i32, i32
  }
  func.func @transform_7(%arg0: i32) -> (i32, i32) {
    %c0_i32 = arith.constant 0 : i32
    %c0_i32_0 = arith.constant 0 : i32
    %c0_i32_1 = arith.constant 0 : i32
    return %c0_i32, %c0_i32_0 : i32, i32
  }
  func.func @transform_8(%arg0: i32) -> (i32, i32) {
    %c0_i32 = arith.constant 0 : i32
    %c0_i32_0 = arith.constant 0 : i32
    %c0_i32_1 = arith.constant 0 : i32
    return %c0_i32, %c0_i32_0 : i32, i32
  }
  func.func @transform_9(%arg0: i32) -> (i32, i32) {
    %c0_i32 = arith.constant 0 : i32
    %c0_i32_0 = arith.constant 0 : i32
    %c0_i32_1 = arith.constant 0 : i32
    return %c0_i32, %c0_i32_0 : i32, i32
  }
  func.func @transform_10(%arg0: i32) -> (i32, i32) {
    %c0_i32 = arith.constant 0 : i32
    %c0_i32_0 = arith.constant 0 : i32
    %c0_i32_1 = arith.constant 0 : i32
    return %c0_i32, %c0_i32_0 : i32, i32
  }
  func.func @transform_11(%arg0: i32) -> (i32, i32) {
    %c0_i32 = arith.constant 0 : i32
    %c0_i32_0 = arith.constant 0 : i32
    %c0_i32_1 = arith.constant 0 : i32
    return %c0_i32, %c0_i32_0 : i32, i32
  }
  func.func @transform_12(%arg0: i32) -> (i32, i32) {
    %c0_i32 = arith.constant 0 : i32
    %c0_i32_0 = arith.constant 0 : i32
    %c0_i32_1 = arith.constant 0 : i32
    return %c0_i32, %c0_i32_0 : i32, i32
  }
  func.func @transform_13(%arg0: i32) -> (i32, i32) {
    %c0_i32 = arith.constant 0 : i32
    %c0_i32_0 = arith.constant 0 : i32
    %c0_i32_1 = arith.constant 0 : i32
    return %c0_i32, %c0_i32_0 : i32, i32
  }
}

</mosaic_0001>

<sc_bundles>
// kernel: kernel.6.cloned.1.call-start
scs
__scs_entry_jumppad:
0x0: {  	(pc) =	sbr.rel $0x88, $3  }
0x1: {  	(tag) =	ssettag $0x0;
	lr =	simm.s32 $0x1  }
0x2: {  	[smem:$0x3F8C] =	sst lr;
	_ =	strace $0xD0000000  }
0x3: {  	_ = 	snop  }
0x4: {  	_ = 	snop  }
0x5: {  	_ = 	snop  }
0x6: {  	_ = 	snop  }
0x7: {  	_ = 	snop  }
__scs_overlays_trampoline_lowered:
0x8: {  	[smem:$0x3F9B] =	sst s0  }
0x9: {  	[smem:$0x3F9C] =	sst s1  }
0xa: {  	[smem:$0x3F9D] =	sst s2  }
0xb: {  	[smem:$0x3F9E] =	sst s3  }
0xc: {  	[smem:$0x3F9F] =	sst s4  }
0xd: {  	[smem:$0x3FA0] =	sst s5  }
0xe: {  	[smem:$0x3FA1] =	sst s6  }
0xf: {  	[smem:$0x3FA2] =	sst s7  }
0x10: {  	[smem:$0x3FA3] =	sst s8  }
0x11: {  	[smem:$0x3FA4] =	sst s9;
	s0 =	simm.s32 @!p0 $0x0  }
0x12: {  	s1 =	sld [smem:$0x3F8A];
	s0 =	simm.s32 @p0 $0x1  }
0x13: {  	[smem:$0x3FA5] =	sst s0;
	s0 =	simm.s32 @!p1 $0x0  }
0x14: {  	s2 =	sld [smem:$0x3F89];
	s0 =	simm.s32 @p1 $0x1  }
0x15: {  	[smem:$0x3FA6] =	sst s0;
	s0 =	simm.s32 @!p2 $0x0  }
0x16: {  	s3 =	sld [smem:$0x3FDB];
	s0 =	simm.s32 @p2 $0x1  }
0x17: {  	s4 =	simm.s32 $0x1BF5;
	[smem:$0x3FA8] =	sst s0  }
0x18: {  	s0 =	sld [smem:$0x3F8B];
	_ =	swait.ge [sflag:s4], $0x0  }
0x19: {  	s7 =	sld [smem:$0x3F8C]  }
0x1a: {  	s8 =	sadd.s32 $0xFFFFE003, lr  }
0x1b: {  	s9 =	sadd.s32 $0xFFFFFEF7, lr;
	s5 =	simm.s32 $0xFFFFFFFF;
	p2 =	slt.u32 s8, $0xFFFFF086  }
0x1c: {  	p1 =	slt.u32 s9, $0xF7A;
	s5 =	simm.s32 @!p2 $0x0  }
0x1d: {  	s5 =	simm.s32 @p1 $0x1;
	p0 =	seq.s32 s7, s2  }
0x1e: {  	s7 =	smul.u32 @!p0 $0xF7A, s2;
	p2 =	seq.s32 @!p0 s5, $0x0  }
0x1f: {  	s9 =	smul.u32 $0xF7A, s1;
	s8 =	simm.s32 @!p0 $0x1BF5;
	p2 =	por !p2, p0  }
0x20: {  	[sflag:s8] =	ssyncset.s32 @!p0 $0xFFFFF086;
	s6 =	sadd.s32 @!p0 s3, s7;
	s7 =	simm.s32 @!p0 $0x108  }
0x21: {  	s3 =	sadd.s32 s3, s9;
	s6 =	sadd.s32 @!p0 $0x88, s6;
	s7 =	simm.s32 @p2 $0x1082  }
0x22: {  	[simem:s7], [sflag:s8] =	dma.local @!p0 [hbm:s6], $0xF7A  }
0x23: {  	s9 =	sor.u32 $0xD0000000, s2;
	s6 =	simm.s32 $0x108;
	_ =	swait.ge @!p0 [sflag:s8], $0x0  }
0x24: {  	s3 =	sadd.s32 $0x88, s3;
	s6 =	simm.s32 @!p1 $0x1082;
	[sflag:s4] =	ssyncset.s32 $0xFFFFF086  }
0x25: {  	[simem:s6], [sflag:s4] =	dma.local [hbm:s3], $0xF7A  }
0x26: {  	[smem:$0x3F8C] =	sst s1;
	(tag) =	ssettag s2;
	_ =	strace s9  }
0x27: {  	s1 =	sld [smem:$0x3F9C]  }
0x28: {  	s2 =	sld [smem:$0x3F9D]  }
0x29: {  	s4 =	sld [smem:$0x3F9F]  }
0x2a: {  	p0 =	seq.s32 s5, $0x0;
	s5 =	sld [smem:$0x3FA0]  }
0x2b: {  	s6 =	sld [smem:$0x3FA1]  }
0x2c: {  	s7 =	sld [smem:$0x3FA2]  }
0x2d: {  	s3 =	simm.s32 $0x108;
	s8 =	sld [smem:$0x3FA3]  }
0x2e: {  	s3 =	simm.s32 @!p0 $0x1082;
	s9 =	sld [smem:$0x3FA4]  }
0x2f: {  	lr =	sadd.s32 s0, s3;
	s0 =	sld [smem:$0x3F9B]  }
0x30: {  	s3 =	sld [smem:$0x3F9E]  }
0x31: {  	[smem:$0x3FA7] =	sst s10  }
0x32: {  	s10 =	sld [smem:$0x3FA5];
	_ =	sdelay $0x3  }
0x33: {  	p0 =	seq.s32 s10, $0x1;
	s10 =	sld [smem:$0x3FA7];
	_ =	sdelay $0x3  }
0x34: {  	[smem:$0x3FA7] =	sst s10  }
0x35: {  	s10 =	sld [smem:$0x3FA6];
	_ =	sdelay $0x3  }
0x36: {  	p1 =	seq.s32 s10, $0x1;
	s10 =	sld [smem:$0x3FA7];
	_ =	sdelay $0x3  }
0x37: {  	[smem:$0x3FA7] =	sst s10  }
0x38: {  	s10 =	sld [smem:$0x3FA8]  }
0x39: {  	_ = 	snop;
	(pc) =	sbr.ind lr, $3  }
0x3a: {  	_ = 	snop  }
0x3b: {  	_ = 	snop  }
0x3c: {  	p2 =	seq.s32 s10, $0x1;
	s10 =	sld [smem:$0x3FA7]  }
0x3d: {  	_ =	shalt  }
0x3e: {  	_ =	shalt  }
0x3f: {  	_ =	shalt  }
0x40: {  	_ =	shalt  }
0x41: {  	_ =	shalt  }
0x42: {  	_ =	shalt  }
0x43: {  	_ =	shalt  }
0x44: {  	_ =	shalt  }
0x45: {  	_ =	shalt  }
0x46: {  	_ =	shalt  }
0x47: {  	_ =	shalt  }
0x48: {  	_ =	shalt  }
0x49: {  	_ =	shalt  }
0x4a: {  	_ =	shalt  }
0x4b: {  	_ =	shalt  }
0x4c: {  	_ =	shalt  }
0x4d: {  	_ =	shalt  }
0x4e: {  	_ =	shalt  }
0x4f: {  	_ =	shalt  }
0x50: {  	_ =	shalt  }
0x51: {  	_ =	shalt  }
0x52: {  	_ =	shalt  }
0x53: {  	_ =	shalt  }
0x54: {  	_ =	shalt  }
0x55: {  	_ =	shalt  }
0x56: {  	_ =	shalt  }
0x57: {  	_ =	shalt  }
0x58: {  	_ =	shalt  }
0x59: {  	_ =	shalt  }
0x5a: {  	_ =	shalt  }
0x5b: {  	_ =	shalt  }
0x5c: {  	_ =	shalt  }
0x5d: {  	_ =	shalt  }
0x5e: {  	_ =	shalt  }
0x5f: {  	_ =	shalt  }
0x60: {  	_ =	shalt  }
0x61: {  	_ =	shalt  }
0x62: {  	_ =	shalt  }
0x63: {  	_ =	shalt  }
0x64: {  	_ =	shalt  }
0x65: {  	_ =	shalt  }
0x66: {  	_ =	shalt  }
0x67: {  	_ =	shalt  }
0x68: {  	_ =	shalt  }
0x69: {  	_ =	shalt  }
0x6a: {  	_ =	shalt  }
0x6b: {  	_ =	shalt  }
0x6c: {  	_ =	shalt  }
0x6d: {  	_ =	shalt  }
0x6e: {  	_ =	shalt  }
0x6f: {  	_ =	shalt  }
0x70: {  	_ =	shalt  }
0x71: {  	_ =	shalt  }
0x72: {  	_ =	shalt  }
0x73: {  	_ =	shalt  }
0x74: {  	_ =	shalt  }
0x75: {  	_ =	shalt  }
0x76: {  	_ =	shalt  }
0x77: {  	_ =	shalt  }
0x78: {  	_ =	shalt  }
0x79: {  	_ =	shalt  }
0x7a: {  	_ =	shalt  }
0x7b: {  	_ =	shalt  }
0x7c: {  	_ =	shalt  }
0x7d: {  	_ =	shalt  }
0x7e: {  	_ =	shalt  }
0x7f: {  	_ =	shalt  }
0x80: {  	_ =	shalt  }
0x81: {  	_ =	shalt  }
0x82: {  	_ =	shalt  }
0x83: {  	_ =	shalt  }
0x84: {  	_ =	shalt  }
0x85: {  	_ =	shalt  }
0x86: {  	_ =	shalt  }
0x87: {  	_ =	shalt  }
.Lfunc_end0:
.L_simem_size_0:
called_computation_lowered:
.L_overlay_start_0:
0x88: {  	s2 =	sld [smem:$0x3FD9]  }
0x89: {  	s3 =	sld [smem:$0x3FFE];
	_ =	sdelay $0x1  }
0x8a: {  	s1 =	srdreg.scid  }
0x8b: {  	s0 =	sand.u32 $0x1, s1  }
0x8c: {  	s17 =	sshll.u32 s0, $0xA;
	s2 =	sadd.s32 s3, s2  }
0x8d: {  	s2 =	sadd.s32 s2, s17  }
0x8e: {  	[smem:$0x3FB3] =	sst s2  }
0x8f: {  	_ = 	snop  }
0x90: {  	s2 =	sld [smem:$0x3FC9];
	(tm) =	ssettm $0x1  }
0x91: {  	s18 =	sld [smem:$0x3FFB];
	_ =	sdelay $0x3  }
0x92: {  	_ =	strace s18  }
0x93: {  	s3 =	sld [smem:$0x3FFC];
	_ =	sdelay $0x3  }
0x94: {  	_ =	strace s3  }
0x95: {  	s3 =	sld [smem:$0x3FFD];
	_ =	sdelay $0x3  }
0x96: {  	_ =	strace s3  }
0x97: {  	_ =	strace $0x8FFFFFFF  }
0x98: {  	s19 =	sld [smem:$0x3FDB];
	_ =	sdelay $0x1  }
0x99: {  	s4 =	simm.s32 $_scs_section_size  }
0x9a: {  	s5 =	simm.s32 $_size__tile_overlayer_lowered;
	s6 =	simm.s32 $_tile_overlayer_lowered  }
0x9b: {  	s22 =	simm.s32 $0x1BFF;
	s21 =	sshll.u32 s6, $0x1;
	s3 =	sadd.s32 s4, s19  }
0x9c: {  	s7 =	simm.s32 $0x0;
	s20 =	sshll.u32 s5, $0x1;
	s5 =	sadd.s32 s21, s3  }
0x9d: {  	[timem:s7], [sflag:s22] =	dma.local [hbm:s5], s20  }
0x9e: {  	_ =	swait.ge [sflag:s22], s20  }
0x9f: {  	s4 =	ssub.s32 $0x0, s20;
	[sflag:s22] =	ssyncset.done $0x0  }
0xa0: {  	[sflag:s22] =	ssyncadd.s32 s4;
	_ =	sdelay $0x1  }
0xa1: {  	s23 =	simm.s32 $0x1B8B  }
0xa2: {  	_ =	swait.ge [sflag:s23], $0x1  }
0xa3: {  	[sflag:s23] =	ssyncset.done $0x0  }
0xa4: {  	s25 =	simm.s32 $0x1B8E;
	s24 =	sld [smem:$0x3FFE];
	[sflag:s23] =	ssyncadd.s32 $0xFFFFFFFF  }
0xa5: {  	s26 =	simm.s32 $execute0_lowered;
	[smem:$0x3FD2] =	sst s25  }
0xa6: {  	s5 =	sshll.u32 s26, $0x1;
	_ =	strace $0x80000046;
	[dreg:$0x1] =	wrdreg $0xFFFFFFFF  }
0xa7: {  	s28 =	simm.s32 $_size_execute0_lowered;
	s3 =	sadd.s32 s3, s5;
	[dreg:$0x0] =	wrdreg $0x0  }
0xa8: {  	s5 =	sshll.u32 s28, $0x1;
	[dreg:$0x2] =	wrdreg s3  }
0xa9: {  	[dreg:$0x3] =	wrdreg s5  }
0xaa: {  	[dreg:$0x4] =	wrdreg $0xC0  }
0xab: {  	_ =	task [dreg:s7], $0x5FFFF  }
0xac: {  	[dreg:$0x1] =	wrdreg $0xFFFFFFFF  }
0xad: {  	[dreg:$0x0] =	wrdreg $0x60  }
0xae: {  	[dreg:$0x2] =	wrdreg s2  }
0xaf: {  	[dreg:$0x3] =	wrdreg s24  }
0xb0: {  	[dreg:$0x4] =	wrdreg $0x0  }
0xb1: {  	[dreg:$0x5] =	wrdreg $0x9  }
0xb2: {  	_ =	task.clear_ibuf [dreg:s7], $0x6FFFF;
	_ =	strace $0x90000046  }
0xb3: {  	s29 =	simm.s32 $0x9;
	_ =	strace $0x80000048  }
0xb4: {  	_ =	swait.ge [sflag:s29], $0x1  }
0xb5: {  	[sflag:s29] =	ssyncadd.s32 $0xFFFFFFFF  }
0xb6: {  	_ =	strace $0x90000048  }
0xb7: {  	_ =	sfence  }
0xb8: {  	s30 =	sld [smem:$0x0];
	_ =	sdelay $0x2  }
0xb9: {  	s31 =	sshll.u32 s1, $0xD;
	s1 =	sshrl.u32 s1, $0x2  }
0xba: {  	s3 =	sand.u32 $0x4000, s31;
	s1 =	sadd.s32 s1, s30  }
0xbb: {  	s0 =	sor.u32 s3, s0;
	s1 =	sshll.u32 s1, $0x11  }
0xbc: {  	s0 =	sor.u32 s1, s0  }
0xbd: {  	s0 =	sadd.s32 $0x8F2B, s0  }
0xbe: {  	[sflag:s0] =	ssyncadd.remote.s32 $0x1  }
0xbf: {  	_ =	sfence.sel $0xFFFF  }
0xc0: {  	[dreg:$0x0] =	wrdreg $0xFFFFFFFF;
	(pc) =	sbr.abs _section_cstart, $3  }
0xc1: {  	[dreg:$0x1] =	wrdreg $0xFFFFFFFF  }
0xc2: {  	_ =	task.clear_ibuf [dreg:s7], $0x2FFFF;
	_ =	strace $0x9FFFFFFF  }
0xc3: {  	(tm) =	ssettm $0x7FFFFFFF  }
tec
execute0_lowered:
.L_overlay_start_1:
0x0: {  	(tag) =	ssettag $0x1  }
0x1: {  	s1 =	rddreg [dreg:$0x0]  }
0x2: {  	s0 =	srdreg.scid;
	s2 =	rddreg [dreg:$0x1]  }
0x3: {  	s10 =	stileid.u32;
	s3 =	rddreg [dreg:$0x2];
	s7 =	simm.s32 $0x0  }
0x4: {  	s12 =	simm.s32 $0xB;
	s13 =	simm.s32 $0x9E00;
	s14 =	simm.s32 $0xEE00  }
0x5: {  	s15 =	simm.s32 $0x80;
	s16 =	simm.s32 $0x13E00;
	s18 =	simm.s32 $0x15E00  }
0x6: {  	s20 =	simm.s32 $0x17E00;
	s22 =	simm.s32 $0x19E00;
	s23 =	simm.s32 $0x1  }
0x7: {  	s29 =	simm.s32 $0x6;
	s31 =	simm.s32 $0x3;
	s19 =	simm.s32 $0x4  }
0x8: {  	s30 =	simm.s32 $0x5;
	s17 =	simm.s32 $0x9;
	s4 =	smul.u32 $0x5000, s10  }
0x9: {  	s28 =	simm.s32 $0xA;
	s0 =	sand.u32 $0x1, s0;
	s6 =	smul.u32 $0x9E00, s10  }
0xa: {  	[smem:$0x7FF] =	sst s7;
	s25 =	sadd.s32 $0x20E00, s2;
	s5 =	smul.u32 $0x50000, s0  }
0xb: {  	s26 =	sshll.u32 s10, $0x6;
	s24 =	smul.u32 $0x9E000, s0;
	_ =	strace $0x80000047  }
0xc: {  	s0 =	ssub.s32 $0x2, s0;
	[dreg:$0x4] =	wrdreg s25;
	s25 =	simm.s32 $0x1BE00  }
0xd: {  	s9 =	sshrl.u32 s0, $0x1;
	s11 =	sadd.s32 s6, s3;
	s5 =	sadd.s32 s4, s5  }
0xe: {  	s4 =	sshrl.u32 s4, $0x3;
	s7 =	sadd.s32 s6, s24;
	s0 =	ssub.s32 s0, s9  }
0xf: {  	s6 =	sor.u32 $0x1C0B, s26;
	s11 =	sshrl.u32 s11, $0x3;
	s26 =	simm.s32 $0x2  }
0x10: {  	s24 =	simm.s32 $0x8;
	s5 =	sshrl.u32 s5, $0x3;
	s4 =	sadd.s32 s4, s2  }
0x11: {  	s7 =	sshrl.u32 s7, $0x3;
	s10 =	smax.u32 s0, $0x1;
	s8 =	sadd.s32 s5, s2  }
0x12: {  	s0 =	simm.s32 $0x7;
	s2 =	sadd.s32 s7, s2;
	s7 =	sadd.s32 $0x2E00, s8  }
0x13: {  	s8 =	sadd.s32 $0x16E00, s4;
	s9 =	sadd.s32 $0x22200, s2;
	s2 =	simm.s32 $0x0  }
.LBB2_1:
0x14: {  	s4 =	rddreg [dreg:$0x4]  }
0x15: {  	[spmem:s11], [sflag:s6] =	dma.local [hbm:s4], $0x13C0  }
0x16: {  	_ =	swait.ge [sflag:s12], $0x13C0  }
0x17: {  	[sflag:s12] =	ssyncset.done $0x0  }
0x18: {  	s5 =	simm.s32 $0x0;
	[sflag:s12] =	ssyncadd.s32 $0xFFFFEC40  }
0x19: {  	[tilespmem:s13], [sflag:$0xB] =	stream.linear.gather [hbm4b:s7+s5], $0x5000, $0x38;
	[tilespmem:$0x1DE00] =	vst v63  }
0x1a: {  	_ =	swait.ge [sflag:s12], $0x5000  }
0x1b: {  	[sflag:s12] =	ssyncset.done $0x0  }
0x1c: {  	[sflag:s12] =	ssyncadd.s32 $0xFFFFB000  }
0x1d: {  	[tilespmem:s14], [sflag:$0xB] =	stream.linear.gather [hbm4b:s8+s5], $0x5000, $0x38;
	[tilespmem:$0x1DE00] =	vst v63  }
0x1e: {  	_ =	swait.ge [sflag:s12], $0x5000  }
0x1f: {  	[sflag:s12] =	ssyncset.done $0x0  }
0x20: {  	[sflag:s12] =	ssyncadd.s32 $0xFFFFB000  }
0x21: {  	[bflag:$0x0] =	sbarrier.arrive $0xFFFF  }
0x22: {  	[tilespmem:s16], [sflag:$0x1] =	stream.indirect.gather [hbm4b:s1+s15], $0x40, s13, s15, $0xb8;
	[tilespmem:$0x1DE00] =	vst v63  }
0x23: {  	s21 =	simm.s32 $0x9E80  }
0x24: {  	[tilespmem:s18], [sflag:$0x2] =	stream.indirect.gather [hbm4b:s1+s15], $0x40, s21, s15, $0xb8;
	[tilespmem:$0x1DE00] =	vst v63  }
0x25: {  	s5 =	simm.s32 $0x9F00  }
0x26: {  	[tilespmem:s20], [sflag:$0x3] =	stream.indirect.gather [hbm4b:s1+s15], $0x40, s5, s15, $0xb8;
	[tilespmem:$0x1DE00] =	vst v63  }
0x27: {  	s21 =	simm.s32 $0x9F80  }
0x28: {  	[tilespmem:s22], [sflag:$0x4] =	stream.indirect.gather [hbm4b:s1+s15], $0x40, s21, s15, $0xb8;
	[tilespmem:$0x1DE00] =	vst v63  }
0x29: {  	_ =	swait.ge [sflag:s23], $0x2000  }
0x2a: {  	[sflag:s23] =	ssyncset.done $0x0  }
0x2b: {  	[sflag:s23] =	ssyncadd.s32 $0xFFFFE000  }
0x2c: {  	[spmem:s3] =	stream.indirect.scatter.add.f32 [tilespmem:s16], [sflag:$0x6], $0x40, s14, s15, $0xb8;
	[tilespmem:$0x1DE00] =	vst v63  }
0x2d: {  	s5 =	simm.s32 $0xA000  }
0x2e: {  	[tilespmem:s25], [sflag:$0x5] =	stream.indirect.gather [hbm4b:s1+s15], $0x40, s5, s15, $0xb8;
	[tilespmem:$0x1DE00] =	vst v63  }
0x2f: {  	_ =	swait.ge [sflag:s26], $0x2000  }
0x30: {  	[sflag:s26] =	ssyncset.done $0x0  }
0x31: {  	s21 =	simm.s32 $0xEE80;
	[sflag:s26] =	ssyncadd.s32 $0xFFFFE000  }
0x32: {  	[spmem:s3] =	stream.indirect.scatter.add.f32 [tilespmem:s18], [sflag:$0x7], $0x40, s21, s15, $0xb8;
	[tilespmem:$0x1DE00] =	vst v63  }
0x33: {  	_ =	swait.ge [sflag:s29], $0x2000  }
0x34: {  	[sflag:s29] =	ssyncset.done $0x0  }
0x35: {  	s5 =	simm.s32 $0xA080;
	[sflag:s29] =	ssyncadd.s32 $0xFFFFE000  }
0x36: {  	[tilespmem:s16], [sflag:$0x1] =	stream.indirect.gather [hbm4b:s1+s15], $0x40, s5, s15, $0xb8;
	[tilespmem:$0x1DE00] =	vst v63  }
0x37: {  	_ =	swait.ge [sflag:s31], $0x2000  }
0x38: {  	[sflag:s31] =	ssyncset.done $0x0  }
0x39: {  	s21 =	simm.s32 $0xEF00;
	[sflag:s31] =	ssyncadd.s32 $0xFFFFE000  }
0x3a: {  	[spmem:s3] =	stream.indirect.scatter.add.f32 [tilespmem:s20], [sflag:$0x8], $0x40, s21, s15, $0xb8;
	[tilespmem:$0x1DE00] =	vst v63  }
0x3b: {  	_ =	swait.ge [sflag:s0], $0x2000  }
0x3c: {  	[sflag:s0] =	ssyncset.done $0x0  }
0x3d: {  	s5 =	simm.s32 $0xA100;
	[sflag:s0] =	ssyncadd.s32 $0xFFFFE000  }
0x3e: {  	[tilespmem:s18], [sflag:$0x2] =	stream.indirect.gather [hbm4b:s1+s15], $0x40, s5, s15, $0xb8;
	[tilespmem:$0x1DE00] =	vst v63  }
0x3f: {  	_ =	swait.ge [sflag:s19], $0x2000  }
0x40: {  	[sflag:s19] =	ssyncset.done $0x0  }
0x41: {  	s21 =	simm.s32 $0xEF80;
	[sflag:s19] =	ssyncadd.s32 $0xFFFFE000  }
0x42: {  	[spmem:s3] =	stream.indirect.scatter.add.f32 [tilespmem:s22], [sflag:$0x9], $0x40, s21, s15, $0xb8;
	[tilespmem:$0x1DE00] =	vst v63  }
0x43: {  	_ =	swait.ge [sflag:s24], $0x2000  }
0x44: {  	[sflag:s24] =	ssyncset.done $0x0  }
0x45: {  	s5 =	simm.s32 $0xA180;
	[sflag:s24] =	ssyncadd.s32 $0xFFFFE000  }
0x46: {  	[tilespmem:s20], [sflag:$0x3] =	stream.indirect.gather [hbm4b:s1+s15], $0x40, s5, s15, $0xb8;
	[tilespmem:$0x1DE00] =	vst v63  }
0x47: {  	_ =	swait.ge [sflag:s30], $0x2000  }
0x48: {  	[sflag:s30] =	ssyncset.done $0x0  }
0x49: {  	s21 =	simm.s32 $0xF000;
	[sflag:s30] =	ssyncadd.s32 $0xFFFFE000  }
0x4a: {  	[spmem:s3] =	stream.indirect.scatter.add.f32 [tilespmem:s25], [sflag:$0xA], $0x40, s21, s15, $0xb8;
	[tilespmem:$0x1DE00] =	vst v63  }
0x4b: {  	_ =	swait.ge [sflag:s17], $0x2000  }
0x4c: {  	[sflag:s17] =	ssyncset.done $0x0  }
0x4d: {  	s5 =	simm.s32 $0xA200;
	[sflag:s17] =	ssyncadd.s32 $0xFFFFE000  }
0x4e: {  	[tilespmem:s22], [sflag:$0x4] =	stream.indirect.gather [hbm4b:s1+s15], $0x40, s5, s15, $0xb8;
	[tilespmem:$0x1DE00] =	vst v63  }
0x4f: {  	_ =	swait.ge [sflag:s23], $0x2000  }
0x50: {  	[sflag:s23] =	ssyncset.done $0x0  }
0x51: {  	s21 =	simm.s32 $0xF080;
	[sflag:s23] =	ssyncadd.s32 $0xFFFFE000  }
0x52: {  	[spmem:s3] =	stream.indirect.scatter.add.f32 [tilespmem:s16], [sflag:$0x6], $0x40, s21, s15, $0xb8;
	[tilespmem:$0x1DE00] =	vst v63  }
0x53: {  	_ =	swait.ge [sflag:s28], $0x2000  }
0x54: {  	[sflag:s28] =	ssyncset.done $0x0  }
0x55: {  	s5 =	simm.s32 $0xA280;
	[sflag:s28] =	ssyncadd.s32 $0xFFFFE000  }
0x56: {  	[tilespmem:s25], [sflag:$0x5] =	stream.indirect.gather [hbm4b:s1+s15], $0x40, s5, s15, $0xb8;
	[tilespmem:$0x1DE00] =	vst v63  }
0x57: {  	_ =	swait.ge [sflag:s26], $0x2000  }
0x58: {  	[sflag:s26] =	ssyncset.done $0x0  }
0x59: {  	s21 =	simm.s32 $0xF100;
	[sflag:s26] =	ssyncadd.s32 $0xFFFFE000  }
0x5a: {  	[spmem:s3] =	stream.indirect.scatter.add.f32 [tilespmem:s18], [sflag:$0x7], $0x40, s21, s15, $0xb8;
	[tilespmem:$0x1DE00] =	vst v63  }
0x5b: {  	_ =	swait.ge [sflag:s29], $0x2000  }
0x5c: {  	[sflag:s29] =	ssyncset.done $0x0  }
0x5d: {  	s5 =	simm.s32 $0xA300;
	[sflag:s29] =	ssyncadd.s32 $0xFFFFE000  }
0x5e: {  	[tilespmem:s16], [sflag:$0x1] =	stream.indirect.gather [hbm4b:s1+s15], $0x40, s5, s15, $0xb8;
	[tilespmem:$0x1DE00] =	vst v63  }
0x5f: {  	_ =	swait.ge [sflag:s31], $0x2000  }
0x60: {  	[sflag:s31] =	ssyncset.done $0x0  }
0x61: {  	s21 =	simm.s32 $0xF180;
	[sflag:s31] =	ssyncadd.s32 $0xFFFFE000  }
0x62: {  	[spmem:s3] =	stream.indirect.scatter.add.f32 [tilespmem:s20], [sflag:$0x8], $0x40, s21, s15, $0xb8;
	[tilespmem:$0x1DE00] =	vst v63  }
0x63: {  	_ =	swait.ge [sflag:s0], $0x2000  }
0x64: {  	[sflag:s0] =	ssyncset.done $0x0  }
0x65: {  	s5 =	simm.s32 $0xA380;
	[sflag:s0] =	ssyncadd.s32 $0xFFFFE000  }
0x66: {  	[tilespmem:s18], [sflag:$0x2] =	stream.indirect.gather [hbm4b:s1+s15], $0x40, s5, s15, $0xb8;
	[tilespmem:$0x1DE00] =	vst v63  }
0x67: {  	_ =	swait.ge [sflag:s19], $0x2000  }
0x68: {  	[sflag:s19] =	ssyncset.done $0x0  }
0x69: {  	s21 =	simm.s32 $0xF200;
	[sflag:s19] =	ssyncadd.s32 $0xFFFFE000  }
0x6a: {  	[spmem:s3] =	stream.indirect.scatter.add.f32 [tilespmem:s22], [sflag:$0x9], $0x40, s21, s15, $0xb8;
	[tilespmem:$0x1DE00] =	vst v63  }
0x6b: {  	_ =	swait.ge [sflag:s24], $0x2000  }
0x6c: {  	[sflag:s24] =	ssyncset.done $0x0  }
0x6d: {  	s5 =	simm.s32 $0xA400;
	[sflag:s24] =	ssyncadd.s32 $0xFFFFE000  }
0x6e: {  	[tilespmem:s20], [sflag:$0x3] =	stream.indirect.gather [hbm4b:s1+s15], $0x40, s5, s15, $0xb8;
	[tilespmem:$0x1DE00] =	vst v63  }
0x6f: {  	_ =	swait.ge [sflag:s30], $0x2000  }
0x70: {  	[sflag:s30] =	ssyncset.done $0x0  }
0x71: {  	s21 =	simm.s32 $0xF280;
	[sflag:s30] =	ssyncadd.s32 $0xFFFFE000  }
0x72: {  	[spmem:s3] =	stream.indirect.scatter.add.f32 [tilespmem:s25], [sflag:$0xA], $0x40, s21, s15, $0xb8;
	[tilespmem:$0x1DE00] =	vst v63  }
0x73: {  	_ =	swait.ge [sflag:s17], $0x2000  }
0x74: {  	[sflag:s17] =	ssyncset.done $0x0  }
0x75: {  	s4 =	simm.s32 $0xA480;
	s21 =	simm.s32 $0xA00;
	[sflag:s17] =	ssyncadd.s32 $0xFFFFE000  }
.LBB2_2:
0x76: {  	[tilespmem:s22], [sflag:$0x4] =	stream.indirect.gather [hbm4b:s1+s15], $0x40, s4, s15, $0xb8;
	[tilespmem:$0x1DE00] =	vst v63  }
0x77: {  	s4 =	smov.u32 s21  }
0x78: {  	p0 =	sne.s32 s21, $0x12200;
	s21 =	sadd.s32 $0xA00, s21;
	_ =	swait.ge [sflag:s23], $0x2000  }
0x79: {  	s4 =	sshra.s32 s4, $0x2;
	[sflag:s23] =	ssyncset.done $0x0  }
0x7a: {  	s5 =	sadd.s32 $0xF080, s4;
	[sflag:s23] =	ssyncadd.s32 $0xFFFFE000  }
0x7b: {  	[spmem:s3] =	stream.indirect.scatter.add.f32 [tilespmem:s16], [sflag:$0x6], $0x40, s5, s15, $0xb8;
	[tilespmem:$0x1DE00] =	vst v63  }
0x7c: {  	_ =	swait.ge [sflag:s28], $0x2000  }
0x7d: {  	[sflag:s28] =	ssyncset.done $0x0  }
0x7e: {  	s5 =	sadd.s32 $0xA280, s4;
	[sflag:s28] =	ssyncadd.s32 $0xFFFFE000  }
0x7f: {  	[tilespmem:s25], [sflag:$0x5] =	stream.indirect.gather [hbm4b:s1+s15], $0x40, s5, s15, $0xb8;
	[tilespmem:$0x1DE00] =	vst v63  }
0x80: {  	_ =	swait.ge [sflag:s26], $0x2000  }
0x81: {  	[sflag:s26] =	ssyncset.done $0x0  }
0x82: {  	s5 =	sadd.s32 $0xF100, s4;
	[sflag:s26] =	ssyncadd.s32 $0xFFFFE000  }
0x83: {  	[spmem:s3] =	stream.indirect.scatter.add.f32 [tilespmem:s18], [sflag:$0x7], $0x40, s5, s15, $0xb8;
	[tilespmem:$0x1DE00] =	vst v63  }
0x84: {  	_ =	swait.ge [sflag:s29], $0x2000  }
0x85: {  	[sflag:s29] =	ssyncset.done $0x0  }
0x86: {  	s5 =	sadd.s32 $0xA300, s4;
	[sflag:s29] =	ssyncadd.s32 $0xFFFFE000  }
0x87: {  	[tilespmem:s16], [sflag:$0x1] =	stream.indirect.gather [hbm4b:s1+s15], $0x40, s5, s15, $0xb8;
	[tilespmem:$0x1DE00] =	vst v63  }
0x88: {  	_ =	swait.ge [sflag:s31], $0x2000  }
0x89: {  	[sflag:s31] =	ssyncset.done $0x0  }
0x8a: {  	s5 =	sadd.s32 $0xF180, s4;
	[sflag:s31] =	ssyncadd.s32 $0xFFFFE000  }
0x8b: {  	[spmem:s3] =	stream.indirect.scatter.add.f32 [tilespmem:s20], [sflag:$0x8], $0x40, s5, s15, $0xb8;
	[tilespmem:$0x1DE00] =	vst v63  }
0x8c: {  	_ =	swait.ge [sflag:s0], $0x2000  }
0x8d: {  	[sflag:s0] =	ssyncset.done $0x0  }
0x8e: {  	s5 =	sadd.s32 $0xA380, s4;
	[sflag:s0] =	ssyncadd.s32 $0xFFFFE000  }
0x8f: {  	[tilespmem:s18], [sflag:$0x2] =	stream.indirect.gather [hbm4b:s1+s15], $0x40, s5, s15, $0xb8;
	[tilespmem:$0x1DE00] =	vst v63  }
0x90: {  	_ =	swait.ge [sflag:s19], $0x2000  }
0x91: {  	[sflag:s19] =	ssyncset.done $0x0  }
0x92: {  	s5 =	sadd.s32 $0xF200, s4;
	[sflag:s19] =	ssyncadd.s32 $0xFFFFE000  }
0x93: {  	[spmem:s3] =	stream.indirect.scatter.add.f32 [tilespmem:s22], [sflag:$0x9], $0x40, s5, s15, $0xb8;
	[tilespmem:$0x1DE00] =	vst v63  }
0x94: {  	_ =	swait.ge [sflag:s24], $0x2000  }
0x95: {  	[sflag:s24] =	ssyncset.done $0x0  }
0x96: {  	s5 =	sadd.s32 $0xA400, s4;
	[sflag:s24] =	ssyncadd.s32 $0xFFFFE000  }
0x97: {  	[tilespmem:s20], [sflag:$0x3] =	stream.indirect.gather [hbm4b:s1+s15], $0x40, s5, s15, $0xb8;
	[tilespmem:$0x1DE00] =	vst v63  }
0x98: {  	_ =	swait.ge [sflag:s30], $0x2000  }
0x99: {  	[sflag:s30] =	ssyncset.done $0x0  }
.Ltmp0:
0x9a: {  	s5 =	sadd.s32 $0xF280, s4;
	[sflag:s30] =	ssyncadd.s32 $0xFFFFE000;
	(pc) =	sbr.rel @p0 .LBB2_2-.Ltmp0, $4  }
0x9b: {  	[spmem:s3] =	stream.indirect.scatter.add.f32 [tilespmem:s25], [sflag:$0xA], $0x40, s5, s15, $0xb8;
	[tilespmem:$0x1DE00] =	vst v63  }
0x9c: {  	_ =	swait.ge [sflag:s17], $0x2000  }
0x9d: {  	[sflag:s17] =	ssyncset.done $0x0  }
0x9e: {  	s4 =	sadd.s32 $0xA480, s4;
	[sflag:s17] =	ssyncadd.s32 $0xFFFFE000  }
0x9f: {  	[tilespmem:s22], [sflag:$0x4] =	stream.indirect.gather [hbm4b:s1+s15], $0x40, s4, s15, $0xb8;
	[tilespmem:$0x1DE00] =	vst v63  }
0xa0: {  	_ =	swait.ge [sflag:s28], $0x2000  }
0xa1: {  	[sflag:s28] =	ssyncset.done $0x0  }
0xa2: {  	s5 =	simm.s32 $0xED80;
	[sflag:s28] =	ssyncadd.s32 $0xFFFFE000  }
0xa3: {  	[tilespmem:s25], [sflag:$0x5] =	stream.indirect.gather [hbm4b:s1+s15], $0x40, s5, s15, $0xb8;
	[tilespmem:$0x1DE00] =	vst v63  }
0xa4: {  	_ =	swait.ge [sflag:s23], $0x2000  }
0xa5: {  	[sflag:s23] =	ssyncset.done $0x0  }
0xa6: {  	s21 =	simm.s32 $0x13B80;
	[sflag:s23] =	ssyncadd.s32 $0xFFFFE000  }
0xa7: {  	[spmem:s3] =	stream.indirect.scatter.add.f32 [tilespmem:s16], [sflag:$0xB], $0x40, s21, s15, $0xb8;
	[tilespmem:$0x1DE00] =	vst v63  }
0xa8: {  	_ =	swait.ge [sflag:s12], $0x2000  }
0xa9: {  	[sflag:s12] =	ssyncset.done $0x0  }
0xaa: {  	[sflag:s12] =	ssyncadd.s32 $0xFFFFE000  }
0xab: {  	_ =	swait.ge [sflag:s26], $0x2000  }
0xac: {  	[sflag:s26] =	ssyncset.done $0x0  }
0xad: {  	s5 =	simm.s32 $0x13C00;
	[sflag:s26] =	ssyncadd.s32 $0xFFFFE000  }
0xae: {  	[spmem:s3] =	stream.indirect.scatter.add.f32 [tilespmem:s18], [sflag:$0xB], $0x40, s5, s15, $0xb8;
	[tilespmem:$0x1DE00] =	vst v63  }
0xaf: {  	_ =	swait.ge [sflag:s12], $0x2000  }
0xb0: {  	[sflag:s12] =	ssyncset.done $0x0  }
0xb1: {  	[sflag:s12] =	ssyncadd.s32 $0xFFFFE000  }
0xb2: {  	_ =	swait.ge [sflag:s31], $0x2000  }
0xb3: {  	[sflag:s31] =	ssyncset.done $0x0  }
0xb4: {  	s21 =	simm.s32 $0x13C80;
	[sflag:s31] =	ssyncadd.s32 $0xFFFFE000  }
0xb5: {  	[spmem:s3] =	stream.indirect.scatter.add.f32 [tilespmem:s20], [sflag:$0xB], $0x40, s21, s15, $0xb8;
	[tilespmem:$0x1DE00] =	vst v63  }
0xb6: {  	_ =	swait.ge [sflag:s12], $0x2000  }
0xb7: {  	[sflag:s12] =	ssyncset.done $0x0  }
0xb8: {  	[sflag:s12] =	ssyncadd.s32 $0xFFFFE000  }
0xb9: {  	_ =	swait.ge [sflag:s19], $0x2000  }
0xba: {  	[sflag:s19] =	ssyncset.done $0x0  }
0xbb: {  	s5 =	simm.s32 $0x13D00;
	[sflag:s19] =	ssyncadd.s32 $0xFFFFE000  }
0xbc: {  	[spmem:s3] =	stream.indirect.scatter.add.f32 [tilespmem:s22], [sflag:$0xB], $0x40, s5, s15, $0xb8;
	[tilespmem:$0x1DE00] =	vst v63  }
0xbd: {  	_ =	swait.ge [sflag:s12], $0x2000  }
0xbe: {  	[sflag:s12] =	ssyncset.done $0x0  }
0xbf: {  	[sflag:s12] =	ssyncadd.s32 $0xFFFFE000  }
0xc0: {  	_ =	swait.ge [sflag:s30], $0x2000  }
0xc1: {  	[sflag:s30] =	ssyncset.done $0x0  }
0xc2: {  	s21 =	simm.s32 $0x13D80;
	[sflag:s30] =	ssyncadd.s32 $0xFFFFE000  }
0xc3: {  	[spmem:s3] =	stream.indirect.scatter.add.f32 [tilespmem:s25], [sflag:$0xB], $0x40, s21, s15, $0xb8;
	[tilespmem:$0x1DE00] =	vst v63  }
0xc4: {  	_ =	swait.ge [sflag:s12], $0x2000  }
0xc5: {  	s2 =	sadd.s32 $0x1, s2;
	[sflag:s12] =	ssyncset.done $0x0  }
0xc6: {  	p0 =	sne.s32 s2, s10;
	[sflag:s12] =	ssyncadd.s32 $0xFFFFE000  }
.Ltmp1:
0xc7: {  	[bflag:$0x0] =	sbarrier.arrive $0xFFFF;
	(pc) =	sbr.rel @p0 .LBB2_1-.Ltmp1, $4  }
0xc8: {  	[hbm:s9], [sflag:s6] =	dma.local [spmem:s11], $0x13C0  }
0xc9: {  	_ =	swait.ge [sflag:s12], $0x13C0  }
0xca: {  	[sflag:s12] =	ssyncset.done $0x0  }
0xcb: {  	[sflag:s12] =	ssyncadd.s32 $0xFFFFEC40  }
0xcc: {  	_ =	sfence.sel $0x180000  }
0xcd: {  	[bflag:$0x0] =	sbarrier.arrive $0xFFFF  }
0xce: {  	_ =	strace $0x90000047  }
0xcf: {  	s0 =	stileid.u32;
	[bflag:$0x2] =	sbarrier.arrive $0xFFFF  }
0xd0: {  	p0 =	sne.s32 s0, $0x0;
	s0 =	rddreg [dreg:$0x3]  }
0xd1: {  	s0 =	sadd.s32 @!p0 $0x100000, s0  }
0xd2: {  	[sflag:s0] =	ssyncadd.tile.s32 @!p0 $0x1;
	_ =	shalt  }
.Lfunc_end2:
_tile_overlayer_lowered:
.L_overlay_start_2:
0xd3: {  	(tag) =	ssettag $0x2  }
0xd4: {  	s0 =	rddreg [dreg:$0x0];
	s2 =	stileid.u32  }
0xd5: {  	s1 =	rddreg [dreg:$0x1];
	p0 =	sne.s32 s2, $0x0  }
0xd6: {  	s3 =	rddreg [dreg:$0x2];
	[bflag:$0x3] =	sbarrier.arrive $0xFFFF;
	s2 =	simm.s32 @!p0 $0x1C0B  }
0xd7: {  	[timem:s3], [sflag:s2] =	dma.local @!p0 [hbm:s0], s1  }
0xd8: {  	s0 =	simm.s32 @!p0 $0xB  }
0xd9: {  	_ =	swait.ge @!p0 [sflag:s0], s1  }
0xda: {  	s1 =	ssub.s32 @!p0 $0x0, s1;
	[sflag:s0] =	ssyncset.done @!p0 $0x0  }
0xdb: {  	[sflag:s0] =	ssyncadd.s32 @!p0 s1  }
0xdc: {  	[bflag:$0x3] =	sbarrier.arrive $0xFFFF  }
0xdd: {  	_ =	shalt  }

// kernel: kernel.9.cloned.1.call-start
scs
__scs_entry_jumppad:
0x0: {  	(pc) =	sbr.rel $0x88, $3  }
0x1: {  	(tag) =	ssettag $0x0;
	lr =	simm.s32 $0x1  }
0x2: {  	[smem:$0x3F8C] =	sst lr;
	_ =	strace $0xD0000000  }
0x3: {  	_ = 	snop  }
0x4: {  	_ = 	snop  }
0x5: {  	_ = 	snop  }
0x6: {  	_ = 	snop  }
0x7: {  	_ = 	snop  }
__scs_overlays_trampoline_lowered:
0x8: {  	[smem:$0x3F9B] =	sst s0  }
0x9: {  	[smem:$0x3F9C] =	sst s1  }
0xa: {  	[smem:$0x3F9D] =	sst s2  }
0xb: {  	[smem:$0x3F9E] =	sst s3  }
0xc: {  	[smem:$0x3F9F] =	sst s4  }
0xd: {  	[smem:$0x3FA0] =	sst s5  }
0xe: {  	[smem:$0x3FA1] =	sst s6  }
0xf: {  	[smem:$0x3FA2] =	sst s7  }
0x10: {  	[smem:$0x3FA3] =	sst s8  }
0x11: {  	[smem:$0x3FA4] =	sst s9;
	s0 =	simm.s32 @!p0 $0x0  }
0x12: {  	s1 =	sld [smem:$0x3F8A];
	s0 =	simm.s32 @p0 $0x1  }
0x13: {  	[smem:$0x3FA5] =	sst s0;
	s0 =	simm.s32 @!p1 $0x0  }
0x14: {  	s2 =	sld [smem:$0x3F89];
	s0 =	simm.s32 @p1 $0x1  }
0x15: {  	[smem:$0x3FA6] =	sst s0;
	s0 =	simm.s32 @!p2 $0x0  }
0x16: {  	s3 =	sld [smem:$0x3FDB];
	s0 =	simm.s32 @p2 $0x1  }
0x17: {  	s4 =	simm.s32 $0x1BF5;
	[smem:$0x3FA8] =	sst s0  }
0x18: {  	s0 =	sld [smem:$0x3F8B];
	_ =	swait.ge [sflag:s4], $0x0  }
0x19: {  	s7 =	sld [smem:$0x3F8C]  }
0x1a: {  	s8 =	sadd.s32 $0xFFFFE003, lr  }
0x1b: {  	s9 =	sadd.s32 $0xFFFFFEF7, lr;
	s5 =	simm.s32 $0xFFFFFFFF;
	p2 =	slt.u32 s8, $0xFFFFF086  }
0x1c: {  	p1 =	slt.u32 s9, $0xF7A;
	s5 =	simm.s32 @!p2 $0x0  }
0x1d: {  	s5 =	simm.s32 @p1 $0x1;
	p0 =	seq.s32 s7, s2  }
0x1e: {  	s7 =	smul.u32 @!p0 $0xF7A, s2;
	p2 =	seq.s32 @!p0 s5, $0x0  }
0x1f: {  	s9 =	smul.u32 $0xF7A, s1;
	s8 =	simm.s32 @!p0 $0x1BF5;
	p2 =	por !p2, p0  }
0x20: {  	[sflag:s8] =	ssyncset.s32 @!p0 $0xFFFFF086;
	s6 =	sadd.s32 @!p0 s3, s7;
	s7 =	simm.s32 @!p0 $0x108  }
0x21: {  	s3 =	sadd.s32 s3, s9;
	s6 =	sadd.s32 @!p0 $0x88, s6;
	s7 =	simm.s32 @p2 $0x1082  }
0x22: {  	[simem:s7], [sflag:s8] =	dma.local @!p0 [hbm:s6], $0xF7A  }
0x23: {  	s9 =	sor.u32 $0xD0000000, s2;
	s6 =	simm.s32 $0x108;
	_ =	swait.ge @!p0 [sflag:s8], $0x0  }
0x24: {  	s3 =	sadd.s32 $0x88, s3;
	s6 =	simm.s32 @!p1 $0x1082;
	[sflag:s4] =	ssyncset.s32 $0xFFFFF086  }
0x25: {  	[simem:s6], [sflag:s4] =	dma.local [hbm:s3], $0xF7A  }
0x26: {  	[smem:$0x3F8C] =	sst s1;
	(tag) =	ssettag s2;
	_ =	strace s9  }
0x27: {  	s1 =	sld [smem:$0x3F9C]  }
0x28: {  	s2 =	sld [smem:$0x3F9D]  }
0x29: {  	s4 =	sld [smem:$0x3F9F]  }
0x2a: {  	p0 =	seq.s32 s5, $0x0;
	s5 =	sld [smem:$0x3FA0]  }
0x2b: {  	s6 =	sld [smem:$0x3FA1]  }
0x2c: {  	s7 =	sld [smem:$0x3FA2]  }
0x2d: {  	s3 =	simm.s32 $0x108;
	s8 =	sld [smem:$0x3FA3]  }
0x2e: {  	s3 =	simm.s32 @!p0 $0x1082;
	s9 =	sld [smem:$0x3FA4]  }
0x2f: {  	lr =	sadd.s32 s0, s3;
	s0 =	sld [smem:$0x3F9B]  }
0x30: {  	s3 =	sld [smem:$0x3F9E]  }
0x31: {  	[smem:$0x3FA7] =	sst s10  }
0x32: {  	s10 =	sld [smem:$0x3FA5];
	_ =	sdelay $0x3  }
0x33: {  	p0 =	seq.s32 s10, $0x1;
	s10 =	sld [smem:$0x3FA7];
	_ =	sdelay $0x3  }
0x34: {  	[smem:$0x3FA7] =	sst s10  }
0x35: {  	s10 =	sld [smem:$0x3FA6];
	_ =	sdelay $0x3  }
0x36: {  	p1 =	seq.s32 s10, $0x1;
	s10 =	sld [smem:$0x3FA7];
	_ =	sdelay $0x3  }
0x37: {  	[smem:$0x3FA7] =	sst s10  }
0x38: {  	s10 =	sld [smem:$0x3FA8]  }
0x39: {  	_ = 	snop;
	(pc) =	sbr.ind lr, $3  }
0x3a: {  	_ = 	snop  }
0x3b: {  	_ = 	snop  }
0x3c: {  	p2 =	seq.s32 s10, $0x1;
	s10 =	sld [smem:$0x3FA7]  }
0x3d: {  	_ =	shalt  }
0x3e: {  	_ =	shalt  }
0x3f: {  	_ =	shalt  }
0x40: {  	_ =	shalt  }
0x41: {  	_ =	shalt  }
0x42: {  	_ =	shalt  }
0x43: {  	_ =	shalt  }
0x44: {  	_ =	shalt  }
0x45: {  	_ =	shalt  }
0x46: {  	_ =	shalt  }
0x47: {  	_ =	shalt  }
0x48: {  	_ =	shalt  }
0x49: {  	_ =	shalt  }
0x4a: {  	_ =	shalt  }
0x4b: {  	_ =	shalt  }
0x4c: {  	_ =	shalt  }
0x4d: {  	_ =	shalt  }
0x4e: {  	_ =	shalt  }
0x4f: {  	_ =	shalt  }
0x50: {  	_ =	shalt  }
0x51: {  	_ =	shalt  }
0x52: {  	_ =	shalt  }
0x53: {  	_ =	shalt  }
0x54: {  	_ =	shalt  }
0x55: {  	_ =	shalt  }
0x56: {  	_ =	shalt  }
0x57: {  	_ =	shalt  }
0x58: {  	_ =	shalt  }
0x59: {  	_ =	shalt  }
0x5a: {  	_ =	shalt  }
0x5b: {  	_ =	shalt  }
0x5c: {  	_ =	shalt  }
0x5d: {  	_ =	shalt  }
0x5e: {  	_ =	shalt  }
0x5f: {  	_ =	shalt  }
0x60: {  	_ =	shalt  }
0x61: {  	_ =	shalt  }
0x62: {  	_ =	shalt  }
0x63: {  	_ =	shalt  }
0x64: {  	_ =	shalt  }
0x65: {  	_ =	shalt  }
0x66: {  	_ =	shalt  }
0x67: {  	_ =	shalt  }
0x68: {  	_ =	shalt  }
0x69: {  	_ =	shalt  }
0x6a: {  	_ =	shalt  }
0x6b: {  	_ =	shalt  }
0x6c: {  	_ =	shalt  }
0x6d: {  	_ =	shalt  }
0x6e: {  	_ =	shalt  }
0x6f: {  	_ =	shalt  }
0x70: {  	_ =	shalt  }
0x71: {  	_ =	shalt  }
0x72: {  	_ =	shalt  }
0x73: {  	_ =	shalt  }
0x74: {  	_ =	shalt  }
0x75: {  	_ =	shalt  }
0x76: {  	_ =	shalt  }
0x77: {  	_ =	shalt  }
0x78: {  	_ =	shalt  }
0x79: {  	_ =	shalt  }
0x7a: {  	_ =	shalt  }
0x7b: {  	_ =	shalt  }
0x7c: {  	_ =	shalt  }
0x7d: {  	_ =	shalt  }
0x7e: {  	_ =	shalt  }
0x7f: {  	_ =	shalt  }
0x80: {  	_ =	shalt  }
0x81: {  	_ =	shalt  }
0x82: {  	_ =	shalt  }
0x83: {  	_ =	shalt  }
0x84: {  	_ =	shalt  }
0x85: {  	_ =	shalt  }
0x86: {  	_ =	shalt  }
0x87: {  	_ =	shalt  }
.Lfunc_end0:
.L_simem_size_0:
called_computation.1_lowered:
.L_overlay_start_0:
0x88: {  	s2 =	sld [smem:$0x3FD9]  }
0x89: {  	s3 =	sld [smem:$0x3FFE];
	_ =	sdelay $0x1  }
0x8a: {  	s1 =	srdreg.scid  }
0x8b: {  	s0 =	sand.u32 $0x1, s1  }
0x8c: {  	s16 =	sshll.u32 s0, $0xA;
	s2 =	sadd.s32 s3, s2  }
0x8d: {  	s2 =	sadd.s32 s2, s16  }
0x8e: {  	[smem:$0x3FB3] =	sst s2  }
0x8f: {  	_ = 	snop  }
0x90: {  	(tm) =	ssettm $0x1  }
0x91: {  	s17 =	sld [smem:$0x3FFB];
	_ =	sdelay $0x3  }
0x92: {  	_ =	strace s17  }
0x93: {  	s2 =	sld [smem:$0x3FFC];
	_ =	sdelay $0x3  }
0x94: {  	_ =	strace s2  }
0x95: {  	s2 =	sld [smem:$0x3FFD];
	_ =	sdelay $0x3  }
0x96: {  	_ =	strace s2  }
0x97: {  	_ =	strace $0x8FFFFFFF  }
0x98: {  	s18 =	sld [smem:$0x3FDB];
	_ =	sdelay $0x1  }
0x99: {  	s19 =	simm.s32 $_scs_section_size  }
0x9a: {  	s4 =	simm.s32 $_size__tile_overlayer_lowered;
	s5 =	simm.s32 $_tile_overlayer_lowered  }
0x9b: {  	s22 =	simm.s32 $0x1BFF;
	s21 =	sshll.u32 s5, $0x1;
	s2 =	sadd.s32 s19, s18  }
0x9c: {  	s6 =	simm.s32 $0x0;
	s20 =	sshll.u32 s4, $0x1;
	s4 =	sadd.s32 s21, s2  }
0x9d: {  	[timem:s6], [sflag:s22] =	dma.local [hbm:s4], s20  }
0x9e: {  	_ =	swait.ge [sflag:s22], s20  }
0x9f: {  	s3 =	ssub.s32 $0x0, s20;
	[sflag:s22] =	ssyncset.done $0x0  }
0xa0: {  	[sflag:s22] =	ssyncadd.s32 s3;
	_ =	sdelay $0x1  }
0xa1: {  	s23 =	simm.s32 $0x1B8B  }
0xa2: {  	_ =	swait.ge [sflag:s23], $0x1  }
0xa3: {  	[sflag:s23] =	ssyncset.done $0x0  }
0xa4: {  	s25 =	simm.s32 $0x1B8E;
	s24 =	sld [smem:$0x3FFE];
	[sflag:s23] =	ssyncadd.s32 $0xFFFFFFFF  }
0xa5: {  	s26 =	simm.s32 $execute0_lowered;
	[smem:$0x3FD2] =	sst s25  }
0xa6: {  	s4 =	sshll.u32 s26, $0x1;
	_ =	strace $0x80000049;
	[dreg:$0x1] =	wrdreg $0xFFFFFFFF  }
0xa7: {  	s28 =	simm.s32 $_size_execute0_lowered;
	s2 =	sadd.s32 s2, s4;
	[dreg:$0x0] =	wrdreg $0x0  }
0xa8: {  	s4 =	sshll.u32 s28, $0x1;
	[dreg:$0x2] =	wrdreg s2  }
0xa9: {  	[dreg:$0x3] =	wrdreg s4  }
0xaa: {  	[dreg:$0x4] =	wrdreg $0xC0  }
0xab: {  	_ =	task [dreg:s6], $0x5FFFF  }
0xac: {  	[dreg:$0x1] =	wrdreg $0xFFFFFFFF  }
0xad: {  	[dreg:$0x0] =	wrdreg $0x60  }
0xae: {  	[dreg:$0x2] =	wrdreg s24  }
0xaf: {  	[dreg:$0x3] =	wrdreg $0x0  }
0xb0: {  	[dreg:$0x4] =	wrdreg $0x9  }
0xb1: {  	_ =	task.clear_ibuf [dreg:s6], $0x5FFFF;
	_ =	strace $0x90000049  }
0xb2: {  	s29 =	simm.s32 $0x9;
	_ =	strace $0x8000004B  }
0xb3: {  	_ =	swait.ge [sflag:s29], $0x1  }
0xb4: {  	[sflag:s29] =	ssyncadd.s32 $0xFFFFFFFF  }
0xb5: {  	_ =	strace $0x9000004B  }
0xb6: {  	_ =	sfence  }
0xb7: {  	s30 =	sld [smem:$0x0];
	_ =	sdelay $0x2  }
0xb8: {  	s31 =	sshll.u32 s1, $0xD;
	s1 =	sshrl.u32 s1, $0x2  }
0xb9: {  	s3 =	sand.u32 $0x4000, s31;
	s1 =	sadd.s32 s1, s30  }
0xba: {  	s0 =	sor.u32 s3, s0;
	s1 =	sshll.u32 s1, $0x11  }
0xbb: {  	s0 =	sor.u32 s1, s0  }
0xbc: {  	s0 =	sadd.s32 $0x8F2B, s0  }
0xbd: {  	[sflag:s0] =	ssyncadd.remote.s32 $0x1  }
0xbe: {  	_ =	sfence.sel $0xFFFF  }
0xbf: {  	[dreg:$0x0] =	wrdreg $0xFFFFFFFF;
	(pc) =	sbr.abs _section_cstart, $3  }
0xc0: {  	[dreg:$0x1] =	wrdreg $0xFFFFFFFF  }
0xc1: {  	_ =	task.clear_ibuf [dreg:s6], $0x2FFFF;
	_ =	strace $0x9FFFFFFF  }
0xc2: {  	(tm) =	ssettm $0x7FFFFFFF  }
0xc3: {  	_ =	shalt  }
tec
execute0_lowered:
.L_overlay_start_1:
0x0: {  	(tag) =	ssettag $0x1  }
0x1: {  	s0 =	srdreg.scid;
	s5 =	rddreg [dreg:$0x0]  }
0x2: {  	s9 =	stileid.u32;
	s2 =	rddreg [dreg:$0x1];
	s6 =	simm.s32 $0x0  }
0x3: {  	s12 =	simm.s32 $0x11;
	s15 =	simm.s32 $0x80;
	s16 =	simm.s32 $0xEE00  }
0x4: {  	s18 =	simm.s32 $0x10E00;
	s20 =	simm.s32 $0x12E00;
	s29 =	simm.s32 $0x1AE00  }
0x5: {  	s30 =	simm.s32 $0x1;
	s19 =	simm.s32 $0x9;
	s28 =	simm.s32 $0xA  }
0x6: {  	s17 =	simm.s32 $0x4;
	s21 =	simm.s32 $0x5;
	s31 =	simm.s32 $0xC  }
0x7: {  	s13 =	simm.s32 $0x7;
	s14 =	simm.s32 $0xE;
	s3 =	smul.u32 $0x50, s9  }
0x8: {  	s0 =	sand.u32 $0x1, s0;
	[smem:$0x7FF] =	sst s6;
	s23 =	smul.u32 $0x9E00, s9  }
0x9: {  	s8 =	sadd.s32 $0x20E00, s5;
	s25 =	sshll.u32 s9, $0x6;
	s1 =	smul.u32 $0x500, s0  }
0xa: {  	s9 =	simm.s32 $0x10;
	s22 =	smul.u32 $0x50000, s0;
	_ =	strace $0x8000004A  }
0xb: {  	s7 =	smul.u32 $0x9E000, s0;
	s0 =	ssub.s32 $0x2, s0;
	[dreg:$0x3] =	wrdreg s8  }
0xc: {  	s10 =	sor.u32 $0x1C11, s25;
	s25 =	simm.s32 $0xB;
	s8 =	simm.s32 $0xF  }
0xd: {  	s24 =	sshrl.u32 s0, $0x1;
	s6 =	sadd.s32 s23, s2;
	[dreg:$0x4] =	wrdreg s10  }
0xe: {  	s1 =	sadd.s32 s3, s1;
	s7 =	sadd.s32 s23, s7;
	s0 =	ssub.s32 s0, s24  }
0xf: {  	s11 =	sshrl.u32 s6, $0x3;
	s24 =	simm.s32 $0x16E00;
	s23 =	simm.s32 $0x3  }
0x10: {  	s6 =	simm.s32 $0x0;
	s4 =	sshll.u32 s1, $0x7;
	s1 =	sshll.u32 s1, $0x4  }
0x11: {  	s7 =	sshrl.u32 s7, $0x3;
	s0 =	smax.u32 s0, $0x1;
	[dreg:$0xa] =	wrdreg s6  }
0x12: {  	[dreg:$0x9] =	wrdreg s11;
	s3 =	sadd.s32 s22, s4;
	s4 =	sadd.s32 $0x2E00, s5  }
0x13: {  	s1 =	sadd.s32 s1, s5;
	[dreg:$0x8] =	wrdreg s0;
	s22 =	simm.s32 $0x14E00  }
0x14: {  	s0 =	simm.s32 $0x2;
	s3 =	sshrl.u32 s3, $0x3;
	s1 =	sadd.s32 $0x16E00, s1  }
0x15: {  	s3 =	sadd.s32 s3, s5;
	s5 =	sadd.s32 s7, s5;
	[dreg:$0x6] =	wrdreg s1  }
0x16: {  	s1 =	simm.s32 $0x1CE00;
	s7 =	simm.s32 $0x8;
	s3 =	sadd.s32 $0x49A00, s3  }
0x17: {  	s26 =	sadd.s32 $0x22200, s5;
	s5 =	simm.s32 $0xD;
	[dreg:$0x5] =	wrdreg s3  }
0x18: {  	[dreg:$0x7] =	wrdreg s26;
	s26 =	simm.s32 $0x18E00;
	s3 =	simm.s32 $0x6  }
.LBB2_1:
0x19: {  	s6 =	rddreg [dreg:$0x3]  }
0x1a: {  	[spmem:s11], [sflag:s10] =	dma.local [hbm:s6], $0x13C0  }
0x1b: {  	_ =	swait.ge [sflag:s12], $0x13C0  }
0x1c: {  	s6 =	simm.s32 $0x0;
	[sflag:s12] =	ssyncset.done $0x0  }
0x1d: {  	s11 =	simm.s32 $0x9E00;
	s10 =	rddreg [dreg:$0x5];
	[sflag:s12] =	ssyncadd.s32 $0xFFFFEC40  }
0x1e: {  	[tilespmem:s11], [sflag:$0x11] =	stream.linear.gather [hbm4b:s10+s6], $0x2800, $0x38;
	[tilespmem:$0x1EE00] =	vst v63  }
0x1f: {  	_ =	swait.ge [sflag:s12], $0x2800  }
0x20: {  	[sflag:s12] =	ssyncset.done $0x0  }
0x21: {  	s11 =	simm.s32 $0xC600;
	s10 =	rddreg [dreg:$0x6];
	[sflag:s12] =	ssyncadd.s32 $0xFFFFD800  }
0x22: {  	[tilespmem:s11], [sflag:$0x11] =	stream.linear.gather [hbm4b:s10+s6], $0x2800, $0x38;
	[tilespmem:$0x1EE00] =	vst v63  }
0x23: {  	_ =	swait.ge [sflag:s12], $0x2800  }
0x24: {  	[sflag:s12] =	ssyncset.done $0x0  }
0x25: {  	[sflag:s12] =	ssyncadd.s32 $0xFFFFD800  }
0x26: {  	s11 =	simm.s32 $0x9E00;
	[bflag:$0x0] =	sbarrier.arrive $0xFFFF  }
0x27: {  	[tilespmem:s16], [sflag:$0x1] =	stream.indirect.gather [hbm4b:s4+s15], $0x40, s11, s15, $0xb8;
	[tilespmem:$0x1EE00] =	vst v63  }
0x28: {  	s11 =	simm.s32 $0x9E80  }
0x29: {  	[tilespmem:s18], [sflag:$0x2] =	stream.indirect.gather [hbm4b:s4+s15], $0x40, s11, s15, $0xb8;
	[tilespmem:$0x1EE00] =	vst v63  }
0x2a: {  	s11 =	simm.s32 $0x9F00  }
0x2b: {  	[tilespmem:s20], [sflag:$0x3] =	stream.indirect.gather [hbm4b:s4+s15], $0x40, s11, s15, $0xb8;
	[tilespmem:$0x1EE00] =	vst v63  }
0x2c: {  	s11 =	simm.s32 $0x9F80  }
0x2d: {  	[tilespmem:s22], [sflag:$0x4] =	stream.indirect.gather [hbm4b:s4+s15], $0x40, s11, s15, $0xb8;
	[tilespmem:$0x1EE00] =	vst v63  }
0x2e: {  	s11 =	simm.s32 $0xA000  }
0x2f: {  	[tilespmem:s24], [sflag:$0x5] =	stream.indirect.gather [hbm4b:s4+s15], $0x40, s11, s15, $0xb8;
	[tilespmem:$0x1EE00] =	vst v63  }
0x30: {  	s11 =	simm.s32 $0xA080  }
0x31: {  	[tilespmem:s26], [sflag:$0x6] =	stream.indirect.gather [hbm4b:s4+s15], $0x40, s11, s15, $0xb8;
	[tilespmem:$0x1EE00] =	vst v63  }
0x32: {  	s11 =	simm.s32 $0xA100  }
0x33: {  	[tilespmem:s29], [sflag:$0x7] =	stream.indirect.gather [hbm4b:s4+s15], $0x40, s11, s15, $0xb8;
	[tilespmem:$0x1EE00] =	vst v63  }
0x34: {  	_ =	swait.ge [sflag:s30], $0x2000  }
0x35: {  	[sflag:s30] =	ssyncset.done $0x0  }
0x36: {  	s10 =	simm.s32 $0xC600;
	[sflag:s30] =	ssyncadd.s32 $0xFFFFE000  }
0x37: {  	[spmem:s2] =	stream.indirect.scatter.add.f32 [tilespmem:s16], [sflag:$0x9], $0x40, s10, s15, $0xb8;
	[tilespmem:$0x1EE00] =	vst v63  }
0x38: {  	s10 =	simm.s32 $0xA180  }
0x39: {  	[tilespmem:s1], [sflag:$0x8] =	stream.indirect.gather [hbm4b:s4+s15], $0x40, s10, s15, $0xb8;
	[tilespmem:$0x1EE00] =	vst v63  }
0x3a: {  	_ =	swait.ge [sflag:s0], $0x2000  }
0x3b: {  	[sflag:s0] =	ssyncset.done $0x0  }
0x3c: {  	s11 =	simm.s32 $0xC680;
	[sflag:s0] =	ssyncadd.s32 $0xFFFFE000  }
0x3d: {  	[spmem:s2] =	stream.indirect.scatter.add.f32 [tilespmem:s18], [sflag:$0xA], $0x40, s11, s15, $0xb8;
	[tilespmem:$0x1EE00] =	vst v63  }
0x3e: {  	_ =	swait.ge [sflag:s19], $0x2000  }
0x3f: {  	[sflag:s19] =	ssyncset.done $0x0  }
0x40: {  	s10 =	simm.s32 $0xA200;
	[sflag:s19] =	ssyncadd.s32 $0xFFFFE000  }
0x41: {  	[tilespmem:s16], [sflag:$0x1] =	stream.indirect.gather [hbm4b:s4+s15], $0x40, s10, s15, $0xb8;
	[tilespmem:$0x1EE00] =	vst v63  }
0x42: {  	_ =	swait.ge [sflag:s23], $0x2000  }
0x43: {  	[sflag:s23] =	ssyncset.done $0x0  }
0x44: {  	s11 =	simm.s32 $0xC700;
	[sflag:s23] =	ssyncadd.s32 $0xFFFFE000  }
0x45: {  	[spmem:s2] =	stream.indirect.scatter.add.f32 [tilespmem:s20], [sflag:$0xB], $0x40, s11, s15, $0xb8;
	[tilespmem:$0x1EE00] =	vst v63  }
0x46: {  	_ =	swait.ge [sflag:s28], $0x2000  }
0x47: {  	[sflag:s28] =	ssyncset.done $0x0  }
0x48: {  	s10 =	simm.s32 $0xA280;
	[sflag:s28] =	ssyncadd.s32 $0xFFFFE000  }
0x49: {  	[tilespmem:s18], [sflag:$0x2] =	stream.indirect.gather [hbm4b:s4+s15], $0x40, s10, s15, $0xb8;
	[tilespmem:$0x1EE00] =	vst v63  }
0x4a: {  	_ =	swait.ge [sflag:s17], $0x2000  }
0x4b: {  	[sflag:s17] =	ssyncset.done $0x0  }
0x4c: {  	s11 =	simm.s32 $0xC780;
	[sflag:s17] =	ssyncadd.s32 $0xFFFFE000  }
0x4d: {  	[spmem:s2] =	stream.indirect.scatter.add.f32 [tilespmem:s22], [sflag:$0xC], $0x40, s11, s15, $0xb8;
	[tilespmem:$0x1EE00] =	vst v63  }
0x4e: {  	_ =	swait.ge [sflag:s25], $0x2000  }
0x4f: {  	[sflag:s25] =	ssyncset.done $0x0  }
0x50: {  	s10 =	simm.s32 $0xA300;
	[sflag:s25] =	ssyncadd.s32 $0xFFFFE000  }
0x51: {  	[tilespmem:s20], [sflag:$0x3] =	stream.indirect.gather [hbm4b:s4+s15], $0x40, s10, s15, $0xb8;
	[tilespmem:$0x1EE00] =	vst v63  }
0x52: {  	_ =	swait.ge [sflag:s21], $0x2000  }
0x53: {  	[sflag:s21] =	ssyncset.done $0x0  }
0x54: {  	s11 =	simm.s32 $0xC800;
	[sflag:s21] =	ssyncadd.s32 $0xFFFFE000  }
0x55: {  	[spmem:s2] =	stream.indirect.scatter.add.f32 [tilespmem:s24], [sflag:$0xD], $0x40, s11, s15, $0xb8;
	[tilespmem:$0x1EE00] =	vst v63  }
0x56: {  	_ =	swait.ge [sflag:s31], $0x2000  }
0x57: {  	[sflag:s31] =	ssyncset.done $0x0  }
0x58: {  	s10 =	simm.s32 $0xA380;
	[sflag:s31] =	ssyncadd.s32 $0xFFFFE000  }
0x59: {  	[tilespmem:s22], [sflag:$0x4] =	stream.indirect.gather [hbm4b:s4+s15], $0x40, s10, s15, $0xb8;
	[tilespmem:$0x1EE00] =	vst v63  }
0x5a: {  	_ =	swait.ge [sflag:s3], $0x2000  }
0x5b: {  	[sflag:s3] =	ssyncset.done $0x0  }
0x5c: {  	s11 =	simm.s32 $0xC880;
	[sflag:s3] =	ssyncadd.s32 $0xFFFFE000  }
0x5d: {  	[spmem:s2] =	stream.indirect.scatter.add.f32 [tilespmem:s26], [sflag:$0xE], $0x40, s11, s15, $0xb8;
	[tilespmem:$0x1EE00] =	vst v63  }
0x5e: {  	_ =	swait.ge [sflag:s5], $0x2000  }
0x5f: {  	[sflag:s5] =	ssyncset.done $0x0  }
0x60: {  	s10 =	simm.s32 $0xA400;
	[sflag:s5] =	ssyncadd.s32 $0xFFFFE000  }
0x61: {  	[tilespmem:s24], [sflag:$0x5] =	stream.indirect.gather [hbm4b:s4+s15], $0x40, s10, s15, $0xb8;
	[tilespmem:$0x1EE00] =	vst v63  }
0x62: {  	_ =	swait.ge [sflag:s13], $0x2000  }
0x63: {  	[sflag:s13] =	ssyncset.done $0x0  }
0x64: {  	s11 =	simm.s32 $0xC900;
	[sflag:s13] =	ssyncadd.s32 $0xFFFFE000  }
0x65: {  	[spmem:s2] =	stream.indirect.scatter.add.f32 [tilespmem:s29], [sflag:$0xF], $0x40, s11, s15, $0xb8;
	[tilespmem:$0x1EE00] =	vst v63  }
0x66: {  	_ =	swait.ge [sflag:s14], $0x2000  }
0x67: {  	[sflag:s14] =	ssyncset.done $0x0  }
0x68: {  	s10 =	simm.s32 $0xA480;
	[sflag:s14] =	ssyncadd.s32 $0xFFFFE000  }
0x69: {  	[tilespmem:s26], [sflag:$0x6] =	stream.indirect.gather [hbm4b:s4+s15], $0x40, s10, s15, $0xb8;
	[tilespmem:$0x1EE00] =	vst v63  }
0x6a: {  	_ =	swait.ge [sflag:s7], $0x2000  }
0x6b: {  	[sflag:s7] =	ssyncset.done $0x0  }
0x6c: {  	s11 =	simm.s32 $0xC980;
	[sflag:s7] =	ssyncadd.s32 $0xFFFFE000  }
0x6d: {  	[spmem:s2] =	stream.indirect.scatter.add.f32 [tilespmem:s1], [sflag:$0x10], $0x40, s11, s15, $0xb8;
	[tilespmem:$0x1EE00] =	vst v63  }
0x6e: {  	_ =	swait.ge [sflag:s8], $0x2000  }
0x6f: {  	[sflag:s8] =	ssyncset.done $0x0  }
0x70: {  	s10 =	simm.s32 $0xA500;
	[sflag:s8] =	ssyncadd.s32 $0xFFFFE000  }
0x71: {  	[tilespmem:s29], [sflag:$0x7] =	stream.indirect.gather [hbm4b:s4+s15], $0x40, s10, s15, $0xb8;
	[tilespmem:$0x1EE00] =	vst v63  }
0x72: {  	_ =	swait.ge [sflag:s30], $0x2000  }
0x73: {  	[sflag:s30] =	ssyncset.done $0x0  }
0x74: {  	s11 =	simm.s32 $0xCA00;
	[sflag:s30] =	ssyncadd.s32 $0xFFFFE000  }
0x75: {  	[spmem:s2] =	stream.indirect.scatter.add.f32 [tilespmem:s16], [sflag:$0x9], $0x40, s11, s15, $0xb8;
	[tilespmem:$0x1EE00] =	vst v63  }
0x76: {  	_ =	swait.ge [sflag:s9], $0x2000  }
0x77: {  	[sflag:s9] =	ssyncset.done $0x0  }
0x78: {  	s10 =	simm.s32 $0xA580;
	[sflag:s9] =	ssyncadd.s32 $0xFFFFE000  }
0x79: {  	[tilespmem:s1], [sflag:$0x8] =	stream.indirect.gather [hbm4b:s4+s15], $0x40, s10, s15, $0xb8;
	[tilespmem:$0x1EE00] =	vst v63  }
0x7a: {  	_ =	swait.ge [sflag:s0], $0x2000  }
0x7b: {  	[sflag:s0] =	ssyncset.done $0x0  }
0x7c: {  	s11 =	simm.s32 $0xCA80;
	[sflag:s0] =	ssyncadd.s32 $0xFFFFE000  }
0x7d: {  	[spmem:s2] =	stream.indirect.scatter.add.f32 [tilespmem:s18], [sflag:$0xA], $0x40, s11, s15, $0xb8;
	[tilespmem:$0x1EE00] =	vst v63  }
0x7e: {  	_ =	swait.ge [sflag:s19], $0x2000  }
0x7f: {  	[sflag:s19] =	ssyncset.done $0x0  }
0x80: {  	s10 =	simm.s32 $0xA600;
	[sflag:s19] =	ssyncadd.s32 $0xFFFFE000  }
0x81: {  	[tilespmem:s16], [sflag:$0x1] =	stream.indirect.gather [hbm4b:s4+s15], $0x40, s10, s15, $0xb8;
	[tilespmem:$0x1EE00] =	vst v63  }
0x82: {  	_ =	swait.ge [sflag:s23], $0x2000  }
0x83: {  	[sflag:s23] =	ssyncset.done $0x0  }
0x84: {  	s11 =	simm.s32 $0xCB00;
	[sflag:s23] =	ssyncadd.s32 $0xFFFFE000  }
0x85: {  	[spmem:s2] =	stream.indirect.scatter.add.f32 [tilespmem:s20], [sflag:$0xB], $0x40, s11, s15, $0xb8;
	[tilespmem:$0x1EE00] =	vst v63  }
0x86: {  	_ =	swait.ge [sflag:s28], $0x2000  }
0x87: {  	[sflag:s28] =	ssyncset.done $0x0  }
0x88: {  	s10 =	simm.s32 $0xA680;
	[sflag:s28] =	ssyncadd.s32 $0xFFFFE000  }
0x89: {  	[tilespmem:s18], [sflag:$0x2] =	stream.indirect.gather [hbm4b:s4+s15], $0x40, s10, s15, $0xb8;
	[tilespmem:$0x1EE00] =	vst v63  }
0x8a: {  	_ =	swait.ge [sflag:s17], $0x2000  }
0x8b: {  	[sflag:s17] =	ssyncset.done $0x0  }
0x8c: {  	s11 =	simm.s32 $0xCB80;
	[sflag:s17] =	ssyncadd.s32 $0xFFFFE000  }
0x8d: {  	[spmem:s2] =	stream.indirect.scatter.add.f32 [tilespmem:s22], [sflag:$0xC], $0x40, s11, s15, $0xb8;
	[tilespmem:$0x1EE00] =	vst v63  }
0x8e: {  	_ =	swait.ge [sflag:s25], $0x2000  }
0x8f: {  	[sflag:s25] =	ssyncset.done $0x0  }
0x90: {  	s10 =	simm.s32 $0xA700;
	[sflag:s25] =	ssyncadd.s32 $0xFFFFE000  }
0x91: {  	[tilespmem:s20], [sflag:$0x3] =	stream.indirect.gather [hbm4b:s4+s15], $0x40, s10, s15, $0xb8;
	[tilespmem:$0x1EE00] =	vst v63  }
0x92: {  	_ =	swait.ge [sflag:s21], $0x2000  }
0x93: {  	[sflag:s21] =	ssyncset.done $0x0  }
0x94: {  	s11 =	simm.s32 $0xCC00;
	[sflag:s21] =	ssyncadd.s32 $0xFFFFE000  }
0x95: {  	[spmem:s2] =	stream.indirect.scatter.add.f32 [tilespmem:s24], [sflag:$0xD], $0x40, s11, s15, $0xb8;
	[tilespmem:$0x1EE00] =	vst v63  }
0x96: {  	_ =	swait.ge [sflag:s31], $0x2000  }
0x97: {  	[sflag:s31] =	ssyncset.done $0x0  }
0x98: {  	s10 =	simm.s32 $0xA780;
	[sflag:s31] =	ssyncadd.s32 $0xFFFFE000  }
0x99: {  	[tilespmem:s22], [sflag:$0x4] =	stream.indirect.gather [hbm4b:s4+s15], $0x40, s10, s15, $0xb8;
	[tilespmem:$0x1EE00] =	vst v63  }
0x9a: {  	_ =	swait.ge [sflag:s3], $0x2000  }
0x9b: {  	[sflag:s3] =	ssyncset.done $0x0  }
0x9c: {  	s11 =	simm.s32 $0xCC80;
	[sflag:s3] =	ssyncadd.s32 $0xFFFFE000  }
0x9d: {  	[spmem:s2] =	stream.indirect.scatter.add.f32 [tilespmem:s26], [sflag:$0xE], $0x40, s11, s15, $0xb8;
	[tilespmem:$0x1EE00] =	vst v63  }
0x9e: {  	_ =	swait.ge [sflag:s5], $0x2000  }
0x9f: {  	[sflag:s5] =	ssyncset.done $0x0  }
0xa0: {  	s10 =	simm.s32 $0xA800;
	[sflag:s5] =	ssyncadd.s32 $0xFFFFE000  }
0xa1: {  	[tilespmem:s24], [sflag:$0x5] =	stream.indirect.gather [hbm4b:s4+s15], $0x40, s10, s15, $0xb8;
	[tilespmem:$0x1EE00] =	vst v63  }
0xa2: {  	_ =	swait.ge [sflag:s13], $0x2000  }
0xa3: {  	[sflag:s13] =	ssyncset.done $0x0  }
0xa4: {  	s11 =	simm.s32 $0xCD00;
	[sflag:s13] =	ssyncadd.s32 $0xFFFFE000  }
0xa5: {  	[spmem:s2] =	stream.indirect.scatter.add.f32 [tilespmem:s29], [sflag:$0xF], $0x40, s11, s15, $0xb8;
	[tilespmem:$0x1EE00] =	vst v63  }
0xa6: {  	_ =	swait.ge [sflag:s14], $0x2000  }
0xa7: {  	[sflag:s14] =	ssyncset.done $0x0  }
0xa8: {  	s10 =	simm.s32 $0xA880;
	[sflag:s14] =	ssyncadd.s32 $0xFFFFE000  }
0xa9: {  	[tilespmem:s26], [sflag:$0x6] =	stream.indirect.gather [hbm4b:s4+s15], $0x40, s10, s15, $0xb8;
	[tilespmem:$0x1EE00] =	vst v63  }
0xaa: {  	_ =	swait.ge [sflag:s7], $0x2000  }
0xab: {  	[sflag:s7] =	ssyncset.done $0x0  }
0xac: {  	s11 =	simm.s32 $0xCD80;
	[sflag:s7] =	ssyncadd.s32 $0xFFFFE000  }
0xad: {  	[spmem:s2] =	stream.indirect.scatter.add.f32 [tilespmem:s1], [sflag:$0x10], $0x40, s11, s15, $0xb8;
	[tilespmem:$0x1EE00] =	vst v63  }
0xae: {  	_ =	swait.ge [sflag:s8], $0x2000  }
0xaf: {  	[sflag:s8] =	ssyncset.done $0x0  }
0xb0: {  	s6 =	simm.s32 $0x1000;
	s11 =	simm.s32 $0xA900;
	[sflag:s8] =	ssyncadd.s32 $0xFFFFE000  }
.LBB2_2:
0xb1: {  	[tilespmem:s29], [sflag:$0x7] =	stream.indirect.gather [hbm4b:s4+s15], $0x40, s11, s15, $0xb8;
	[tilespmem:$0x1EE00] =	vst v63  }
0xb2: {  	s11 =	smov.u32 s6  }
0xb3: {  	p0 =	sne.s32 s6, $0x7000;
	s6 =	sadd.s32 $0x1000, s6;
	_ =	swait.ge [sflag:s30], $0x2000  }
0xb4: {  	s11 =	sshra.s32 s11, $0x2;
	[sflag:s30] =	ssyncset.done $0x0  }
0xb5: {  	s10 =	sadd.s32 $0xCA00, s11;
	[sflag:s30] =	ssyncadd.s32 $0xFFFFE000  }
0xb6: {  	[spmem:s2] =	stream.indirect.scatter.add.f32 [tilespmem:s16], [sflag:$0x9], $0x40, s10, s15, $0xb8;
	[tilespmem:$0x1EE00] =	vst v63  }
0xb7: {  	_ =	swait.ge [sflag:s9], $0x2000  }
0xb8: {  	[sflag:s9] =	ssyncset.done $0x0  }
0xb9: {  	s10 =	sadd.s32 $0xA580, s11;
	[sflag:s9] =	ssyncadd.s32 $0xFFFFE000  }
0xba: {  	[tilespmem:s1], [sflag:$0x8] =	stream.indirect.gather [hbm4b:s4+s15], $0x40, s10, s15, $0xb8;
	[tilespmem:$0x1EE00] =	vst v63  }
0xbb: {  	_ =	swait.ge [sflag:s0], $0x2000  }
0xbc: {  	[sflag:s0] =	ssyncset.done $0x0  }
0xbd: {  	s10 =	sadd.s32 $0xCA80, s11;
	[sflag:s0] =	ssyncadd.s32 $0xFFFFE000  }
0xbe: {  	[spmem:s2] =	stream.indirect.scatter.add.f32 [tilespmem:s18], [sflag:$0xA], $0x40, s10, s15, $0xb8;
	[tilespmem:$0x1EE00] =	vst v63  }
0xbf: {  	_ =	swait.ge [sflag:s19], $0x2000  }
0xc0: {  	[sflag:s19] =	ssyncset.done $0x0  }
0xc1: {  	s10 =	sadd.s32 $0xA600, s11;
	[sflag:s19] =	ssyncadd.s32 $0xFFFFE000  }
0xc2: {  	[tilespmem:s16], [sflag:$0x1] =	stream.indirect.gather [hbm4b:s4+s15], $0x40, s10, s15, $0xb8;
	[tilespmem:$0x1EE00] =	vst v63  }
0xc3: {  	_ =	swait.ge [sflag:s23], $0x2000  }
0xc4: {  	[sflag:s23] =	ssyncset.done $0x0  }
0xc5: {  	s10 =	sadd.s32 $0xCB00, s11;
	[sflag:s23] =	ssyncadd.s32 $0xFFFFE000  }
0xc6: {  	[spmem:s2] =	stream.indirect.scatter.add.f32 [tilespmem:s20], [sflag:$0xB], $0x40, s10, s15, $0xb8;
	[tilespmem:$0x1EE00] =	vst v63  }
0xc7: {  	_ =	swait.ge [sflag:s28], $0x2000  }
0xc8: {  	[sflag:s28] =	ssyncset.done $0x0  }
0xc9: {  	s10 =	sadd.s32 $0xA680, s11;
	[sflag:s28] =	ssyncadd.s32 $0xFFFFE000  }
0xca: {  	[tilespmem:s18], [sflag:$0x2] =	stream.indirect.gather [hbm4b:s4+s15], $0x40, s10, s15, $0xb8;
	[tilespmem:$0x1EE00] =	vst v63  }
0xcb: {  	_ =	swait.ge [sflag:s17], $0x2000  }
0xcc: {  	[sflag:s17] =	ssyncset.done $0x0  }
0xcd: {  	s10 =	sadd.s32 $0xCB80, s11;
	[sflag:s17] =	ssyncadd.s32 $0xFFFFE000  }
0xce: {  	[spmem:s2] =	stream.indirect.scatter.add.f32 [tilespmem:s22], [sflag:$0xC], $0x40, s10, s15, $0xb8;
	[tilespmem:$0x1EE00] =	vst v63  }
0xcf: {  	_ =	swait.ge [sflag:s25], $0x2000  }
0xd0: {  	[sflag:s25] =	ssyncset.done $0x0  }
0xd1: {  	s10 =	sadd.s32 $0xA700, s11;
	[sflag:s25] =	ssyncadd.s32 $0xFFFFE000  }
0xd2: {  	[tilespmem:s20], [sflag:$0x3] =	stream.indirect.gather [hbm4b:s4+s15], $0x40, s10, s15, $0xb8;
	[tilespmem:$0x1EE00] =	vst v63  }
0xd3: {  	_ =	swait.ge [sflag:s21], $0x2000  }
0xd4: {  	[sflag:s21] =	ssyncset.done $0x0  }
0xd5: {  	s10 =	sadd.s32 $0xCC00, s11;
	[sflag:s21] =	ssyncadd.s32 $0xFFFFE000  }
0xd6: {  	[spmem:s2] =	stream.indirect.scatter.add.f32 [tilespmem:s24], [sflag:$0xD], $0x40, s10, s15, $0xb8;
	[tilespmem:$0x1EE00] =	vst v63  }
0xd7: {  	_ =	swait.ge [sflag:s31], $0x2000  }
0xd8: {  	[sflag:s31] =	ssyncset.done $0x0  }
0xd9: {  	s10 =	sadd.s32 $0xA780, s11;
	[sflag:s31] =	ssyncadd.s32 $0xFFFFE000  }
0xda: {  	[tilespmem:s22], [sflag:$0x4] =	stream.indirect.gather [hbm4b:s4+s15], $0x40, s10, s15, $0xb8;
	[tilespmem:$0x1EE00] =	vst v63  }
0xdb: {  	_ =	swait.ge [sflag:s3], $0x2000  }
0xdc: {  	[sflag:s3] =	ssyncset.done $0x0  }
0xdd: {  	s10 =	sadd.s32 $0xCC80, s11;
	[sflag:s3] =	ssyncadd.s32 $0xFFFFE000  }
0xde: {  	[spmem:s2] =	stream.indirect.scatter.add.f32 [tilespmem:s26], [sflag:$0xE], $0x40, s10, s15, $0xb8;
	[tilespmem:$0x1EE00] =	vst v63  }
0xdf: {  	_ =	swait.ge [sflag:s5], $0x2000  }
0xe0: {  	[sflag:s5] =	ssyncset.done $0x0  }
0xe1: {  	s10 =	sadd.s32 $0xA800, s11;
	[sflag:s5] =	ssyncadd.s32 $0xFFFFE000  }
0xe2: {  	[tilespmem:s24], [sflag:$0x5] =	stream.indirect.gather [hbm4b:s4+s15], $0x40, s10, s15, $0xb8;
	[tilespmem:$0x1EE00] =	vst v63  }
0xe3: {  	_ =	swait.ge [sflag:s13], $0x2000  }
0xe4: {  	[sflag:s13] =	ssyncset.done $0x0  }
0xe5: {  	s10 =	sadd.s32 $0xCD00, s11;
	[sflag:s13] =	ssyncadd.s32 $0xFFFFE000  }
0xe6: {  	[spmem:s2] =	stream.indirect.scatter.add.f32 [tilespmem:s29], [sflag:$0xF], $0x40, s10, s15, $0xb8;
	[tilespmem:$0x1EE00] =	vst v63  }
0xe7: {  	_ =	swait.ge [sflag:s14], $0x2000  }
0xe8: {  	[sflag:s14] =	ssyncset.done $0x0  }
0xe9: {  	s10 =	sadd.s32 $0xA880, s11;
	[sflag:s14] =	ssyncadd.s32 $0xFFFFE000  }
0xea: {  	[tilespmem:s26], [sflag:$0x6] =	stream.indirect.gather [hbm4b:s4+s15], $0x40, s10, s15, $0xb8;
	[tilespmem:$0x1EE00] =	vst v63  }
0xeb: {  	_ =	swait.ge [sflag:s7], $0x2000  }
0xec: {  	[sflag:s7] =	ssyncset.done $0x0  }
.Ltmp0:
0xed: {  	s10 =	sadd.s32 $0xCD80, s11;
	[sflag:s7] =	ssyncadd.s32 $0xFFFFE000;
	(pc) =	sbr.rel @p0 .LBB2_2-.Ltmp0, $4  }
0xee: {  	[spmem:s2] =	stream.indirect.scatter.add.f32 [tilespmem:s1], [sflag:$0x10], $0x40, s10, s15, $0xb8;
	[tilespmem:$0x1EE00] =	vst v63  }
0xef: {  	_ =	swait.ge [sflag:s8], $0x2000  }
0xf0: {  	[sflag:s8] =	ssyncset.done $0x0  }
0xf1: {  	s11 =	sadd.s32 $0xA900, s11;
	[sflag:s8] =	ssyncadd.s32 $0xFFFFE000  }
0xf2: {  	[tilespmem:s29], [sflag:$0x7] =	stream.indirect.gather [hbm4b:s4+s15], $0x40, s11, s15, $0xb8;
	[tilespmem:$0x1EE00] =	vst v63  }
0xf3: {  	_ =	swait.ge [sflag:s9], $0x2000  }
0xf4: {  	[sflag:s9] =	ssyncset.done $0x0  }
0xf5: {  	s6 =	simm.s32 $0xC580;
	[sflag:s9] =	ssyncadd.s32 $0xFFFFE000  }
0xf6: {  	[tilespmem:s1], [sflag:$0x8] =	stream.indirect.gather [hbm4b:s4+s15], $0x40, s6, s15, $0xb8;
	[tilespmem:$0x1EE00] =	vst v63  }
0xf7: {  	_ =	swait.ge [sflag:s30], $0x2000  }
0xf8: {  	[sflag:s30] =	ssyncset.done $0x0  }
0xf9: {  	s10 =	simm.s32 $0xEA00;
	[sflag:s30] =	ssyncadd.s32 $0xFFFFE000  }
0xfa: {  	[spmem:s2] =	stream.indirect.scatter.add.f32 [tilespmem:s16], [sflag:$0x11], $0x40, s10, s15, $0xb8;
	[tilespmem:$0x1EE00] =	vst v63  }
0xfb: {  	_ =	swait.ge [sflag:s12], $0x2000  }
0xfc: {  	[sflag:s12] =	ssyncset.done $0x0  }
0xfd: {  	[sflag:s12] =	ssyncadd.s32 $0xFFFFE000  }
0xfe: {  	_ =	swait.ge [sflag:s0], $0x2000  }
0xff: {  	[sflag:s0] =	ssyncset.done $0x0  }
0x100: {  	s11 =	simm.s32 $0xEA80;
	[sflag:s0] =	ssyncadd.s32 $0xFFFFE000  }
0x101: {  	[spmem:s2] =	stream.indirect.scatter.add.f32 [tilespmem:s18], [sflag:$0x11], $0x40, s11, s15, $0xb8;
	[tilespmem:$0x1EE00] =	vst v63  }
0x102: {  	_ =	swait.ge [sflag:s12], $0x2000  }
0x103: {  	[sflag:s12] =	ssyncset.done $0x0  }
0x104: {  	[sflag:s12] =	ssyncadd.s32 $0xFFFFE000  }
0x105: {  	_ =	swait.ge [sflag:s23], $0x2000  }
0x106: {  	[sflag:s23] =	ssyncset.done $0x0  }
0x107: {  	s10 =	simm.s32 $0xEB00;
	[sflag:s23] =	ssyncadd.s32 $0xFFFFE000  }
0x108: {  	[spmem:s2] =	stream.indirect.scatter.add.f32 [tilespmem:s20], [sflag:$0x11], $0x40, s10, s15, $0xb8;
	[tilespmem:$0x1EE00] =	vst v63  }
0x109: {  	_ =	swait.ge [sflag:s12], $0x2000  }
0x10a: {  	[sflag:s12] =	ssyncset.done $0x0  }
0x10b: {  	[sflag:s12] =	ssyncadd.s32 $0xFFFFE000  }
0x10c: {  	_ =	swait.ge [sflag:s17], $0x2000  }
0x10d: {  	[sflag:s17] =	ssyncset.done $0x0  }
0x10e: {  	s11 =	simm.s32 $0xEB80;
	[sflag:s17] =	ssyncadd.s32 $0xFFFFE000  }
0x10f: {  	[spmem:s2] =	stream.indirect.scatter.add.f32 [tilespmem:s22], [sflag:$0x11], $0x40, s11, s15, $0xb8;
	[tilespmem:$0x1EE00] =	vst v63  }
0x110: {  	_ =	swait.ge [sflag:s12], $0x2000  }
0x111: {  	[sflag:s12] =	ssyncset.done $0x0  }
0x112: {  	[sflag:s12] =	ssyncadd.s32 $0xFFFFE000  }
0x113: {  	_ =	swait.ge [sflag:s21], $0x2000  }
0x114: {  	[sflag:s21] =	ssyncset.done $0x0  }
0x115: {  	s10 =	simm.s32 $0xEC00;
	[sflag:s21] =	ssyncadd.s32 $0xFFFFE000  }
0x116: {  	[spmem:s2] =	stream.indirect.scatter.add.f32 [tilespmem:s24], [sflag:$0x11], $0x40, s10, s15, $0xb8;
	[tilespmem:$0x1EE00] =	vst v63  }
0x117: {  	_ =	swait.ge [sflag:s12], $0x2000  }
0x118: {  	[sflag:s12] =	ssyncset.done $0x0  }
0x119: {  	[sflag:s12] =	ssyncadd.s32 $0xFFFFE000  }
0x11a: {  	_ =	swait.ge [sflag:s3], $0x2000  }
0x11b: {  	[sflag:s3] =	ssyncset.done $0x0  }
0x11c: {  	s11 =	simm.s32 $0xEC80;
	[sflag:s3] =	ssyncadd.s32 $0xFFFFE000  }
0x11d: {  	[spmem:s2] =	stream.indirect.scatter.add.f32 [tilespmem:s26], [sflag:$0x11], $0x40, s11, s15, $0xb8;
	[tilespmem:$0x1EE00] =	vst v63  }
0x11e: {  	_ =	swait.ge [sflag:s12], $0x2000  }
0x11f: {  	[sflag:s12] =	ssyncset.done $0x0  }
0x120: {  	[sflag:s12] =	ssyncadd.s32 $0xFFFFE000  }
0x121: {  	_ =	swait.ge [sflag:s13], $0x2000  }
0x122: {  	[sflag:s13] =	ssyncset.done $0x0  }
0x123: {  	s10 =	simm.s32 $0xED00;
	[sflag:s13] =	ssyncadd.s32 $0xFFFFE000  }
0x124: {  	[spmem:s2] =	stream.indirect.scatter.add.f32 [tilespmem:s29], [sflag:$0x11], $0x40, s10, s15, $0xb8;
	[tilespmem:$0x1EE00] =	vst v63  }
0x125: {  	_ =	swait.ge [sflag:s12], $0x2000  }
0x126: {  	[sflag:s12] =	ssyncset.done $0x0  }
0x127: {  	[sflag:s12] =	ssyncadd.s32 $0xFFFFE000  }
0x128: {  	_ =	swait.ge [sflag:s7], $0x2000  }
0x129: {  	[sflag:s7] =	ssyncset.done $0x0  }
0x12a: {  	s11 =	simm.s32 $0xED80;
	[sflag:s7] =	ssyncadd.s32 $0xFFFFE000  }
0x12b: {  	[spmem:s2] =	stream.indirect.scatter.add.f32 [tilespmem:s1], [sflag:$0x11], $0x40, s11, s15, $0xb8;
	[tilespmem:$0x1EE00] =	vst v63  }
0x12c: {  	_ =	swait.ge [sflag:s12], $0x2000  }
0x12d: {  	[sflag:s12] =	ssyncset.done $0x0  }
0x12e: {  	[sflag:s12] =	ssyncadd.s32 $0xFFFFE000  }
0x12f: {  	[bflag:$0x0] =	sbarrier.arrive $0xFFFF  }
0x130: {  	s10 =	rddreg [dreg:$0x4]  }
0x131: {  	s6 =	rddreg [dreg:$0x7]  }
0x132: {  	s11 =	rddreg [dreg:$0x9]  }
0x133: {  	[hbm:s6], [sflag:s10] =	dma.local [spmem:s11], $0x13C0  }
0x134: {  	_ =	swait.ge [sflag:s12], $0x13C0  }
0x135: {  	s6 =	simm.s32 $0x11;
	s12 =	rddreg [dreg:$0xa]  }
0x136: {  	[sflag:s6] =	ssyncset.done $0x0;
	s6 =	rddreg [dreg:$0x8];
	s12 =	sadd.s32 $0x1, s12  }
0x137: {  	p0 =	sne.s32 s12, s6  }
.Ltmp1:
0x138: {  	_ = 	snop;
	(pc) =	sbr.rel @p0 .LBB2_1-.Ltmp1, $3  }
0x139: {  	_ =	sdelay $0x1  }
0x13a: {  	[dreg:$0xa] =	wrdreg s12;
	s12 =	simm.s32 $0x11  }
0x13b: {  	[sflag:s12] =	ssyncadd.s32 $0xFFFFEC40  }
0x13c: {  	_ =	sfence.sel $0x180000  }
0x13d: {  	[bflag:$0x0] =	sbarrier.arrive $0xFFFF  }
0x13e: {  	_ =	strace $0x9000004A  }
0x13f: {  	s0 =	stileid.u32;
	[bflag:$0x2] =	sbarrier.arrive $0xFFFF  }
0x140: {  	p0 =	sne.s32 s0, $0x0;
	s0 =	rddreg [dreg:$0x2]  }
0x141: {  	s0 =	sadd.s32 @!p0 $0x100000, s0  }
0x142: {  	[sflag:s0] =	ssyncadd.tile.s32 @!p0 $0x1;
	_ =	shalt  }
.Lfunc_end2:
_tile_overlayer_lowered:
.L_overlay_start_2:
0x143: {  	(tag) =	ssettag $0x2  }
0x144: {  	s0 =	rddreg [dreg:$0x0];
	s2 =	stileid.u32  }
0x145: {  	s1 =	rddreg [dreg:$0x1];
	p0 =	sne.s32 s2, $0x0  }
0x146: {  	s3 =	rddreg [dreg:$0x2];
	[bflag:$0x3] =	sbarrier.arrive $0xFFFF;
	s2 =	simm.s32 @!p0 $0x1C11  }
0x147: {  	[timem:s3], [sflag:s2] =	dma.local @!p0 [hbm:s0], s1  }
0x148: {  	s0 =	simm.s32 @!p0 $0x11  }
0x149: {  	_ =	swait.ge @!p0 [sflag:s0], s1  }
0x14a: {  	s1 =	ssub.s32 @!p0 $0x0, s1;
	[sflag:s0] =	ssyncset.done @!p0 $0x0  }
0x14b: {  	[sflag:s0] =	ssyncadd.s32 @!p0 s1  }
0x14c: {  	[bflag:$0x3] =	sbarrier.arrive $0xFFFF  }
0x14d: {  	_ =	shalt  }

</sc_bundles>
